<compile_context>
chip_gen: v7x
topology: tpu7x:2x2x1
jax: 0.10.2.dev20260603
libtpu: 0.0.44.dev20260713+nightly
codegen_flags: <defaults>
</compile_context>

<pallas_src>
import functools

import jax
import jax.numpy as jnp
import numpy as np
from jax import lax
from jax.experimental import pallas as pl
from jax.experimental.pallas import tpu as pltpu
from jax.experimental.pallas import tpu_sc as plsc

Q_N = 10000
KV_N = 10000
N_EDGES = 160000
NUM_CH = 256
NUM_HEADS = 8
HEAD_DIM = NUM_CH // NUM_HEADS
SIM_SCALE = 1.0 / np.sqrt(NUM_CH)

_ROWS_BLK = 1000


def _proj_body(q_ref, k_ref, g_ref, b_ref, wqt_ref, bq_ref, wkt_ref, bk_ref,
               qp_ref, kp_ref):
    x = q_ref[...]
    mu = jnp.mean(x, axis=1, keepdims=True)
    var = jnp.mean((x - mu) ** 2, axis=1, keepdims=True)
    xn = (x - mu) * jax.lax.rsqrt(var + 1e-5) * g_ref[...] + b_ref[...]
    qp_ref[...] = (
        jnp.dot(xn, wqt_ref[...], preferred_element_type=jnp.float32) + bq_ref[...]
    )
    kp_ref[...] = (
        jnp.dot(k_ref[...], wkt_ref[...], preferred_element_type=jnp.float32)
        + bk_ref[...]
    )


def _project(q, k, ln_gamma, ln_beta, Wq, bq, Wk, bk):
    grid = (Q_N // _ROWS_BLK,)
    row_spec = pl.BlockSpec((_ROWS_BLK, NUM_CH), lambda i: (i, 0))
    full_spec = pl.BlockSpec((NUM_CH, NUM_CH), lambda i: (0, 0))
    vec_spec = pl.BlockSpec((1, NUM_CH), lambda i: (0, 0))
    return pl.pallas_call(
        _proj_body,
        grid=grid,
        in_specs=[row_spec, row_spec, vec_spec, vec_spec, full_spec, vec_spec,
                  full_spec, vec_spec],
        out_specs=[row_spec, row_spec],
        out_shape=[
            jax.ShapeDtypeStruct((Q_N, NUM_CH), jnp.float32),
            jax.ShapeDtypeStruct((KV_N, NUM_CH), jnp.float32),
        ],
    )(q, k, ln_gamma.reshape(1, NUM_CH), ln_beta.reshape(1, NUM_CH),
      Wq.T, bq.reshape(1, NUM_CH), Wk.T, bk.reshape(1, NUM_CH))


def _final_body(acc_ref, res_ref, wot_ref, bo_ref, out_ref):
    out_ref[...] = (
        jnp.dot(acc_ref[...], wot_ref[...], preferred_element_type=jnp.float32)
        + bo_ref[...]
        + res_ref[...]
    )


def _final(acc, residual, Wo, bo):
    grid = (Q_N // _ROWS_BLK,)
    row_spec = pl.BlockSpec((_ROWS_BLK, NUM_CH), lambda i: (i, 0))
    full_spec = pl.BlockSpec((NUM_CH, NUM_CH), lambda i: (0, 0))
    vec_spec = pl.BlockSpec((1, NUM_CH), lambda i: (0, 0))
    return pl.pallas_call(
        _final_body,
        grid=grid,
        in_specs=[row_spec, row_spec, full_spec, vec_spec],
        out_specs=row_spec,
        out_shape=jax.ShapeDtypeStruct((Q_N, NUM_CH), jnp.float32),
    )(acc, residual, Wo.T, bo.reshape(1, NUM_CH))



_NC = 2
_NS = 16
_NW = _NC * _NS
_CHUNK = 128
_NCHUNKS = N_EDGES // _CHUNK
_CPW = -(-_NCHUNKS // _NW)


def _lanes():
    return lax.broadcasted_iota(jnp.int32, (16,), 0)


def _sc_pass1(qp, kp, src3, dst3):
    mesh = plsc.VectorSubcoreMesh(core_axis_name="c", subcore_axis_name="s")

    @functools.partial(
        pl.kernel,
        out_type=[
            jax.ShapeDtypeStruct((_NCHUNKS, _CHUNK, NUM_HEADS), jnp.float32),
        ],
        mesh=mesh,
        scratch_types=[
            pltpu.VMEM((_CHUNK,), jnp.int32),
            pltpu.VMEM((_CHUNK,), jnp.int32),
            pltpu.VMEM((_CHUNK, NUM_CH), jnp.float32),
            pltpu.VMEM((_CHUNK, NUM_CH), jnp.float32),
            pltpu.VMEM((_CHUNK, NUM_HEADS), jnp.float32),
            pltpu.VMEM((16, 16), jnp.float32),
            pltpu.SemaphoreType.DMA,
            pltpu.SemaphoreType.DMA,
        ],
        compiler_params=pltpu.CompilerParams(needs_layout_passes=False),
    )
    def k1(qp_hbm, kp_hbm, src_hbm, dst_hbm, e_hbm,
           src_v, dst_v, qrows, krows, ebuf, sbuf, sem1, sem2):
        c = lax.axis_index("c")
        s = lax.axis_index("s")
        wid = s * _NC + c
        lane = _lanes()

        def chunk_body(j, _):
            cid = j * _NW + wid

            @pl.when(cid < _NCHUNKS)
            def _():
                _do_chunk(cid)
            return _

        def _do_chunk(cid):
            pltpu.sync_copy(src_hbm.at[cid], src_v)
            pltpu.sync_copy(dst_hbm.at[cid], dst_v)
            d1 = pltpu.async_copy(kp_hbm.at[src_v], krows, sem1)
            d2 = pltpu.async_copy(qp_hbm.at[dst_v], qrows, sem2)
            d1.wait()
            d2.wait()

            def pair_body(i, _):
                r0 = i * 2
                r1 = r0 + 1
                for h in range(NUM_HEADS):
                    o = h * HEAD_DIM
                    pa = (qrows[r0, pl.ds(o, 16)] * krows[r0, pl.ds(o, 16)]
                          + qrows[r0, pl.ds(o + 16, 16)] * krows[r0, pl.ds(o + 16, 16)])
                    pb = (qrows[r1, pl.ds(o, 16)] * krows[r1, pl.ds(o, 16)]
                          + qrows[r1, pl.ds(o + 16, 16)] * krows[r1, pl.ds(o + 16, 16)])
                    sbuf[h] = pa
                    sbuf[h + 8] = pb
                sv = jnp.zeros((16,), jnp.float32)
                for ccol in range(16):
                    sv = sv + plsc.load_gather(
                        sbuf, [lane, jnp.full((16,), ccol, jnp.int32)])
                ev = jnp.exp(sv * SIM_SCALE)
                rowi = jnp.where(lane < 8, r0, r1)
                coli = lax.bitwise_and(lane, 7)
                plsc.store_scatter(ebuf, [rowi, coli], ev)
                return _

            lax.fori_loop(0, _CHUNK // 2, pair_body, None)
            pltpu.sync_copy(ebuf, e_hbm.at[cid])

        lax.fori_loop(0, _CPW, chunk_body, None)

    return k1(qp, kp, src3, dst3)


def kernel(q, k, v, associations, ln_gamma, ln_beta, Wq, bq, Wk, bk, Wo, bo):
    q = q.astype(jnp.float32)
    k = k.astype(jnp.float32)
    qp, kp = _project(q, k, ln_gamma, ln_beta, Wq, bq, Wk, bk)
    src = associations[:, 0]
    dst = associations[:, 1]
    src3 = src.reshape(_NCHUNKS, _CHUNK)
    dst3 = dst.reshape(_NCHUNKS, _CHUNK)
    (E3,) = _sc_pass1(qp, kp, src3, dst3)
    E = E3.reshape(N_EDGES, NUM_HEADS)
    ws = jnp.full((Q_N, NUM_HEADS), 1e-8, jnp.float32).at[dst].add(E)
    weights = E / ws[dst]
    k_e = jnp.take(kp, src, axis=0).reshape(N_EDGES, NUM_HEADS, HEAD_DIM)
    v_e = (k_e * weights[..., None]).reshape(N_EDGES, NUM_CH)
    acc = jnp.zeros((Q_N, NUM_CH), dtype=jnp.float32).at[dst].add(v_e)
    out = _final(acc, q, Wo, bo)
    return out, weights[..., None]

# --- scband reference (transcript-rebuilt; emitter-appended) ---
"""Pipeline reference for scband-sparse-attention-22840636080900 (READ-ONLY COPY).

The authoritative reference and input builder live on the scoring server;
editing this copy changes nothing except your own understanding.
"""

import jax, jax.numpy as jnp
import numpy as np

Q_N = 10000
KV_N = 10000
N_EDGES = 160000
NUM_CH = 256
NUM_HEADS = 8
HEAD_DIM = NUM_CH // NUM_HEADS
SIM_SCALE = 1.0 / np.sqrt(NUM_CH)


def _layer_norm(x, gamma, beta, eps=1e-5):
    mu = x.mean(axis=-1, keepdims=True)
    var = x.var(axis=-1, keepdims=True)
    return (x - mu) / jnp.sqrt(var + eps) * gamma + beta


def setup_inputs(seed: int = 0) -> dict:
    key = jax.random.key(seed)
    ks = jax.random.split(key, 12)
    s = 1.0 / np.sqrt(NUM_CH)
    return {
        "q": jax.random.normal(ks[0], (Q_N, NUM_CH), jnp.float32),
        "k": jax.random.normal(ks[1], (KV_N, NUM_CH), jnp.float32),
        "v": jax.random.normal(ks[2], (KV_N, NUM_CH), jnp.float32),
        "associations": jax.random.randint(ks[3], (N_EDGES, 2), 0, Q_N, dtype=jnp.int32),
        "ln_gamma": jnp.ones((NUM_CH,), jnp.float32),
        "ln_beta": jnp.zeros((NUM_CH,), jnp.float32),
        "Wq": jax.random.uniform(ks[4], (NUM_CH, NUM_CH), jnp.float32, -s, s),
        "bq": jax.random.uniform(ks[5], (NUM_CH,), jnp.float32, -s, s),
        "Wk": jax.random.uniform(ks[6], (NUM_CH, NUM_CH), jnp.float32, -s, s),
        "bk": jax.random.uniform(ks[7], (NUM_CH,), jnp.float32, -s, s),
        "Wo": jax.random.uniform(ks[8], (NUM_CH, NUM_CH), jnp.float32, -s, s),
        "bo": jax.random.uniform(ks[9], (NUM_CH,), jnp.float32, -s, s),
    }


def reference(q, k, v, associations, ln_gamma, ln_beta, Wq, bq, Wk, bk, Wo, bo):
    # SparseAttention.forward_torch with same_kv=True, include_self=False,
    # reduce_query='none', norm_loc='pre', residual=True, eval mode (no drop_sim), bias=None.
    q = q.astype(jnp.float32)
    k = k.astype(jnp.float32)
    residual = q
    qn = _layer_norm(q, ln_gamma, ln_beta)
    qp = qn @ Wq.T + bq
    kp = k @ Wk.T + bk
    # v = k when same_kv
    src = associations[:, 0]
    dst = associations[:, 1]
    n = associations.shape[0]
    k_e = jnp.take(kp, src, axis=0).reshape(n, NUM_HEADS, HEAD_DIM)
    q_e = jnp.take(qp, dst, axis=0).reshape(n, NUM_HEADS, HEAD_DIM)
    sim = (q_e * k_e).sum(axis=-1) * SIM_SCALE
    max_sim = jnp.full((Q_N, NUM_HEADS), -jnp.inf, dtype=jnp.float32).at[dst].max(sim)
    sim = jnp.exp(sim - max_sim[dst])
    weights_sum = jnp.full((Q_N, NUM_HEADS), 1e-8, dtype=jnp.float32).at[dst].add(sim)
    weights = sim / weights_sum[dst]
    v_e = (k_e * weights[..., None]).reshape(n, NUM_CH)
    out = jnp.zeros((Q_N, NUM_CH), dtype=jnp.float32).at[dst].add(v_e)
    out = out @ Wo.T + bo
    out = out + residual
    return out, weights[..., None]


if False:  # reference __main__ guard neutralized (emitter)
    inp = setup_inputs()
    o, w = reference(**inp)
    print(o.shape, w.shape)

if __name__ == "__main__":
    import jax
    _d = setup_inputs()
    print(jax.jit(kernel)(*tuple(_d.values())))

</pallas_src>

<mosaic_0001>
#map = affine_map<(d0, d1) -> (0, 0)>
#map1 = affine_map<(d0, d1) -> (0, 0, 0)>
module attributes {stable_mosaic.version = 14 : i64} {
  func.func @k1(%arg0: i32, %arg1: i32, %arg2: memref<10000x256xf32, #tpu.memory_space<hbm>>, %arg3: memref<10000x256xf32, #tpu.memory_space<hbm>>, %arg4: memref<1250x128xi32, #tpu.memory_space<hbm>>, %arg5: memref<1250x128xi32, #tpu.memory_space<hbm>>, %arg6: memref<1250x128x8xf32, #tpu.memory_space<hbm>>, %arg7: memref<128xi32, #tpu.memory_space<vmem>>, %arg8: memref<128xi32, #tpu.memory_space<vmem>>, %arg9: memref<128x256xf32, #tpu.memory_space<vmem>>, %arg10: memref<128x256xf32, #tpu.memory_space<vmem>>, %arg11: memref<128x8xf32, #tpu.memory_space<vmem>>, %arg12: memref<16x16xf32, #tpu.memory_space<vmem>>, %arg13: memref<!tpu.dma_semaphore, #tpu.memory_space<semaphore_mem>>, %arg14: memref<!tpu.dma_semaphore, #tpu.memory_space<semaphore_mem>>) attributes {dimension_semantics = [#tpu.dimension_semantics<core_parallel>, #tpu.dimension_semantics<subcore_parallel>], iteration_bounds = array<i64: 2, 16>, scalar_prefetch = 0 : i64, scratch_operands = 8 : i64, tpu.core_type = #tpu.core_type<sc_vector_subcore>, window_params = [{transform_indices = #map}, {transform_indices = #map}, {transform_indices = #map}, {transform_indices = #map}, {transform_indices = #map1}]} {
    %mul3A = arith.constant 2 : i32
    %mul3A_0 = arith.muli %arg1, %mul3A : i32
    %add3A = arith.addi %mul3A_0, %arg0 : i32
    %iota3A = tpu.iota {dimensions = array<i32: 0>} : vector<16xi32>
    %scan3A = arith.constant 0 : i32
    %scan3A_1 = arith.constant 40 : i32
    %scan3A_2 = arith.addi %scan3A, %scan3A_1 : i32
    %scan3A_3 = arith.constant 1 : i32
    scf.for %scan3A_5 = %scan3A to %scan3A_2 step %scan3A_3  : i32 {
      %mul3A_6 = arith.constant 32 : i32
      %mul3A_7 = arith.muli %scan3A_5, %mul3A_6 : i32
      %add3A_8 = arith.addi %mul3A_7, %add3A : i32
      %lt3A = arith.constant 1250 : i32
      %lt3A_9 = arith.cmpi slt, %add3A_8, %lt3A : i32
      %convert_element_type3A = arith.extui %lt3A_9 : i1 to i32
      %cond3A = arith.constant 0 : i32
      %cond3A_10 = arith.cmpi ne, %convert_element_type3A, %cond3A : i32
      scf.if %cond3A_10 {
        "tpu.region"() ({
          %run_scoped3A = tpu.sem_alloc : memref<!tpu.dma_semaphore, #tpu.memory_space<semaphore_mem>>
          %dma_start3A_26 = arith.constant 0 : i32
          %dma_start3A_27 = tpu.memref_slice %arg4[%add3A_8, %dma_start3A_26] : memref<1250x128xi32, #tpu.memory_space<hbm>> -> memref<1x128xi32, #tpu.memory_space<hbm>>
          %dma_start3A_28 = tpu.memref_squeeze %dma_start3A_27 : memref<1x128xi32, #tpu.memory_space<hbm>> -> memref<128xi32, #tpu.memory_space<hbm>>
          %dma_start3A_29 = arith.constant 0 : i32
          %dma_start3A_30 = tpu.memref_slice %arg4[%add3A_8, %dma_start3A_29] : memref<1250x128xi32, #tpu.memory_space<hbm>> -> memref<1x128xi32, #tpu.memory_space<hbm>>
          %dma_start3A_31 = tpu.memref_squeeze %dma_start3A_30 : memref<1x128xi32, #tpu.memory_space<hbm>> -> memref<128xi32, #tpu.memory_space<hbm>>
          tpu.enqueue_dma source(%dma_start3A_31 : memref<128xi32, #tpu.memory_space<hbm>>) target(%arg7 : memref<128xi32, #tpu.memory_space<vmem>>) target_semaphore(%run_scoped3A : memref<!tpu.dma_semaphore, #tpu.memory_space<semaphore_mem>>)
          %dma_wait3A_32 = arith.constant 0 : i32
          %dma_wait3A_33 = tpu.memref_slice %arg4[%add3A_8, %dma_wait3A_32] : memref<1250x128xi32, #tpu.memory_space<hbm>> -> memref<1x128xi32, #tpu.memory_space<hbm>>
          %dma_wait3A_34 = tpu.memref_squeeze %dma_wait3A_33 : memref<1x128xi32, #tpu.memory_space<hbm>> -> memref<128xi32, #tpu.memory_space<hbm>>
          %dma_wait3A_35 = arith.constant 0 : i32
          %dma_wait3A_36 = tpu.memref_slice %arg4[%add3A_8, %dma_wait3A_35] : memref<1250x128xi32, #tpu.memory_space<hbm>> -> memref<1x128xi32, #tpu.memory_space<hbm>>
          %dma_wait3A_37 = tpu.memref_squeeze %dma_wait3A_36 : memref<1x128xi32, #tpu.memory_space<hbm>> -> memref<128xi32, #tpu.memory_space<hbm>>
          tpu.wait_dma2 semaphore(%run_scoped3A : memref<!tpu.dma_semaphore, #tpu.memory_space<semaphore_mem>>) src(%dma_wait3A_37 : memref<128xi32, #tpu.memory_space<hbm>>) dst(%arg7 : memref<128xi32, #tpu.memory_space<vmem>>)
          tpu.yield
        }) : () -> ()
        "tpu.region"() ({
          %run_scoped3A = tpu.sem_alloc : memref<!tpu.dma_semaphore, #tpu.memory_space<semaphore_mem>>
          %dma_start3A_26 = arith.constant 0 : i32
          %dma_start3A_27 = tpu.memref_slice %arg5[%add3A_8, %dma_start3A_26] : memref<1250x128xi32, #tpu.memory_space<hbm>> -> memref<1x128xi32, #tpu.memory_space<hbm>>
          %dma_start3A_28 = tpu.memref_squeeze %dma_start3A_27 : memref<1x128xi32, #tpu.memory_space<hbm>> -> memref<128xi32, #tpu.memory_space<hbm>>
          %dma_start3A_29 = arith.constant 0 : i32
          %dma_start3A_30 = tpu.memref_slice %arg5[%add3A_8, %dma_start3A_29] : memref<1250x128xi32, #tpu.memory_space<hbm>> -> memref<1x128xi32, #tpu.memory_space<hbm>>
          %dma_start3A_31 = tpu.memref_squeeze %dma_start3A_30 : memref<1x128xi32, #tpu.memory_space<hbm>> -> memref<128xi32, #tpu.memory_space<hbm>>
          tpu.enqueue_dma source(%dma_start3A_31 : memref<128xi32, #tpu.memory_space<hbm>>) target(%arg8 : memref<128xi32, #tpu.memory_space<vmem>>) target_semaphore(%run_scoped3A : memref<!tpu.dma_semaphore, #tpu.memory_space<semaphore_mem>>)
          %dma_wait3A_32 = arith.constant 0 : i32
          %dma_wait3A_33 = tpu.memref_slice %arg5[%add3A_8, %dma_wait3A_32] : memref<1250x128xi32, #tpu.memory_space<hbm>> -> memref<1x128xi32, #tpu.memory_space<hbm>>
          %dma_wait3A_34 = tpu.memref_squeeze %dma_wait3A_33 : memref<1x128xi32, #tpu.memory_space<hbm>> -> memref<128xi32, #tpu.memory_space<hbm>>
          %dma_wait3A_35 = arith.constant 0 : i32
          %dma_wait3A_36 = tpu.memref_slice %arg5[%add3A_8, %dma_wait3A_35] : memref<1250x128xi32, #tpu.memory_space<hbm>> -> memref<1x128xi32, #tpu.memory_space<hbm>>
          %dma_wait3A_37 = tpu.memref_squeeze %dma_wait3A_36 : memref<1x128xi32, #tpu.memory_space<hbm>> -> memref<128xi32, #tpu.memory_space<hbm>>
          tpu.wait_dma2 semaphore(%run_scoped3A : memref<!tpu.dma_semaphore, #tpu.memory_space<semaphore_mem>>) src(%dma_wait3A_37 : memref<128xi32, #tpu.memory_space<hbm>>) dst(%arg8 : memref<128xi32, #tpu.memory_space<vmem>>)
          tpu.yield
        }) : () -> ()
        %dma_start3A = arith.constant 0 : i32
        %dma_start3A_11 = arith.constant 0 : i32
        %dma_start3A_12 = tpu.memref_slice %arg3[%dma_start3A, %dma_start3A_11] : memref<10000x256xf32, #tpu.memory_space<hbm>> -> memref<10000x256xf32, #tpu.memory_space<hbm>>
        tpu.enqueue_indirect_dma source(%dma_start3A_12 : memref<10000x256xf32, #tpu.memory_space<hbm>>) target(%arg10 : memref<128x256xf32, #tpu.memory_space<vmem>>) offsets(%arg7 : memref<128xi32, #tpu.memory_space<vmem>>) semaphore(%arg13 : memref<!tpu.dma_semaphore, #tpu.memory_space<semaphore_mem>>)
        %dma_start3A_13 = arith.constant 0 : i32
        %dma_start3A_14 = arith.constant 0 : i32
        %dma_start3A_15 = tpu.memref_slice %arg2[%dma_start3A_13, %dma_start3A_14] : memref<10000x256xf32, #tpu.memory_space<hbm>> -> memref<10000x256xf32, #tpu.memory_space<hbm>>
        tpu.enqueue_indirect_dma source(%dma_start3A_15 : memref<10000x256xf32, #tpu.memory_space<hbm>>) target(%arg9 : memref<128x256xf32, #tpu.memory_space<vmem>>) offsets(%arg8 : memref<128xi32, #tpu.memory_space<vmem>>) semaphore(%arg14 : memref<!tpu.dma_semaphore, #tpu.memory_space<semaphore_mem>>)
        %dma_wait3A = arith.constant 0 : i32
        %dma_wait3A_16 = arith.constant 0 : i32
        %dma_wait3A_17 = tpu.memref_slice %arg3[%dma_wait3A, %dma_wait3A_16] : memref<10000x256xf32, #tpu.memory_space<hbm>> -> memref<10000x256xf32, #tpu.memory_space<hbm>>
        tpu.wait_indirect_dma semaphore(%arg13 : memref<!tpu.dma_semaphore, #tpu.memory_space<semaphore_mem>>) src(%dma_wait3A_17 : memref<10000x256xf32, #tpu.memory_space<hbm>>) dst(%arg10 : memref<128x256xf32, #tpu.memory_space<vmem>>)
        %dma_wait3A_18 = arith.constant 0 : i32
        %dma_wait3A_19 = arith.constant 0 : i32
        %dma_wait3A_20 = tpu.memref_slice %arg2[%dma_wait3A_18, %dma_wait3A_19] : memref<10000x256xf32, #tpu.memory_space<hbm>> -> memref<10000x256xf32, #tpu.memory_space<hbm>>
        tpu.wait_indirect_dma semaphore(%arg14 : memref<!tpu.dma_semaphore, #tpu.memory_space<semaphore_mem>>) src(%dma_wait3A_20 : memref<10000x256xf32, #tpu.memory_space<hbm>>) dst(%arg9 : memref<128x256xf32, #tpu.memory_space<vmem>>)
        %scan3A_21 = arith.constant 0 : i32
        %scan3A_22 = arith.constant 64 : i32
        %scan3A_23 = arith.addi %scan3A_21, %scan3A_22 : i32
        %scan3A_24 = arith.constant 1 : i32
        scf.for %scan3A_26 = %scan3A_21 to %scan3A_23 step %scan3A_24  : i32 {
          %mul3A_27 = arith.constant 2 : i32
          %mul3A_28 = arith.muli %scan3A_26, %mul3A_27 : i32
          %add3A_29 = arith.constant 1 : i32
          %add3A_30 = arith.addi %mul3A_28, %add3A_29 : i32
          %get3A = arith.index_cast %mul3A_28 : i32 to index
          %get3A_31 = arith.constant 0 : index
          %get3A_32 = tpu.vector_load %arg9[%get3A, %get3A_31] {strides = array<i32>} : memref<128x256xf32, #tpu.memory_space<vmem>>, vector<16xf32>,
          %get3A_33 = arith.index_cast %mul3A_28 : i32 to index
          %get3A_34 = arith.constant 0 : index
          %get3A_35 = tpu.vector_load %arg10[%get3A_33, %get3A_34] {strides = array<i32>} : memref<128x256xf32, #tpu.memory_space<vmem>>, vector<16xf32>,
          %mul3A_36 = arith.mulf %get3A_32, %get3A_35 : vector<16xf32>
          %get3A_37 = arith.index_cast %mul3A_28 : i32 to index
          %get3A_38 = arith.constant 16 : index
          %get3A_39 = tpu.vector_load %arg9[%get3A_37, %get3A_38] {strides = array<i32>} : memref<128x256xf32, #tpu.memory_space<vmem>>, vector<16xf32>,
          %get3A_40 = arith.index_cast %mul3A_28 : i32 to index
          %get3A_41 = arith.constant 16 : index
          %get3A_42 = tpu.vector_load %arg10[%get3A_40, %get3A_41] {strides = array<i32>} : memref<128x256xf32, #tpu.memory_space<vmem>>, vector<16xf32>,
          %mul3A_43 = arith.mulf %get3A_39, %get3A_42 : vector<16xf32>
          %add3A_44 = arith.addf %mul3A_36, %mul3A_43 : vector<16xf32>
          %get3A_45 = arith.index_cast %add3A_30 : i32 to index
          %get3A_46 = arith.constant 0 : index
          %get3A_47 = tpu.vector_load %arg9[%get3A_45, %get3A_46] {strides = array<i32>} : memref<128x256xf32, #tpu.memory_space<vmem>>, vector<16xf32>,
          %get3A_48 = arith.index_cast %add3A_30 : i32 to index
          %get3A_49 = arith.constant 0 : index
          %get3A_50 = tpu.vector_load %arg10[%get3A_48, %get3A_49] {strides = array<i32>} : memref<128x256xf32, #tpu.memory_space<vmem>>, vector<16xf32>,
          %mul3A_51 = arith.mulf %get3A_47, %get3A_50 : vector<16xf32>
          %get3A_52 = arith.index_cast %add3A_30 : i32 to index
          %get3A_53 = arith.constant 16 : index
          %get3A_54 = tpu.vector_load %arg9[%get3A_52, %get3A_53] {strides = array<i32>} : memref<128x256xf32, #tpu.memory_space<vmem>>, vector<16xf32>,
          %get3A_55 = arith.index_cast %add3A_30 : i32 to index
          %get3A_56 = arith.constant 16 : index
          %get3A_57 = tpu.vector_load %arg10[%get3A_55, %get3A_56] {strides = array<i32>} : memref<128x256xf32, #tpu.memory_space<vmem>>, vector<16xf32>,
          %mul3A_58 = arith.mulf %get3A_54, %get3A_57 : vector<16xf32>
          %add3A_59 = arith.addf %mul3A_51, %mul3A_58 : vector<16xf32>
          %swap3A = arith.constant 0 : i32
          %swap3A_60 = arith.index_cast %swap3A : i32 to index
          %swap3A_61 = arith.constant 0 : index
          %swap3A_62 = tpu.vector_load %arg12[%swap3A_60, %swap3A_61] {strides = array<i32>} : memref<16x16xf32, #tpu.memory_space<vmem>>, vector<16xf32>,
          tpu.vector_store %arg12[%swap3A_60, %swap3A_61], %add3A_44 {strides = array<i32>} : memref<16x16xf32, #tpu.memory_space<vmem>>, vector<16xf32>,
          %swap3A_63 = arith.constant 8 : i32
          %swap3A_64 = arith.index_cast %swap3A_63 : i32 to index
          %swap3A_65 = arith.constant 0 : index
          %swap3A_66 = tpu.vector_load %arg12[%swap3A_64, %swap3A_65] {strides = array<i32>} : memref<16x16xf32, #tpu.memory_space<vmem>>, vector<16xf32>,
          tpu.vector_store %arg12[%swap3A_64, %swap3A_65], %add3A_59 {strides = array<i32>} : memref<16x16xf32, #tpu.memory_space<vmem>>, vector<16xf32>,
          %get3A_67 = arith.index_cast %mul3A_28 : i32 to index
          %get3A_68 = arith.constant 32 : index
          %get3A_69 = tpu.vector_load %arg9[%get3A_67, %get3A_68] {strides = array<i32>} : memref<128x256xf32, #tpu.memory_space<vmem>>, vector<16xf32>,
          %get3A_70 = arith.index_cast %mul3A_28 : i32 to index
          %get3A_71 = arith.constant 32 : index
          %get3A_72 = tpu.vector_load %arg10[%get3A_70, %get3A_71] {strides = array<i32>} : memref<128x256xf32, #tpu.memory_space<vmem>>, vector<16xf32>,
          %mul3A_73 = arith.mulf %get3A_69, %get3A_72 : vector<16xf32>
          %get3A_74 = arith.index_cast %mul3A_28 : i32 to index
          %get3A_75 = arith.constant 48 : index
          %get3A_76 = tpu.vector_load %arg9[%get3A_74, %get3A_75] {strides = array<i32>} : memref<128x256xf32, #tpu.memory_space<vmem>>, vector<16xf32>,
          %get3A_77 = arith.index_cast %mul3A_28 : i32 to index
          %get3A_78 = arith.constant 48 : index
          %get3A_79 = tpu.vector_load %arg10[%get3A_77, %get3A_78] {strides = array<i32>} : memref<128x256xf32, #tpu.memory_space<vmem>>, vector<16xf32>,
          %mul3A_80 = arith.mulf %get3A_76, %get3A_79 : vector<16xf32>
          %add3A_81 = arith.addf %mul3A_73, %mul3A_80 : vector<16xf32>
          %get3A_82 = arith.index_cast %add3A_30 : i32 to index
          %get3A_83 = arith.constant 32 : index
          %get3A_84 = tpu.vector_load %arg9[%get3A_82, %get3A_83] {strides = array<i32>} : memref<128x256xf32, #tpu.memory_space<vmem>>, vector<16xf32>,
          %get3A_85 = arith.index_cast %add3A_30 : i32 to index
          %get3A_86 = arith.constant 32 : index
          %get3A_87 = tpu.vector_load %arg10[%get3A_85, %get3A_86] {strides = array<i32>} : memref<128x256xf32, #tpu.memory_space<vmem>>, vector<16xf32>,
          %mul3A_88 = arith.mulf %get3A_84, %get3A_87 : vector<16xf32>
          %get3A_89 = arith.index_cast %add3A_30 : i32 to index
          %get3A_90 = arith.constant 48 : index
          %get3A_91 = tpu.vector_load %arg9[%get3A_89, %get3A_90] {strides = array<i32>} : memref<128x256xf32, #tpu.memory_space<vmem>>, vector<16xf32>,
          %get3A_92 = arith.index_cast %add3A_30 : i32 to index
          %get3A_93 = arith.constant 48 : index
          %get3A_94 = tpu.vector_load %arg10[%get3A_92, %get3A_93] {strides = array<i32>} : memref<128x256xf32, #tpu.memory_space<vmem>>, vector<16xf32>,
          %mul3A_95 = arith.mulf %get3A_91, %get3A_94 : vector<16xf32>
          %add3A_96 = arith.addf %mul3A_88, %mul3A_95 : vector<16xf32>
          %swap3A_97 = arith.constant 1 : i32
          %swap3A_98 = arith.index_cast %swap3A_97 : i32 to index
          %swap3A_99 = arith.constant 0 : index
          %swap3A_100 = tpu.vector_load %arg12[%swap3A_98, %swap3A_99] {strides = array<i32>} : memref<16x16xf32, #tpu.memory_space<vmem>>, vector<16xf32>,
          tpu.vector_store %arg12[%swap3A_98, %swap3A_99], %add3A_81 {strides = array<i32>} : memref<16x16xf32, #tpu.memory_space<vmem>>, vector<16xf32>,
          %swap3A_101 = arith.constant 9 : i32
          %swap3A_102 = arith.index_cast %swap3A_101 : i32 to index
          %swap3A_103 = arith.constant 0 : index
          %swap3A_104 = tpu.vector_load %arg12[%swap3A_102, %swap3A_103] {strides = array<i32>} : memref<16x16xf32, #tpu.memory_space<vmem>>, vector<16xf32>,
          tpu.vector_store %arg12[%swap3A_102, %swap3A_103], %add3A_96 {strides = array<i32>} : memref<16x16xf32, #tpu.memory_space<vmem>>, vector<16xf32>,
          %get3A_105 = arith.index_cast %mul3A_28 : i32 to index
          %get3A_106 = arith.constant 64 : index
          %get3A_107 = tpu.vector_load %arg9[%get3A_105, %get3A_106] {strides = array<i32>} : memref<128x256xf32, #tpu.memory_space<vmem>>, vector<16xf32>,
          %get3A_108 = arith.index_cast %mul3A_28 : i32 to index
          %get3A_109 = arith.constant 64 : index
          %get3A_110 = tpu.vector_load %arg10[%get3A_108, %get3A_109] {strides = array<i32>} : memref<128x256xf32, #tpu.memory_space<vmem>>, vector<16xf32>,
          %mul3A_111 = arith.mulf %get3A_107, %get3A_110 : vector<16xf32>
          %get3A_112 = arith.index_cast %mul3A_28 : i32 to index
          %get3A_113 = arith.constant 80 : index
          %get3A_114 = tpu.vector_load %arg9[%get3A_112, %get3A_113] {strides = array<i32>} : memref<128x256xf32, #tpu.memory_space<vmem>>, vector<16xf32>,
          %get3A_115 = arith.index_cast %mul3A_28 : i32 to index
          %get3A_116 = arith.constant 80 : index
          %get3A_117 = tpu.vector_load %arg10[%get3A_115, %get3A_116] {strides = array<i32>} : memref<128x256xf32, #tpu.memory_space<vmem>>, vector<16xf32>,
          %mul3A_118 = arith.mulf %get3A_114, %get3A_117 : vector<16xf32>
          %add3A_119 = arith.addf %mul3A_111, %mul3A_118 : vector<16xf32>
          %get3A_120 = arith.index_cast %add3A_30 : i32 to index
          %get3A_121 = arith.constant 64 : index
          %get3A_122 = tpu.vector_load %arg9[%get3A_120, %get3A_121] {strides = array<i32>} : memref<128x256xf32, #tpu.memory_space<vmem>>, vector<16xf32>,
          %get3A_123 = arith.index_cast %add3A_30 : i32 to index
          %get3A_124 = arith.constant 64 : index
          %get3A_125 = tpu.vector_load %arg10[%get3A_123, %get3A_124] {strides = array<i32>} : memref<128x256xf32, #tpu.memory_space<vmem>>, vector<16xf32>,
          %mul3A_126 = arith.mulf %get3A_122, %get3A_125 : vector<16xf32>
          %get3A_127 = arith.index_cast %add3A_30 : i32 to index
          %get3A_128 = arith.constant 80 : index
          %get3A_129 = tpu.vector_load %arg9[%get3A_127, %get3A_128] {strides = array<i32>} : memref<128x256xf32, #tpu.memory_space<vmem>>, vector<16xf32>,
          %get3A_130 = arith.index_cast %add3A_30 : i32 to index
          %get3A_131 = arith.constant 80 : index
          %get3A_132 = tpu.vector_load %arg10[%get3A_130, %get3A_131] {strides = array<i32>} : memref<128x256xf32, #tpu.memory_space<vmem>>, vector<16xf32>,
          %mul3A_133 = arith.mulf %get3A_129, %get3A_132 : vector<16xf32>
          %add3A_134 = arith.addf %mul3A_126, %mul3A_133 : vector<16xf32>
          %swap3A_135 = arith.constant 2 : i32
          %swap3A_136 = arith.index_cast %swap3A_135 : i32 to index
          %swap3A_137 = arith.constant 0 : index
          %swap3A_138 = tpu.vector_load %arg12[%swap3A_136, %swap3A_137] {strides = array<i32>} : memref<16x16xf32, #tpu.memory_space<vmem>>, vector<16xf32>,
          tpu.vector_store %arg12[%swap3A_136, %swap3A_137], %add3A_119 {strides = array<i32>} : memref<16x16xf32, #tpu.memory_space<vmem>>, vector<16xf32>,
          %swap3A_139 = arith.constant 10 : i32
          %swap3A_140 = arith.index_cast %swap3A_139 : i32 to index
          %swap3A_141 = arith.constant 0 : index
          %swap3A_142 = tpu.vector_load %arg12[%swap3A_140, %swap3A_141] {strides = array<i32>} : memref<16x16xf32, #tpu.memory_space<vmem>>, vector<16xf32>,
          tpu.vector_store %arg12[%swap3A_140, %swap3A_141], %add3A_134 {strides = array<i32>} : memref<16x16xf32, #tpu.memory_space<vmem>>, vector<16xf32>,
          %get3A_143 = arith.index_cast %mul3A_28 : i32 to index
          %get3A_144 = arith.constant 96 : index
          %get3A_145 = tpu.vector_load %arg9[%get3A_143, %get3A_144] {strides = array<i32>} : memref<128x256xf32, #tpu.memory_space<vmem>>, vector<16xf32>,
          %get3A_146 = arith.index_cast %mul3A_28 : i32 to index
          %get3A_147 = arith.constant 96 : index
          %get3A_148 = tpu.vector_load %arg10[%get3A_146, %get3A_147] {strides = array<i32>} : memref<128x256xf32, #tpu.memory_space<vmem>>, vector<16xf32>,
          %mul3A_149 = arith.mulf %get3A_145, %get3A_148 : vector<16xf32>
          %get3A_150 = arith.index_cast %mul3A_28 : i32 to index
          %get3A_151 = arith.constant 112 : index
          %get3A_152 = tpu.vector_load %arg9[%get3A_150, %get3A_151] {strides = array<i32>} : memref<128x256xf32, #tpu.memory_space<vmem>>, vector<16xf32>,
          %get3A_153 = arith.index_cast %mul3A_28 : i32 to index
          %get3A_154 = arith.constant 112 : index
          %get3A_155 = tpu.vector_load %arg10[%get3A_153, %get3A_154] {strides = array<i32>} : memref<128x256xf32, #tpu.memory_space<vmem>>, vector<16xf32>,
          %mul3A_156 = arith.mulf %get3A_152, %get3A_155 : vector<16xf32>
          %add3A_157 = arith.addf %mul3A_149, %mul3A_156 : vector<16xf32>
          %get3A_158 = arith.index_cast %add3A_30 : i32 to index
          %get3A_159 = arith.constant 96 : index
          %get3A_160 = tpu.vector_load %arg9[%get3A_158, %get3A_159] {strides = array<i32>} : memref<128x256xf32, #tpu.memory_space<vmem>>, vector<16xf32>,
          %get3A_161 = arith.index_cast %add3A_30 : i32 to index
          %get3A_162 = arith.constant 96 : index
          %get3A_163 = tpu.vector_load %arg10[%get3A_161, %get3A_162] {strides = array<i32>} : memref<128x256xf32, #tpu.memory_space<vmem>>, vector<16xf32>,
          %mul3A_164 = arith.mulf %get3A_160, %get3A_163 : vector<16xf32>
          %get3A_165 = arith.index_cast %add3A_30 : i32 to index
          %get3A_166 = arith.constant 112 : index
          %get3A_167 = tpu.vector_load %arg9[%get3A_165, %get3A_166] {strides = array<i32>} : memref<128x256xf32, #tpu.memory_space<vmem>>, vector<16xf32>,
          %get3A_168 = arith.index_cast %add3A_30 : i32 to index
          %get3A_169 = arith.constant 112 : index
          %get3A_170 = tpu.vector_load %arg10[%get3A_168, %get3A_169] {strides = array<i32>} : memref<128x256xf32, #tpu.memory_space<vmem>>, vector<16xf32>,
          %mul3A_171 = arith.mulf %get3A_167, %get3A_170 : vector<16xf32>
          %add3A_172 = arith.addf %mul3A_164, %mul3A_171 : vector<16xf32>
          %swap3A_173 = arith.constant 3 : i32
          %swap3A_174 = arith.index_cast %swap3A_173 : i32 to index
          %swap3A_175 = arith.constant 0 : index
          %swap3A_176 = tpu.vector_load %arg12[%swap3A_174, %swap3A_175] {strides = array<i32>} : memref<16x16xf32, #tpu.memory_space<vmem>>, vector<16xf32>,
          tpu.vector_store %arg12[%swap3A_174, %swap3A_175], %add3A_157 {strides = array<i32>} : memref<16x16xf32, #tpu.memory_space<vmem>>, vector<16xf32>,
          %swap3A_177 = arith.constant 11 : i32
          %swap3A_178 = arith.index_cast %swap3A_177 : i32 to index
          %swap3A_179 = arith.constant 0 : index
          %swap3A_180 = tpu.vector_load %arg12[%swap3A_178, %swap3A_179] {strides = array<i32>} : memref<16x16xf32, #tpu.memory_space<vmem>>, vector<16xf32>,
          tpu.vector_store %arg12[%swap3A_178, %swap3A_179], %add3A_172 {strides = array<i32>} : memref<16x16xf32, #tpu.memory_space<vmem>>, vector<16xf32>,
          %get3A_181 = arith.index_cast %mul3A_28 : i32 to index
          %get3A_182 = arith.constant 128 : index
          %get3A_183 = tpu.vector_load %arg9[%get3A_181, %get3A_182] {strides = array<i32>} : memref<128x256xf32, #tpu.memory_space<vmem>>, vector<16xf32>,
          %get3A_184 = arith.index_cast %mul3A_28 : i32 to index
          %get3A_185 = arith.constant 128 : index
          %get3A_186 = tpu.vector_load %arg10[%get3A_184, %get3A_185] {strides = array<i32>} : memref<128x256xf32, #tpu.memory_space<vmem>>, vector<16xf32>,
          %mul3A_187 = arith.mulf %get3A_183, %get3A_186 : vector<16xf32>
          %get3A_188 = arith.index_cast %mul3A_28 : i32 to index
          %get3A_189 = arith.constant 144 : index
          %get3A_190 = tpu.vector_load %arg9[%get3A_188, %get3A_189] {strides = array<i32>} : memref<128x256xf32, #tpu.memory_space<vmem>>, vector<16xf32>,
          %get3A_191 = arith.index_cast %mul3A_28 : i32 to index
          %get3A_192 = arith.constant 144 : index
          %get3A_193 = tpu.vector_load %arg10[%get3A_191, %get3A_192] {strides = array<i32>} : memref<128x256xf32, #tpu.memory_space<vmem>>, vector<16xf32>,
          %mul3A_194 = arith.mulf %get3A_190, %get3A_193 : vector<16xf32>
          %add3A_195 = arith.addf %mul3A_187, %mul3A_194 : vector<16xf32>
          %get3A_196 = arith.index_cast %add3A_30 : i32 to index
          %get3A_197 = arith.constant 128 : index
          %get3A_198 = tpu.vector_load %arg9[%get3A_196, %get3A_197] {strides = array<i32>} : memref<128x256xf32, #tpu.memory_space<vmem>>, vector<16xf32>,
          %get3A_199 = arith.index_cast %add3A_30 : i32 to index
          %get3A_200 = arith.constant 128 : index
          %get3A_201 = tpu.vector_load %arg10[%get3A_199, %get3A_200] {strides = array<i32>} : memref<128x256xf32, #tpu.memory_space<vmem>>, vector<16xf32>,
          %mul3A_202 = arith.mulf %get3A_198, %get3A_201 : vector<16xf32>
          %get3A_203 = arith.index_cast %add3A_30 : i32 to index
          %get3A_204 = arith.constant 144 : index
          %get3A_205 = tpu.vector_load %arg9[%get3A_203, %get3A_204] {strides = array<i32>} : memref<128x256xf32, #tpu.memory_space<vmem>>, vector<16xf32>,
          %get3A_206 = arith.index_cast %add3A_30 : i32 to index
          %get3A_207 = arith.constant 144 : index
          %get3A_208 = tpu.vector_load %arg10[%get3A_206, %get3A_207] {strides = array<i32>} : memref<128x256xf32, #tpu.memory_space<vmem>>, vector<16xf32>,
          %mul3A_209 = arith.mulf %get3A_205, %get3A_208 : vector<16xf32>
          %add3A_210 = arith.addf %mul3A_202, %mul3A_209 : vector<16xf32>
          %swap3A_211 = arith.constant 4 : i32
          %swap3A_212 = arith.index_cast %swap3A_211 : i32 to index
          %swap3A_213 = arith.constant 0 : index
          %swap3A_214 = tpu.vector_load %arg12[%swap3A_212, %swap3A_213] {strides = array<i32>} : memref<16x16xf32, #tpu.memory_space<vmem>>, vector<16xf32>,
          tpu.vector_store %arg12[%swap3A_212, %swap3A_213], %add3A_195 {strides = array<i32>} : memref<16x16xf32, #tpu.memory_space<vmem>>, vector<16xf32>,
          %swap3A_215 = arith.constant 12 : i32
          %swap3A_216 = arith.index_cast %swap3A_215 : i32 to index
          %swap3A_217 = arith.constant 0 : index
          %swap3A_218 = tpu.vector_load %arg12[%swap3A_216, %swap3A_217] {strides = array<i32>} : memref<16x16xf32, #tpu.memory_space<vmem>>, vector<16xf32>,
          tpu.vector_store %arg12[%swap3A_216, %swap3A_217], %add3A_210 {strides = array<i32>} : memref<16x16xf32, #tpu.memory_space<vmem>>, vector<16xf32>,
          %get3A_219 = arith.index_cast %mul3A_28 : i32 to index
          %get3A_220 = arith.constant 160 : index
          %get3A_221 = tpu.vector_load %arg9[%get3A_219, %get3A_220] {strides = array<i32>} : memref<128x256xf32, #tpu.memory_space<vmem>>, vector<16xf32>,
          %get3A_222 = arith.index_cast %mul3A_28 : i32 to index
          %get3A_223 = arith.constant 160 : index
          %get3A_224 = tpu.vector_load %arg10[%get3A_222, %get3A_223] {strides = array<i32>} : memref<128x256xf32, #tpu.memory_space<vmem>>, vector<16xf32>,
          %mul3A_225 = arith.mulf %get3A_221, %get3A_224 : vector<16xf32>
          %get3A_226 = arith.index_cast %mul3A_28 : i32 to index
          %get3A_227 = arith.constant 176 : index
          %get3A_228 = tpu.vector_load %arg9[%get3A_226, %get3A_227] {strides = array<i32>} : memref<128x256xf32, #tpu.memory_space<vmem>>, vector<16xf32>,
          %get3A_229 = arith.index_cast %mul3A_28 : i32 to index
          %get3A_230 = arith.constant 176 : index
          %get3A_231 = tpu.vector_load %arg10[%get3A_229, %get3A_230] {strides = array<i32>} : memref<128x256xf32, #tpu.memory_space<vmem>>, vector<16xf32>,
          %mul3A_232 = arith.mulf %get3A_228, %get3A_231 : vector<16xf32>
          %add3A_233 = arith.addf %mul3A_225, %mul3A_232 : vector<16xf32>
          %get3A_234 = arith.index_cast %add3A_30 : i32 to index
          %get3A_235 = arith.constant 160 : index
          %get3A_236 = tpu.vector_load %arg9[%get3A_234, %get3A_235] {strides = array<i32>} : memref<128x256xf32, #tpu.memory_space<vmem>>, vector<16xf32>,
          %get3A_237 = arith.index_cast %add3A_30 : i32 to index
          %get3A_238 = arith.constant 160 : index
          %get3A_239 = tpu.vector_load %arg10[%get3A_237, %get3A_238] {strides = array<i32>} : memref<128x256xf32, #tpu.memory_space<vmem>>, vector<16xf32>,
          %mul3A_240 = arith.mulf %get3A_236, %get3A_239 : vector<16xf32>
          %get3A_241 = arith.index_cast %add3A_30 : i32 to index
          %get3A_242 = arith.constant 176 : index
          %get3A_243 = tpu.vector_load %arg9[%get3A_241, %get3A_242] {strides = array<i32>} : memref<128x256xf32, #tpu.memory_space<vmem>>, vector<16xf32>,
          %get3A_244 = arith.index_cast %add3A_30 : i32 to index
          %get3A_245 = arith.constant 176 : index
          %get3A_246 = tpu.vector_load %arg10[%get3A_244, %get3A_245] {strides = array<i32>} : memref<128x256xf32, #tpu.memory_space<vmem>>, vector<16xf32>,
          %mul3A_247 = arith.mulf %get3A_243, %get3A_246 : vector<16xf32>
          %add3A_248 = arith.addf %mul3A_240, %mul3A_247 : vector<16xf32>
          %swap3A_249 = arith.constant 5 : i32
          %swap3A_250 = arith.index_cast %swap3A_249 : i32 to index
          %swap3A_251 = arith.constant 0 : index
          %swap3A_252 = tpu.vector_load %arg12[%swap3A_250, %swap3A_251] {strides = array<i32>} : memref<16x16xf32, #tpu.memory_space<vmem>>, vector<16xf32>,
          tpu.vector_store %arg12[%swap3A_250, %swap3A_251], %add3A_233 {strides = array<i32>} : memref<16x16xf32, #tpu.memory_space<vmem>>, vector<16xf32>,
          %swap3A_253 = arith.constant 13 : i32
          %swap3A_254 = arith.index_cast %swap3A_253 : i32 to index
          %swap3A_255 = arith.constant 0 : index
          %swap3A_256 = tpu.vector_load %arg12[%swap3A_254, %swap3A_255] {strides = array<i32>} : memref<16x16xf32, #tpu.memory_space<vmem>>, vector<16xf32>,
          tpu.vector_store %arg12[%swap3A_254, %swap3A_255], %add3A_248 {strides = array<i32>} : memref<16x16xf32, #tpu.memory_space<vmem>>, vector<16xf32>,
          %get3A_257 = arith.index_cast %mul3A_28 : i32 to index
          %get3A_258 = arith.constant 192 : index
          %get3A_259 = tpu.vector_load %arg9[%get3A_257, %get3A_258] {strides = array<i32>} : memref<128x256xf32, #tpu.memory_space<vmem>>, vector<16xf32>,
          %get3A_260 = arith.index_cast %mul3A_28 : i32 to index
          %get3A_261 = arith.constant 192 : index
          %get3A_262 = tpu.vector_load %arg10[%get3A_260, %get3A_261] {strides = array<i32>} : memref<128x256xf32, #tpu.memory_space<vmem>>, vector<16xf32>,
          %mul3A_263 = arith.mulf %get3A_259, %get3A_262 : vector<16xf32>
          %get3A_264 = arith.index_cast %mul3A_28 : i32 to index
          %get3A_265 = arith.constant 208 : index
          %get3A_266 = tpu.vector_load %arg9[%get3A_264, %get3A_265] {strides = array<i32>} : memref<128x256xf32, #tpu.memory_space<vmem>>, vector<16xf32>,
          %get3A_267 = arith.index_cast %mul3A_28 : i32 to index
          %get3A_268 = arith.constant 208 : index
          %get3A_269 = tpu.vector_load %arg10[%get3A_267, %get3A_268] {strides = array<i32>} : memref<128x256xf32, #tpu.memory_space<vmem>>, vector<16xf32>,
          %mul3A_270 = arith.mulf %get3A_266, %get3A_269 : vector<16xf32>
          %add3A_271 = arith.addf %mul3A_263, %mul3A_270 : vector<16xf32>
          %get3A_272 = arith.index_cast %add3A_30 : i32 to index
          %get3A_273 = arith.constant 192 : index
          %get3A_274 = tpu.vector_load %arg9[%get3A_272, %get3A_273] {strides = array<i32>} : memref<128x256xf32, #tpu.memory_space<vmem>>, vector<16xf32>,
          %get3A_275 = arith.index_cast %add3A_30 : i32 to index
          %get3A_276 = arith.constant 192 : index
          %get3A_277 = tpu.vector_load %arg10[%get3A_275, %get3A_276] {strides = array<i32>} : memref<128x256xf32, #tpu.memory_space<vmem>>, vector<16xf32>,
          %mul3A_278 = arith.mulf %get3A_274, %get3A_277 : vector<16xf32>
          %get3A_279 = arith.index_cast %add3A_30 : i32 to index
          %get3A_280 = arith.constant 208 : index
          %get3A_281 = tpu.vector_load %arg9[%get3A_279, %get3A_280] {strides = array<i32>} : memref<128x256xf32, #tpu.memory_space<vmem>>, vector<16xf32>,
          %get3A_282 = arith.index_cast %add3A_30 : i32 to index
          %get3A_283 = arith.constant 208 : index
          %get3A_284 = tpu.vector_load %arg10[%get3A_282, %get3A_283] {strides = array<i32>} : memref<128x256xf32, #tpu.memory_space<vmem>>, vector<16xf32>,
          %mul3A_285 = arith.mulf %get3A_281, %get3A_284 : vector<16xf32>
          %add3A_286 = arith.addf %mul3A_278, %mul3A_285 : vector<16xf32>
          %swap3A_287 = arith.constant 6 : i32
          %swap3A_288 = arith.index_cast %swap3A_287 : i32 to index
          %swap3A_289 = arith.constant 0 : index
          %swap3A_290 = tpu.vector_load %arg12[%swap3A_288, %swap3A_289] {strides = array<i32>} : memref<16x16xf32, #tpu.memory_space<vmem>>, vector<16xf32>,
          tpu.vector_store %arg12[%swap3A_288, %swap3A_289], %add3A_271 {strides = array<i32>} : memref<16x16xf32, #tpu.memory_space<vmem>>, vector<16xf32>,
          %swap3A_291 = arith.constant 14 : i32
          %swap3A_292 = arith.index_cast %swap3A_291 : i32 to index
          %swap3A_293 = arith.constant 0 : index
          %swap3A_294 = tpu.vector_load %arg12[%swap3A_292, %swap3A_293] {strides = array<i32>} : memref<16x16xf32, #tpu.memory_space<vmem>>, vector<16xf32>,
          tpu.vector_store %arg12[%swap3A_292, %swap3A_293], %add3A_286 {strides = array<i32>} : memref<16x16xf32, #tpu.memory_space<vmem>>, vector<16xf32>,
          %get3A_295 = arith.index_cast %mul3A_28 : i32 to index
          %get3A_296 = arith.constant 224 : index
          %get3A_297 = tpu.vector_load %arg9[%get3A_295, %get3A_296] {strides = array<i32>} : memref<128x256xf32, #tpu.memory_space<vmem>>, vector<16xf32>,
          %get3A_298 = arith.index_cast %mul3A_28 : i32 to index
          %get3A_299 = arith.constant 224 : index
          %get3A_300 = tpu.vector_load %arg10[%get3A_298, %get3A_299] {strides = array<i32>} : memref<128x256xf32, #tpu.memory_space<vmem>>, vector<16xf32>,
          %mul3A_301 = arith.mulf %get3A_297, %get3A_300 : vector<16xf32>
          %get3A_302 = arith.index_cast %mul3A_28 : i32 to index
          %get3A_303 = arith.constant 240 : index
          %get3A_304 = tpu.vector_load %arg9[%get3A_302, %get3A_303] {strides = array<i32>} : memref<128x256xf32, #tpu.memory_space<vmem>>, vector<16xf32>,
          %get3A_305 = arith.index_cast %mul3A_28 : i32 to index
          %get3A_306 = arith.constant 240 : index
          %get3A_307 = tpu.vector_load %arg10[%get3A_305, %get3A_306] {strides = array<i32>} : memref<128x256xf32, #tpu.memory_space<vmem>>, vector<16xf32>,
          %mul3A_308 = arith.mulf %get3A_304, %get3A_307 : vector<16xf32>
          %add3A_309 = arith.addf %mul3A_301, %mul3A_308 : vector<16xf32>
          %get3A_310 = arith.index_cast %add3A_30 : i32 to index
          %get3A_311 = arith.constant 224 : index
          %get3A_312 = tpu.vector_load %arg9[%get3A_310, %get3A_311] {strides = array<i32>} : memref<128x256xf32, #tpu.memory_space<vmem>>, vector<16xf32>,
          %get3A_313 = arith.index_cast %add3A_30 : i32 to index
          %get3A_314 = arith.constant 224 : index
          %get3A_315 = tpu.vector_load %arg10[%get3A_313, %get3A_314] {strides = array<i32>} : memref<128x256xf32, #tpu.memory_space<vmem>>, vector<16xf32>,
          %mul3A_316 = arith.mulf %get3A_312, %get3A_315 : vector<16xf32>
          %get3A_317 = arith.index_cast %add3A_30 : i32 to index
          %get3A_318 = arith.constant 240 : index
          %get3A_319 = tpu.vector_load %arg9[%get3A_317, %get3A_318] {strides = array<i32>} : memref<128x256xf32, #tpu.memory_space<vmem>>, vector<16xf32>,
          %get3A_320 = arith.index_cast %add3A_30 : i32 to index
          %get3A_321 = arith.constant 240 : index
          %get3A_322 = tpu.vector_load %arg10[%get3A_320, %get3A_321] {strides = array<i32>} : memref<128x256xf32, #tpu.memory_space<vmem>>, vector<16xf32>,
          %mul3A_323 = arith.mulf %get3A_319, %get3A_322 : vector<16xf32>
          %add3A_324 = arith.addf %mul3A_316, %mul3A_323 : vector<16xf32>
          %swap3A_325 = arith.constant 7 : i32
          %swap3A_326 = arith.index_cast %swap3A_325 : i32 to index
          %swap3A_327 = arith.constant 0 : index
          %swap3A_328 = tpu.vector_load %arg12[%swap3A_326, %swap3A_327] {strides = array<i32>} : memref<16x16xf32, #tpu.memory_space<vmem>>, vector<16xf32>,
          tpu.vector_store %arg12[%swap3A_326, %swap3A_327], %add3A_309 {strides = array<i32>} : memref<16x16xf32, #tpu.memory_space<vmem>>, vector<16xf32>,
          %swap3A_329 = arith.constant 15 : i32
          %swap3A_330 = arith.index_cast %swap3A_329 : i32 to index
          %swap3A_331 = arith.constant 0 : index
          %swap3A_332 = tpu.vector_load %arg12[%swap3A_330, %swap3A_331] {strides = array<i32>} : memref<16x16xf32, #tpu.memory_space<vmem>>, vector<16xf32>,
          tpu.vector_store %arg12[%swap3A_330, %swap3A_331], %add3A_324 {strides = array<i32>} : memref<16x16xf32, #tpu.memory_space<vmem>>, vector<16xf32>,
          %broadcast_in_dim3A = arith.constant 0.000000e+00 : f32
          %broadcast_in_dim3A_333 = vector.broadcast %broadcast_in_dim3A : f32 to vector<16xf32>
          %broadcast_in_dim3A_334 = arith.constant 0 : i32
          %broadcast_in_dim3A_335 = vector.broadcast %broadcast_in_dim3A_334 : i32 to vector<16xi32>
          %gather3A = tpu.vector_load_idx %arg12[%iota3A, %broadcast_in_dim3A_335] : memref<16x16xf32, #tpu.memory_space<vmem>>[vector<16xi32>, vector<16xi32>], vector<16xf32>,
          %add3A_336 = arith.addf %broadcast_in_dim3A_333, %gather3A : vector<16xf32>
          %broadcast_in_dim3A_337 = arith.constant 1 : i32
          %broadcast_in_dim3A_338 = vector.broadcast %broadcast_in_dim3A_337 : i32 to vector<16xi32>
          %gather3A_339 = tpu.vector_load_idx %arg12[%iota3A, %broadcast_in_dim3A_338] : memref<16x16xf32, #tpu.memory_space<vmem>>[vector<16xi32>, vector<16xi32>], vector<16xf32>,
          %add3A_340 = arith.addf %add3A_336, %gather3A_339 : vector<16xf32>
          %broadcast_in_dim3A_341 = arith.constant 2 : i32
          %broadcast_in_dim3A_342 = vector.broadcast %broadcast_in_dim3A_341 : i32 to vector<16xi32>
          %gather3A_343 = tpu.vector_load_idx %arg12[%iota3A, %broadcast_in_dim3A_342] : memref<16x16xf32, #tpu.memory_space<vmem>>[vector<16xi32>, vector<16xi32>], vector<16xf32>,
          %add3A_344 = arith.addf %add3A_340, %gather3A_343 : vector<16xf32>
          %broadcast_in_dim3A_345 = arith.constant 3 : i32
          %broadcast_in_dim3A_346 = vector.broadcast %broadcast_in_dim3A_345 : i32 to vector<16xi32>
          %gather3A_347 = tpu.vector_load_idx %arg12[%iota3A, %broadcast_in_dim3A_346] : memref<16x16xf32, #tpu.memory_space<vmem>>[vector<16xi32>, vector<16xi32>], vector<16xf32>,
          %add3A_348 = arith.addf %add3A_344, %gather3A_347 : vector<16xf32>
          %broadcast_in_dim3A_349 = arith.constant 4 : i32
          %broadcast_in_dim3A_350 = vector.broadcast %broadcast_in_dim3A_349 : i32 to vector<16xi32>
          %gather3A_351 = tpu.vector_load_idx %arg12[%iota3A, %broadcast_in_dim3A_350] : memref<16x16xf32, #tpu.memory_space<vmem>>[vector<16xi32>, vector<16xi32>], vector<16xf32>,
          %add3A_352 = arith.addf %add3A_348, %gather3A_351 : vector<16xf32>
          %broadcast_in_dim3A_353 = arith.constant 5 : i32
          %broadcast_in_dim3A_354 = vector.broadcast %broadcast_in_dim3A_353 : i32 to vector<16xi32>
          %gather3A_355 = tpu.vector_load_idx %arg12[%iota3A, %broadcast_in_dim3A_354] : memref<16x16xf32, #tpu.memory_space<vmem>>[vector<16xi32>, vector<16xi32>], vector<16xf32>,
          %add3A_356 = arith.addf %add3A_352, %gather3A_355 : vector<16xf32>
          %broadcast_in_dim3A_357 = arith.constant 6 : i32
          %broadcast_in_dim3A_358 = vector.broadcast %broadcast_in_dim3A_357 : i32 to vector<16xi32>
          %gather3A_359 = tpu.vector_load_idx %arg12[%iota3A, %broadcast_in_dim3A_358] : memref<16x16xf32, #tpu.memory_space<vmem>>[vector<16xi32>, vector<16xi32>], vector<16xf32>,
          %add3A_360 = arith.addf %add3A_356, %gather3A_359 : vector<16xf32>
          %broadcast_in_dim3A_361 = arith.constant 7 : i32
          %broadcast_in_dim3A_362 = vector.broadcast %broadcast_in_dim3A_361 : i32 to vector<16xi32>
          %gather3A_363 = tpu.vector_load_idx %arg12[%iota3A, %broadcast_in_dim3A_362] : memref<16x16xf32, #tpu.memory_space<vmem>>[vector<16xi32>, vector<16xi32>], vector<16xf32>,
          %add3A_364 = arith.addf %add3A_360, %gather3A_363 : vector<16xf32>
          %broadcast_in_dim3A_365 = arith.constant 8 : i32
          %broadcast_in_dim3A_366 = vector.broadcast %broadcast_in_dim3A_365 : i32 to vector<16xi32>
          %gather3A_367 = tpu.vector_load_idx %arg12[%iota3A, %broadcast_in_dim3A_366] : memref<16x16xf32, #tpu.memory_space<vmem>>[vector<16xi32>, vector<16xi32>], vector<16xf32>,
          %add3A_368 = arith.addf %add3A_364, %gather3A_367 : vector<16xf32>
          %broadcast_in_dim3A_369 = arith.constant 9 : i32
          %broadcast_in_dim3A_370 = vector.broadcast %broadcast_in_dim3A_369 : i32 to vector<16xi32>
          %gather3A_371 = tpu.vector_load_idx %arg12[%iota3A, %broadcast_in_dim3A_370] : memref<16x16xf32, #tpu.memory_space<vmem>>[vector<16xi32>, vector<16xi32>], vector<16xf32>,
          %add3A_372 = arith.addf %add3A_368, %gather3A_371 : vector<16xf32>
          %broadcast_in_dim3A_373 = arith.constant 10 : i32
          %broadcast_in_dim3A_374 = vector.broadcast %broadcast_in_dim3A_373 : i32 to vector<16xi32>
          %gather3A_375 = tpu.vector_load_idx %arg12[%iota3A, %broadcast_in_dim3A_374] : memref<16x16xf32, #tpu.memory_space<vmem>>[vector<16xi32>, vector<16xi32>], vector<16xf32>,
          %add3A_376 = arith.addf %add3A_372, %gather3A_375 : vector<16xf32>
          %broadcast_in_dim3A_377 = arith.constant 11 : i32
          %broadcast_in_dim3A_378 = vector.broadcast %broadcast_in_dim3A_377 : i32 to vector<16xi32>
          %gather3A_379 = tpu.vector_load_idx %arg12[%iota3A, %broadcast_in_dim3A_378] : memref<16x16xf32, #tpu.memory_space<vmem>>[vector<16xi32>, vector<16xi32>], vector<16xf32>,
          %add3A_380 = arith.addf %add3A_376, %gather3A_379 : vector<16xf32>
          %broadcast_in_dim3A_381 = arith.constant 12 : i32
          %broadcast_in_dim3A_382 = vector.broadcast %broadcast_in_dim3A_381 : i32 to vector<16xi32>
          %gather3A_383 = tpu.vector_load_idx %arg12[%iota3A, %broadcast_in_dim3A_382] : memref<16x16xf32, #tpu.memory_space<vmem>>[vector<16xi32>, vector<16xi32>], vector<16xf32>,
          %add3A_384 = arith.addf %add3A_380, %gather3A_383 : vector<16xf32>
          %broadcast_in_dim3A_385 = arith.constant 13 : i32
          %broadcast_in_dim3A_386 = vector.broadcast %broadcast_in_dim3A_385 : i32 to vector<16xi32>
          %gather3A_387 = tpu.vector_load_idx %arg12[%iota3A, %broadcast_in_dim3A_386] : memref<16x16xf32, #tpu.memory_space<vmem>>[vector<16xi32>, vector<16xi32>], vector<16xf32>,
          %add3A_388 = arith.addf %add3A_384, %gather3A_387 : vector<16xf32>
          %broadcast_in_dim3A_389 = arith.constant 14 : i32
          %broadcast_in_dim3A_390 = vector.broadcast %broadcast_in_dim3A_389 : i32 to vector<16xi32>
          %gather3A_391 = tpu.vector_load_idx %arg12[%iota3A, %broadcast_in_dim3A_390] : memref<16x16xf32, #tpu.memory_space<vmem>>[vector<16xi32>, vector<16xi32>], vector<16xf32>,
          %add3A_392 = arith.addf %add3A_388, %gather3A_391 : vector<16xf32>
          %broadcast_in_dim3A_393 = arith.constant 15 : i32
          %broadcast_in_dim3A_394 = vector.broadcast %broadcast_in_dim3A_393 : i32 to vector<16xi32>
          %gather3A_395 = tpu.vector_load_idx %arg12[%iota3A, %broadcast_in_dim3A_394] : memref<16x16xf32, #tpu.memory_space<vmem>>[vector<16xi32>, vector<16xi32>], vector<16xf32>,
          %add3A_396 = arith.addf %add3A_392, %gather3A_395 : vector<16xf32>
          %mul3A_397 = arith.constant 6.250000e-02 : f32
          %mul3A_398 = vector.broadcast %mul3A_397 : f32 to vector<16xf32>
          %mul3A_399 = arith.mulf %add3A_396, %mul3A_398 : vector<16xf32>
          %exp3A = math.exp %mul3A_399 : vector<16xf32>
          %lt3A_400 = arith.constant 8 : i32
          %lt3A_401 = vector.broadcast %lt3A_400 : i32 to vector<16xi32>
          %lt3A_402 = arith.cmpi slt, %iota3A, %lt3A_401 : vector<16xi32>
          %broadcast_in_dim3A_403 = vector.broadcast %mul3A_28 : i32 to vector<16xi32>
          %broadcast_in_dim3A_404 = vector.broadcast %add3A_30 : i32 to vector<16xi32>
          %select_n3A = arith.select %lt3A_402, %broadcast_in_dim3A_403, %broadcast_in_dim3A_404 : vector<16xi1>, vector<16xi32>
          %and3A = arith.constant 7 : i32
          %and3A_405 = vector.broadcast %and3A : i32 to vector<16xi32>
          %and3A_406 = arith.andi %iota3A, %and3A_405 : vector<16xi32>
          tpu.vector_store_idx %arg11[%select_n3A, %and3A_406], %exp3A : memref<128x8xf32, #tpu.memory_space<vmem>>[vector<16xi32>, vector<16xi32>], vector<16xf32>,
        }
        %scan3A_25 = arith.constant 64 : i32
        "tpu.region"() ({
          %run_scoped3A = tpu.sem_alloc : memref<!tpu.dma_semaphore, #tpu.memory_space<semaphore_mem>>
          %dma_start3A_26 = arith.constant 0 : i32
          %dma_start3A_27 = arith.constant 0 : i32
          %dma_start3A_28 = tpu.memref_slice %arg6[%add3A_8, %dma_start3A_26, %dma_start3A_27] : memref<1250x128x8xf32, #tpu.memory_space<hbm>> -> memref<1x128x8xf32, #tpu.memory_space<hbm>>
          %dma_start3A_29 = tpu.memref_squeeze %dma_start3A_28 : memref<1x128x8xf32, #tpu.memory_space<hbm>> -> memref<128x8xf32, #tpu.memory_space<hbm>>
          %dma_start3A_30 = arith.constant 0 : i32
          %dma_start3A_31 = arith.constant 0 : i32
          %dma_start3A_32 = tpu.memref_slice %arg6[%add3A_8, %dma_start3A_30, %dma_start3A_31] : memref<1250x128x8xf32, #tpu.memory_space<hbm>> -> memref<1x128x8xf32, #tpu.memory_space<hbm>>
          %dma_start3A_33 = tpu.memref_squeeze %dma_start3A_32 : memref<1x128x8xf32, #tpu.memory_space<hbm>> -> memref<128x8xf32, #tpu.memory_space<hbm>>
          tpu.enqueue_dma source(%arg11 : memref<128x8xf32, #tpu.memory_space<vmem>>) target(%dma_start3A_33 : memref<128x8xf32, #tpu.memory_space<hbm>>) target_semaphore(%run_scoped3A : memref<!tpu.dma_semaphore, #tpu.memory_space<semaphore_mem>>)
          %dma_wait3A_34 = arith.constant 0 : i32
          %dma_wait3A_35 = arith.constant 0 : i32
          %dma_wait3A_36 = tpu.memref_slice %arg6[%add3A_8, %dma_wait3A_34, %dma_wait3A_35] : memref<1250x128x8xf32, #tpu.memory_space<hbm>> -> memref<1x128x8xf32, #tpu.memory_space<hbm>>
          %dma_wait3A_37 = tpu.memref_squeeze %dma_wait3A_36 : memref<1x128x8xf32, #tpu.memory_space<hbm>> -> memref<128x8xf32, #tpu.memory_space<hbm>>
          %dma_wait3A_38 = arith.constant 0 : i32
          %dma_wait3A_39 = arith.constant 0 : i32
          %dma_wait3A_40 = tpu.memref_slice %arg6[%add3A_8, %dma_wait3A_38, %dma_wait3A_39] : memref<1250x128x8xf32, #tpu.memory_space<hbm>> -> memref<1x128x8xf32, #tpu.memory_space<hbm>>
          %dma_wait3A_41 = tpu.memref_squeeze %dma_wait3A_40 : memref<1x128x8xf32, #tpu.memory_space<hbm>> -> memref<128x8xf32, #tpu.memory_space<hbm>>
          tpu.wait_dma2 semaphore(%run_scoped3A : memref<!tpu.dma_semaphore, #tpu.memory_space<semaphore_mem>>) src(%arg11 : memref<128x8xf32, #tpu.memory_space<vmem>>) dst(%dma_wait3A_41 : memref<128x8xf32, #tpu.memory_space<hbm>>)
          tpu.yield
        }) : () -> ()
      } else {
      }
    }
    %scan3A_4 = arith.constant 40 : i32
    return
  }
}

module attributes {stable_mosaic.version = 14 : i64} {
  func.func @_proj_body(%arg0: i32, %arg1: memref<1000x256xf32, #tpu.memory_space<vmem>>, %arg2: memref<1000x256xf32, #tpu.memory_space<vmem>>, %arg3: memref<1x256xf32, #tpu.memory_space<vmem>>, %arg4: memref<1x256xf32, #tpu.memory_space<vmem>>, %arg5: memref<256x256xf32, #tpu.memory_space<vmem>>, %arg6: memref<1x256xf32, #tpu.memory_space<vmem>>, %arg7: memref<256x256xf32, #tpu.memory_space<vmem>>, %arg8: memref<1x256xf32, #tpu.memory_space<vmem>>, %arg9: memref<1000x256xf32, #tpu.memory_space<vmem>>, %arg10: memref<1000x256xf32, #tpu.memory_space<vmem>>) attributes {dimension_semantics = [#tpu.dimension_semantics<arbitrary>], iteration_bounds = array<i64: 10>, scalar_prefetch = 0 : i64, scratch_operands = 0 : i64, tpu.core_type = #tpu.core_type<tc>, window_params = [{transform_indices = @transform_0, window_bounds = array<i64: 1000, 256>}, {transform_indices = @transform_1, window_bounds = array<i64: 1000, 256>}, {pipeline_mode = #tpu.pipeline_mode<synchronous>, transform_indices = @transform_2, window_bounds = array<i64: 1, 256>}, {pipeline_mode = #tpu.pipeline_mode<synchronous>, transform_indices = @transform_3, window_bounds = array<i64: 1, 256>}, {pipeline_mode = #tpu.pipeline_mode<synchronous>, transform_indices = @transform_4, window_bounds = array<i64: 256, 256>}, {pipeline_mode = #tpu.pipeline_mode<synchronous>, transform_indices = @transform_5, window_bounds = array<i64: 1, 256>}, {pipeline_mode = #tpu.pipeline_mode<synchronous>, transform_indices = @transform_6, window_bounds = array<i64: 256, 256>}, {pipeline_mode = #tpu.pipeline_mode<synchronous>, transform_indices = @transform_7, window_bounds = array<i64: 1, 256>}, {transform_indices = @transform_8, window_bounds = array<i64: 1000, 256>}, {transform_indices = @transform_9, window_bounds = array<i64: 1000, 256>}]} {
    %get3A = arith.constant 0 : index
    %get3A_0 = arith.constant 0 : index
    %get3A_1 = vector.load %arg1[%get3A, %get3A_0] : memref<1000x256xf32, #tpu.memory_space<vmem>>, vector<1000x256xf32>
    %reduce_sum3A = arith.constant dense<0.000000e+00> : vector<1000xf32>
    %reduce_sum3A_2 = vector.multi_reduction <add>, %get3A_1, %reduce_sum3A [1] : vector<1000x256xf32> to vector<1000xf32>
    %broadcast_in_dim3A = vector.shape_cast %reduce_sum3A_2 : vector<1000xf32> to vector<1000x1xf32>
    %div3A = arith.constant 2.560000e+02 : f32
    %div3A_3 = vector.broadcast %div3A : f32 to vector<1000x1xf32>
    %div3A_4 = arith.divf %broadcast_in_dim3A, %div3A_3 : vector<1000x1xf32>
    %sub3A = vector.broadcast %div3A_4 : vector<1000x1xf32> to vector<1000x256xf32>
    %sub3A_5 = arith.subf %get3A_1, %sub3A : vector<1000x256xf32>
    %integer_pow3A = arith.mulf %sub3A_5, %sub3A_5 : vector<1000x256xf32>
    %reduce_sum3A_6 = arith.constant dense<0.000000e+00> : vector<1000xf32>
    %reduce_sum3A_7 = vector.multi_reduction <add>, %integer_pow3A, %reduce_sum3A_6 [1] : vector<1000x256xf32> to vector<1000xf32>
    %broadcast_in_dim3A_8 = vector.shape_cast %reduce_sum3A_7 : vector<1000xf32> to vector<1000x1xf32>
    %div3A_9 = arith.constant 2.560000e+02 : f32
    %div3A_10 = vector.broadcast %div3A_9 : f32 to vector<1000x1xf32>
    %div3A_11 = arith.divf %broadcast_in_dim3A_8, %div3A_10 : vector<1000x1xf32>
    %sub3A_12 = vector.broadcast %div3A_4 : vector<1000x1xf32> to vector<1000x256xf32>
    %sub3A_13 = arith.subf %get3A_1, %sub3A_12 : vector<1000x256xf32>
    %add3A = arith.constant 9.99999974E-6 : f32
    %add3A_14 = vector.broadcast %add3A : f32 to vector<1000x1xf32>
    %add3A_15 = arith.addf %div3A_11, %add3A_14 : vector<1000x1xf32>
    %rsqrt3A = math.rsqrt %add3A_15 : vector<1000x1xf32>
    %mul3A = vector.broadcast %rsqrt3A : vector<1000x1xf32> to vector<1000x256xf32>
    %mul3A_16 = arith.mulf %sub3A_13, %mul3A : vector<1000x256xf32>
    %get3A_17 = arith.constant 0 : index
    %get3A_18 = arith.constant 0 : index
    %get3A_19 = vector.load %arg3[%get3A_17, %get3A_18] : memref<1x256xf32, #tpu.memory_space<vmem>>, vector<1x256xf32>
    %mul3A_20 = vector.broadcast %get3A_19 : vector<1x256xf32> to vector<1000x256xf32>
    %mul3A_21 = arith.mulf %mul3A_16, %mul3A_20 : vector<1000x256xf32>
    %get3A_22 = arith.constant 0 : index
    %get3A_23 = arith.constant 0 : index
    %get3A_24 = vector.load %arg4[%get3A_22, %get3A_23] : memref<1x256xf32, #tpu.memory_space<vmem>>, vector<1x256xf32>
    %add3A_25 = vector.broadcast %get3A_24 : vector<1x256xf32> to vector<1000x256xf32>
    %add3A_26 = arith.addf %mul3A_21, %add3A_25 : vector<1000x256xf32>
    %get3A_27 = arith.constant 0 : index
    %get3A_28 = arith.constant 0 : index
    %get3A_29 = vector.load %arg5[%get3A_27, %get3A_28] : memref<256x256xf32, #tpu.memory_space<vmem>>, vector<256x256xf32>
    %dot_general3A = arith.constant dense<0.000000e+00> : vector<1000x256xf32>
    %dot_general3A_30 = tpu.matmul %add3A_26, %get3A_29, %dot_general3A {dimension_numbers = #tpu.dot_dimension_numbers<[1], [0], [0], [1], [0, 0, 1, 1], [], []>, transpose_lhs_hint = false} : vector<1000x256xf32>, vector<256x256xf32>, vector<1000x256xf32> -> vector<1000x256xf32>
    %get3A_31 = arith.constant 0 : index
    %get3A_32 = arith.constant 0 : index
    %get3A_33 = vector.load %arg6[%get3A_31, %get3A_32] : memref<1x256xf32, #tpu.memory_space<vmem>>, vector<1x256xf32>
    %add3A_34 = vector.broadcast %get3A_33 : vector<1x256xf32> to vector<1000x256xf32>
    %add3A_35 = arith.addf %dot_general3A_30, %add3A_34 : vector<1000x256xf32>
    %swap3A = arith.constant 0 : index
    %swap3A_36 = arith.constant 0 : index
    %swap3A_37 = vector.load %arg9[%swap3A, %swap3A_36] : memref<1000x256xf32, #tpu.memory_space<vmem>>, vector<1000x256xf32>
    tpu.vector_store %arg9[%swap3A, %swap3A_36], %add3A_35 {strides = array<i32>} : memref<1000x256xf32, #tpu.memory_space<vmem>>, vector<1000x256xf32>,
    %get3A_38 = arith.constant 0 : index
    %get3A_39 = arith.constant 0 : index
    %get3A_40 = vector.load %arg2[%get3A_38, %get3A_39] : memref<1000x256xf32, #tpu.memory_space<vmem>>, vector<1000x256xf32>
    %get3A_41 = arith.constant 0 : index
    %get3A_42 = arith.constant 0 : index
    %get3A_43 = vector.load %arg7[%get3A_41, %get3A_42] : memref<256x256xf32, #tpu.memory_space<vmem>>, vector<256x256xf32>
    %dot_general3A_44 = arith.constant dense<0.000000e+00> : vector<1000x256xf32>
    %dot_general3A_45 = tpu.matmul %get3A_40, %get3A_43, %dot_general3A_44 {dimension_numbers = #tpu.dot_dimension_numbers<[1], [0], [0], [1], [0, 0, 1, 1], [], []>, transpose_lhs_hint = false} : vector<1000x256xf32>, vector<256x256xf32>, vector<1000x256xf32> -> vector<1000x256xf32>
    %get3A_46 = arith.constant 0 : index
    %get3A_47 = arith.constant 0 : index
    %get3A_48 = vector.load %arg8[%get3A_46, %get3A_47] : memref<1x256xf32, #tpu.memory_space<vmem>>, vector<1x256xf32>
    %add3A_49 = vector.broadcast %get3A_48 : vector<1x256xf32> to vector<1000x256xf32>
    %add3A_50 = arith.addf %dot_general3A_45, %add3A_49 : vector<1000x256xf32>
    %swap3A_51 = arith.constant 0 : index
    %swap3A_52 = arith.constant 0 : index
    %swap3A_53 = vector.load %arg10[%swap3A_51, %swap3A_52] : memref<1000x256xf32, #tpu.memory_space<vmem>>, vector<1000x256xf32>
    tpu.vector_store %arg10[%swap3A_51, %swap3A_52], %add3A_50 {strides = array<i32>} : memref<1000x256xf32, #tpu.memory_space<vmem>>, vector<1000x256xf32>,
    return
  }
  func.func @transform_0(%arg0: i32) -> (i32, i32) {
    %c0_i32 = arith.constant 0 : i32
    %c0_i32_0 = arith.constant 0 : i32
    return %arg0, %c0_i32 : i32, i32
  }
  func.func @transform_1(%arg0: i32) -> (i32, i32) {
    %c0_i32 = arith.constant 0 : i32
    %c0_i32_0 = arith.constant 0 : i32
    return %arg0, %c0_i32 : i32, i32
  }
  func.func @transform_2(%arg0: i32) -> (i32, i32) {
    %c0_i32 = arith.constant 0 : i32
    %c0_i32_0 = arith.constant 0 : i32
    %c0_i32_1 = arith.constant 0 : i32
    return %c0_i32, %c0_i32_0 : i32, i32
  }
  func.func @transform_3(%arg0: i32) -> (i32, i32) {
    %c0_i32 = arith.constant 0 : i32
    %c0_i32_0 = arith.constant 0 : i32
    %c0_i32_1 = arith.constant 0 : i32
    return %c0_i32, %c0_i32_0 : i32, i32
  }
  func.func @transform_4(%arg0: i32) -> (i32, i32) {
    %c0_i32 = arith.constant 0 : i32
    %c0_i32_0 = arith.constant 0 : i32
    %c0_i32_1 = arith.constant 0 : i32
    return %c0_i32, %c0_i32_0 : i32, i32
  }
  func.func @transform_5(%arg0: i32) -> (i32, i32) {
    %c0_i32 = arith.constant 0 : i32
    %c0_i32_0 = arith.constant 0 : i32
    %c0_i32_1 = arith.constant 0 : i32
    return %c0_i32, %c0_i32_0 : i32, i32
  }
  func.func @transform_6(%arg0: i32) -> (i32, i32) {
    %c0_i32 = arith.constant 0 : i32
    %c0_i32_0 = arith.constant 0 : i32
    %c0_i32_1 = arith.constant 0 : i32
    return %c0_i32, %c0_i32_0 : i32, i32
  }
  func.func @transform_7(%arg0: i32) -> (i32, i32) {
    %c0_i32 = arith.constant 0 : i32
    %c0_i32_0 = arith.constant 0 : i32
    %c0_i32_1 = arith.constant 0 : i32
    return %c0_i32, %c0_i32_0 : i32, i32
  }
  func.func @transform_8(%arg0: i32) -> (i32, i32) {
    %c0_i32 = arith.constant 0 : i32
    %c0_i32_0 = arith.constant 0 : i32
    return %arg0, %c0_i32 : i32, i32
  }
  func.func @transform_9(%arg0: i32) -> (i32, i32) {
    %c0_i32 = arith.constant 0 : i32
    %c0_i32_0 = arith.constant 0 : i32
    return %arg0, %c0_i32 : i32, i32
  }
}

module attributes {stable_mosaic.version = 14 : i64} {
  func.func @_final_body(%arg0: i32, %arg1: memref<1000x256xf32, #tpu.memory_space<vmem>>, %arg2: memref<1000x256xf32, #tpu.memory_space<vmem>>, %arg3: memref<256x256xf32, #tpu.memory_space<vmem>>, %arg4: memref<1x256xf32, #tpu.memory_space<vmem>>, %arg5: memref<1000x256xf32, #tpu.memory_space<vmem>>) attributes {dimension_semantics = [#tpu.dimension_semantics<arbitrary>], iteration_bounds = array<i64: 10>, scalar_prefetch = 0 : i64, scratch_operands = 0 : i64, tpu.core_type = #tpu.core_type<tc>, window_params = [{transform_indices = @transform_0, window_bounds = array<i64: 1000, 256>}, {transform_indices = @transform_1, window_bounds = array<i64: 1000, 256>}, {pipeline_mode = #tpu.pipeline_mode<synchronous>, transform_indices = @transform_2, window_bounds = array<i64: 256, 256>}, {pipeline_mode = #tpu.pipeline_mode<synchronous>, transform_indices = @transform_3, window_bounds = array<i64: 1, 256>}, {transform_indices = @transform_4, window_bounds = array<i64: 1000, 256>}]} {
    %get3A = arith.constant 0 : index
    %get3A_0 = arith.constant 0 : index
    %get3A_1 = vector.load %arg1[%get3A, %get3A_0] : memref<1000x256xf32, #tpu.memory_space<vmem>>, vector<1000x256xf32>
    %get3A_2 = arith.constant 0 : index
    %get3A_3 = arith.constant 0 : index
    %get3A_4 = vector.load %arg3[%get3A_2, %get3A_3] : memref<256x256xf32, #tpu.memory_space<vmem>>, vector<256x256xf32>
    %dot_general3A = arith.constant dense<0.000000e+00> : vector<1000x256xf32>
    %dot_general3A_5 = tpu.matmul %get3A_1, %get3A_4, %dot_general3A {dimension_numbers = #tpu.dot_dimension_numbers<[1], [0], [0], [1], [0, 0, 1, 1], [], []>, transpose_lhs_hint = false} : vector<1000x256xf32>, vector<256x256xf32>, vector<1000x256xf32> -> vector<1000x256xf32>
    %get3A_6 = arith.constant 0 : index
    %get3A_7 = arith.constant 0 : index
    %get3A_8 = vector.load %arg4[%get3A_6, %get3A_7] : memref<1x256xf32, #tpu.memory_space<vmem>>, vector<1x256xf32>
    %add3A = vector.broadcast %get3A_8 : vector<1x256xf32> to vector<1000x256xf32>
    %add3A_9 = arith.addf %dot_general3A_5, %add3A : vector<1000x256xf32>
    %get3A_10 = arith.constant 0 : index
    %get3A_11 = arith.constant 0 : index
    %get3A_12 = vector.load %arg2[%get3A_10, %get3A_11] : memref<1000x256xf32, #tpu.memory_space<vmem>>, vector<1000x256xf32>
    %add3A_13 = arith.addf %add3A_9, %get3A_12 : vector<1000x256xf32>
    %swap3A = arith.constant 0 : index
    %swap3A_14 = arith.constant 0 : index
    %swap3A_15 = vector.load %arg5[%swap3A, %swap3A_14] : memref<1000x256xf32, #tpu.memory_space<vmem>>, vector<1000x256xf32>
    tpu.vector_store %arg5[%swap3A, %swap3A_14], %add3A_13 {strides = array<i32>} : memref<1000x256xf32, #tpu.memory_space<vmem>>, vector<1000x256xf32>,
    return
  }
  func.func @transform_0(%arg0: i32) -> (i32, i32) {
    %c0_i32 = arith.constant 0 : i32
    %c0_i32_0 = arith.constant 0 : i32
    return %arg0, %c0_i32 : i32, i32
  }
  func.func @transform_1(%arg0: i32) -> (i32, i32) {
    %c0_i32 = arith.constant 0 : i32
    %c0_i32_0 = arith.constant 0 : i32
    return %arg0, %c0_i32 : i32, i32
  }
  func.func @transform_2(%arg0: i32) -> (i32, i32) {
    %c0_i32 = arith.constant 0 : i32
    %c0_i32_0 = arith.constant 0 : i32
    %c0_i32_1 = arith.constant 0 : i32
    return %c0_i32, %c0_i32_0 : i32, i32
  }
  func.func @transform_3(%arg0: i32) -> (i32, i32) {
    %c0_i32 = arith.constant 0 : i32
    %c0_i32_0 = arith.constant 0 : i32
    %c0_i32_1 = arith.constant 0 : i32
    return %c0_i32, %c0_i32_0 : i32, i32
  }
  func.func @transform_4(%arg0: i32) -> (i32, i32) {
    %c0_i32 = arith.constant 0 : i32
    %c0_i32_0 = arith.constant 0 : i32
    return %arg0, %c0_i32 : i32, i32
  }
}

</mosaic_0001>

<sc_bundles>
// kernel: kernel.5.cloned.1.call-start
scs
__scs_entry_jumppad:
0x0: {  	(pc) =	sbr.rel $0x88, $3  }
0x1: {  	(tag) =	ssettag $0x0;
	lr =	simm.s32 $0x1  }
0x2: {  	[smem:$0x3F96] =	sst lr;
	_ =	strace $0xD0000000  }
0x3: {  	_ = 	snop  }
0x4: {  	_ = 	snop  }
0x5: {  	_ = 	snop  }
0x6: {  	_ = 	snop  }
0x7: {  	_ = 	snop  }
__scs_overlays_trampoline_lowered:
0x8: {  	[smem:$0x3FA5] =	sst s0  }
0x9: {  	[smem:$0x3FA6] =	sst s1  }
0xa: {  	[smem:$0x3FA7] =	sst s2  }
0xb: {  	[smem:$0x3FA8] =	sst s3  }
0xc: {  	[smem:$0x3FA9] =	sst s4  }
0xd: {  	[smem:$0x3FAA] =	sst s5  }
0xe: {  	[smem:$0x3FAB] =	sst s6  }
0xf: {  	[smem:$0x3FAC] =	sst s7  }
0x10: {  	[smem:$0x3FAD] =	sst s8  }
0x11: {  	[smem:$0x3FAE] =	sst s9;
	s0 =	simm.s32 @!p0 $0x0  }
0x12: {  	s1 =	sld [smem:$0x3F94];
	s0 =	simm.s32 @p0 $0x1  }
0x13: {  	[smem:$0x3FAF] =	sst s0;
	s0 =	simm.s32 @!p1 $0x0  }
0x14: {  	s2 =	sld [smem:$0x3F93];
	s0 =	simm.s32 @p1 $0x1  }
0x15: {  	[smem:$0x3FB0] =	sst s0;
	s0 =	simm.s32 @!p2 $0x0  }
0x16: {  	s3 =	sld [smem:$0x3FDB];
	s0 =	simm.s32 @p2 $0x1  }
0x17: {  	s4 =	simm.s32 $0x1BF5;
	[smem:$0x3FB2] =	sst s0  }
0x18: {  	s0 =	sld [smem:$0x3F95];
	_ =	swait.ge [sflag:s4], $0x0  }
0x19: {  	s7 =	sld [smem:$0x3F96]  }
0x1a: {  	s8 =	sadd.s32 $0xFFFFE003, lr  }
0x1b: {  	s9 =	sadd.s32 $0xFFFFFEF7, lr;
	s5 =	simm.s32 $0xFFFFFFFF;
	p2 =	slt.u32 s8, $0xFFFFF086  }
0x1c: {  	p1 =	slt.u32 s9, $0xF7A;
	s5 =	simm.s32 @!p2 $0x0  }
0x1d: {  	s5 =	simm.s32 @p1 $0x1;
	p0 =	seq.s32 s7, s2  }
0x1e: {  	s7 =	smul.u32 @!p0 $0xF7A, s2;
	p2 =	seq.s32 @!p0 s5, $0x0  }
0x1f: {  	s9 =	smul.u32 $0xF7A, s1;
	s8 =	simm.s32 @!p0 $0x1BF5;
	p2 =	por !p2, p0  }
0x20: {  	[sflag:s8] =	ssyncset.s32 @!p0 $0xFFFFF086;
	s6 =	sadd.s32 @!p0 s3, s7;
	s7 =	simm.s32 @!p0 $0x108  }
0x21: {  	s3 =	sadd.s32 s3, s9;
	s6 =	sadd.s32 @!p0 $0x88, s6;
	s7 =	simm.s32 @p2 $0x1082  }
0x22: {  	[simem:s7], [sflag:s8] =	dma.local @!p0 [hbm:s6], $0xF7A  }
0x23: {  	s9 =	sor.u32 $0xD0000000, s2;
	s6 =	simm.s32 $0x108;
	_ =	swait.ge @!p0 [sflag:s8], $0x0  }
0x24: {  	s3 =	sadd.s32 $0x88, s3;
	s6 =	simm.s32 @!p1 $0x1082;
	[sflag:s4] =	ssyncset.s32 $0xFFFFF086  }
0x25: {  	[simem:s6], [sflag:s4] =	dma.local [hbm:s3], $0xF7A  }
0x26: {  	[smem:$0x3F96] =	sst s1;
	(tag) =	ssettag s2;
	_ =	strace s9  }
0x27: {  	s1 =	sld [smem:$0x3FA6]  }
0x28: {  	s2 =	sld [smem:$0x3FA7]  }
0x29: {  	s4 =	sld [smem:$0x3FA9]  }
0x2a: {  	p0 =	seq.s32 s5, $0x0;
	s5 =	sld [smem:$0x3FAA]  }
0x2b: {  	s6 =	sld [smem:$0x3FAB]  }
0x2c: {  	s7 =	sld [smem:$0x3FAC]  }
0x2d: {  	s3 =	simm.s32 $0x108;
	s8 =	sld [smem:$0x3FAD]  }
0x2e: {  	s3 =	simm.s32 @!p0 $0x1082;
	s9 =	sld [smem:$0x3FAE]  }
0x2f: {  	lr =	sadd.s32 s0, s3;
	s0 =	sld [smem:$0x3FA5]  }
0x30: {  	s3 =	sld [smem:$0x3FA8]  }
0x31: {  	[smem:$0x3FB1] =	sst s10  }
0x32: {  	s10 =	sld [smem:$0x3FAF];
	_ =	sdelay $0x3  }
0x33: {  	p0 =	seq.s32 s10, $0x1;
	s10 =	sld [smem:$0x3FB1];
	_ =	sdelay $0x3  }
0x34: {  	[smem:$0x3FB1] =	sst s10  }
0x35: {  	s10 =	sld [smem:$0x3FB0];
	_ =	sdelay $0x3  }
0x36: {  	p1 =	seq.s32 s10, $0x1;
	s10 =	sld [smem:$0x3FB1];
	_ =	sdelay $0x3  }
0x37: {  	[smem:$0x3FB1] =	sst s10  }
0x38: {  	s10 =	sld [smem:$0x3FB2]  }
0x39: {  	_ = 	snop;
	(pc) =	sbr.ind lr, $3  }
0x3a: {  	_ = 	snop  }
0x3b: {  	_ = 	snop  }
0x3c: {  	p2 =	seq.s32 s10, $0x1;
	s10 =	sld [smem:$0x3FB1]  }
0x3d: {  	_ =	shalt  }
0x3e: {  	_ =	shalt  }
0x3f: {  	_ =	shalt  }
0x40: {  	_ =	shalt  }
0x41: {  	_ =	shalt  }
0x42: {  	_ =	shalt  }
0x43: {  	_ =	shalt  }
0x44: {  	_ =	shalt  }
0x45: {  	_ =	shalt  }
0x46: {  	_ =	shalt  }
0x47: {  	_ =	shalt  }
0x48: {  	_ =	shalt  }
0x49: {  	_ =	shalt  }
0x4a: {  	_ =	shalt  }
0x4b: {  	_ =	shalt  }
0x4c: {  	_ =	shalt  }
0x4d: {  	_ =	shalt  }
0x4e: {  	_ =	shalt  }
0x4f: {  	_ =	shalt  }
0x50: {  	_ =	shalt  }
0x51: {  	_ =	shalt  }
0x52: {  	_ =	shalt  }
0x53: {  	_ =	shalt  }
0x54: {  	_ =	shalt  }
0x55: {  	_ =	shalt  }
0x56: {  	_ =	shalt  }
0x57: {  	_ =	shalt  }
0x58: {  	_ =	shalt  }
0x59: {  	_ =	shalt  }
0x5a: {  	_ =	shalt  }
0x5b: {  	_ =	shalt  }
0x5c: {  	_ =	shalt  }
0x5d: {  	_ =	shalt  }
0x5e: {  	_ =	shalt  }
0x5f: {  	_ =	shalt  }
0x60: {  	_ =	shalt  }
0x61: {  	_ =	shalt  }
0x62: {  	_ =	shalt  }
0x63: {  	_ =	shalt  }
0x64: {  	_ =	shalt  }
0x65: {  	_ =	shalt  }
0x66: {  	_ =	shalt  }
0x67: {  	_ =	shalt  }
0x68: {  	_ =	shalt  }
0x69: {  	_ =	shalt  }
0x6a: {  	_ =	shalt  }
0x6b: {  	_ =	shalt  }
0x6c: {  	_ =	shalt  }
0x6d: {  	_ =	shalt  }
0x6e: {  	_ =	shalt  }
0x6f: {  	_ =	shalt  }
0x70: {  	_ =	shalt  }
0x71: {  	_ =	shalt  }
0x72: {  	_ =	shalt  }
0x73: {  	_ =	shalt  }
0x74: {  	_ =	shalt  }
0x75: {  	_ =	shalt  }
0x76: {  	_ =	shalt  }
0x77: {  	_ =	shalt  }
0x78: {  	_ =	shalt  }
0x79: {  	_ =	shalt  }
0x7a: {  	_ =	shalt  }
0x7b: {  	_ =	shalt  }
0x7c: {  	_ =	shalt  }
0x7d: {  	_ =	shalt  }
0x7e: {  	_ =	shalt  }
0x7f: {  	_ =	shalt  }
0x80: {  	_ =	shalt  }
0x81: {  	_ =	shalt  }
0x82: {  	_ =	shalt  }
0x83: {  	_ =	shalt  }
0x84: {  	_ =	shalt  }
0x85: {  	_ =	shalt  }
0x86: {  	_ =	shalt  }
0x87: {  	_ =	shalt  }
.Lfunc_end0:
.L_simem_size_0:
called_computation.3_lowered:
.L_overlay_start_0:
0x88: {  	s2 =	sld [smem:$0x3FD9]  }
0x89: {  	s3 =	sld [smem:$0x3FFE];
	_ =	sdelay $0x1  }
0x8a: {  	s1 =	srdreg.scid  }
0x8b: {  	s0 =	sand.u32 $0x1, s1  }
0x8c: {  	s14 =	sshll.u32 s0, $0xA;
	s2 =	sadd.s32 s3, s2  }
0x8d: {  	s2 =	sadd.s32 s2, s14  }
0x8e: {  	[smem:$0x3FBD] =	sst s2  }
0x8f: {  	_ = 	snop  }
0x90: {  	s2 =	sld [smem:$0x3FD0];
	_ =	sdelay $0x2  }
0x91: {  	s15 =	simm.s32 $0xA;
	s4 =	simm.s32 $0x10  }
0x92: {  	[smem:s4], [sflag:s15] =	dma.local [hbm:s2], $0x1  }
0x93: {  	_ =	swait.eq [sflag:s15], $0x1  }
0x94: {  	[sflag:s15] =	ssyncset.done $0x0  }
0x95: {  	s16 =	sld [smem:$0x10];
	[sflag:s15] =	ssyncadd.s32 $0xFFFFFFFF  }
0x96: {  	s17 =	sld [smem:$0x11];
	(tm) =	ssettm $0x1  }
0x97: {  	s18 =	sld [smem:$0x3FFB];
	_ =	sdelay $0x3  }
0x98: {  	_ =	strace s18  }
0x99: {  	s4 =	sld [smem:$0x3FFC];
	_ =	sdelay $0x3  }
0x9a: {  	_ =	strace s4  }
0x9b: {  	s4 =	sld [smem:$0x3FFD];
	_ =	sdelay $0x3  }
0x9c: {  	_ =	strace s4  }
0x9d: {  	_ =	strace $0x8FFFFFFF  }
0x9e: {  	s19 =	sld [smem:$0x3FDB];
	_ =	sdelay $0x1  }
0x9f: {  	s5 =	simm.s32 $_scs_section_size  }
0xa0: {  	s6 =	simm.s32 $_size__tile_overlayer_lowered;
	s7 =	simm.s32 $_tile_overlayer_lowered  }
0xa1: {  	s22 =	simm.s32 $0x1BFF;
	s21 =	sshll.u32 s7, $0x1;
	s4 =	sadd.s32 s5, s19  }
0xa2: {  	s8 =	simm.s32 $0x0;
	s20 =	sshll.u32 s6, $0x1;
	s6 =	sadd.s32 s21, s4  }
0xa3: {  	[timem:s8], [sflag:s22] =	dma.local [hbm:s6], s20  }
0xa4: {  	_ =	swait.ge [sflag:s22], s20  }
0xa5: {  	s5 =	ssub.s32 $0x0, s20;
	[sflag:s22] =	ssyncset.done $0x0  }
0xa6: {  	[sflag:s22] =	ssyncadd.s32 s5;
	_ =	sdelay $0x1  }
0xa7: {  	s23 =	simm.s32 $0x1B8B  }
0xa8: {  	_ =	swait.ge [sflag:s23], $0x1  }
0xa9: {  	[sflag:s23] =	ssyncset.done $0x0  }
0xaa: {  	s25 =	simm.s32 $0x1B8E;
	s24 =	sld [smem:$0x3FFE];
	[sflag:s23] =	ssyncadd.s32 $0xFFFFFFFF  }
0xab: {  	s26 =	simm.s32 $execute0_lowered;
	[smem:$0x3FD2] =	sst s25  }
0xac: {  	s6 =	sshll.u32 s26, $0x1;
	_ =	strace $0x80000046;
	[dreg:$0x1] =	wrdreg $0xFFFFFFFF  }
0xad: {  	s28 =	simm.s32 $_size_execute0_lowered;
	s4 =	sadd.s32 s4, s6;
	[dreg:$0x0] =	wrdreg $0x0  }
0xae: {  	s6 =	sshll.u32 s28, $0x1;
	[dreg:$0x2] =	wrdreg s4  }
0xaf: {  	[dreg:$0x3] =	wrdreg s6  }
0xb0: {  	[dreg:$0x4] =	wrdreg $0xC0  }
0xb1: {  	_ =	task [dreg:s8], $0x5FFFF  }
0xb2: {  	[dreg:$0x1] =	wrdreg $0xFFFFFFFF  }
0xb3: {  	[dreg:$0x0] =	wrdreg $0x60  }
0xb4: {  	[dreg:$0x2] =	wrdreg s16  }
0xb5: {  	[dreg:$0x3] =	wrdreg s24  }
0xb6: {  	[dreg:$0x4] =	wrdreg s17  }
0xb7: {  	[dreg:$0x5] =	wrdreg $0x9  }
0xb8: {  	_ =	task.clear_ibuf [dreg:s8], $0x6FFFF;
	_ =	strace $0x90000046  }
0xb9: {  	s29 =	simm.s32 $0x9;
	_ =	strace $0x80000048  }
0xba: {  	_ =	swait.ge [sflag:s29], $0x1  }
0xbb: {  	[sflag:s29] =	ssyncadd.s32 $0xFFFFFFFF  }
0xbc: {  	_ =	strace $0x90000048  }
0xbd: {  	_ =	sfence  }
0xbe: {  	s30 =	sld [smem:$0x0];
	_ =	sdelay $0x2  }
0xbf: {  	s31 =	sshll.u32 s1, $0xD;
	s1 =	sshrl.u32 s1, $0x2  }
0xc0: {  	s3 =	sand.u32 $0x4000, s31;
	s1 =	sadd.s32 s1, s30  }
0xc1: {  	s0 =	sor.u32 s3, s0;
	s1 =	sshll.u32 s1, $0x11  }
0xc2: {  	s0 =	sor.u32 s1, s0  }
0xc3: {  	s0 =	sadd.s32 $0x8F2B, s0  }
0xc4: {  	[sflag:s0] =	ssyncadd.remote.s32 $0x1  }
0xc5: {  	_ =	sfence.sel $0xFFFF  }
0xc6: {  	[dreg:$0x0] =	wrdreg $0xFFFFFFFF;
	(pc) =	sbr.abs _section_cstart, $3  }
0xc7: {  	[dreg:$0x1] =	wrdreg $0xFFFFFFFF  }
0xc8: {  	_ =	task.clear_ibuf [dreg:s8], $0x2FFFF;
	_ =	strace $0x9FFFFFFF  }
0xc9: {  	(tm) =	ssettm $0x7FFFFFFF  }
tec
execute0_lowered:
.L_overlay_start_1:
0x0: {  	(tag) =	ssettag $0x1  }
0x1: {  	s1 =	rddreg [dreg:$0x0]  }
0x2: {  	s5 =	rddreg [dreg:$0x1]  }
0x3: {  	s2 =	simm.s32 $0x0;
	s0 =	srdreg.scid;
	s3 =	stileid.u32  }
0x4: {  	s11 =	simm.s32 $0x4;
	s12 =	simm.s32 $0x4100;
	s13 =	simm.s32 $0x4900  }
0x5: {  	s14 =	simm.s32 $0x5100;
	s15 =	simm.s32 $0x5900;
	s16 =	simm.s32 $0x6100  }
0x6: {  	s17 =	simm.s32 $0x6900;
	s18 =	simm.s32 $0x7100;
	s19 =	simm.s32 $0x7900  }
0x7: {  	v3 =	vlaneseq.u32;
	vm0 =	vmmov $0xffff;
	s20 =	simm.s32 $0x1;
	s21 =	simm.s32 $0x2;
	s22 =	simm.s32 $0x14100  }
0x8: {  	vm1 =	vmmov $0xff;
	s23 =	simm.s32 $0x10100;
	s24 =	simm.s32 $0x3;
	[smem:$0x7FF] =	sst s2;
	v2 =	vshrl.u32 v3, $0x3;
	v0 =	vmul.u32 $0x80, v3  }
0x9: {  	s0 =	sand.u32 $0x1, s0;
	s3 =	sshll.u32 s3, $0x1;
	s6 =	sadd.s32 $0xA000, s5;
	v1 =	vand.u32 $0x7, v3;
	v3 =	vor.u32 $0x8, v3;
	v2 =	vmul.u32 $0x8, v2  }
.Ltmp0:
0xa: {  	s8 =	sadd.s32 $0x58200, s5;
	s29 =	ssub.s32 $0x2, s0;
	v4 =	vor.u32 $0x1, v0;
	v5 =	vor.u32 $0x2, v0;
	v6 =	vor.u32 $0x3, v0;
	(pc) =	sbr.rel .LBB2_1-.Ltmp0, $4  }
0xb: {  	s2 =	simm.s32 $0x3100;
	s5 =	simm.s32 $0x3900;
	s4 =	sshrl.u32 s29, $0x1;
	v7 =	vor.u32 $0x4, v0;
	v8 =	vor.u32 $0x5, v0;
	v9 =	vor.u32 $0x6, v0  }
0xc: {  	_ =	strace $0x80000047;
	s7 =	sor.u32 s0, s3;
	v10 =	vor.u32 $0x7, v0;
	v11 =	vor.u32 $0x8, v0;
	v12 =	vor.u32 $0x9, v0;
	s30 =	ssub.s32 s29, s4  }
0xd: {  	s3 =	simm.s32 $0x2900;
	s31 =	sshll.u32 s7, $0x4;
	v13 =	vor.u32 $0xA, v0;
	v14 =	vor.u32 $0xB, v0;
	v15 =	vor.u32 $0xC, v0;
	s0 =	smax.u32 s30, $0x1  }
0xe: {  	v16 =	vor.u32 $0xD, v0;
	v17 =	vor.u32 $0xE, v0;
	v18 =	vor.u32 $0xF, v0;
	s9 =	sand.u32 $0x70, s31;
	s4 =	simm.s32 $0x0;
	[dreg:$0x4] =	wrdreg s0  }
.LBB2_7:
0xf: {  	s4 =	rddreg [dreg:$0x5]  }
0x10: {  	s0 =	rddreg [dreg:$0x4];
	s4 =	sadd.s32 $0x1, s4  }
0x11: {  	p0 =	sne.s32 s4, s0  }
.Ltmp1:
0x12: {  	_ = 	snop;
	(pc) =	sbr.rel @!p0 .LBB2_8-.Ltmp1, $1  }
0x13: {  	_ =	sdelay $0x3  }
.LBB2_1:
.Ltmp2:
0x14: {  	(pc) =	sbr.rel .LBB2_2-.Ltmp2, $2  }
0x15: {  	_ =	sdelay $0x2  }
0x16: {  	[dreg:$0x5] =	wrdreg s4;
	s25 =	simm.s32 $0x0  }
.LBB2_6:
0x17: {  	s25 =	sadd.s32 $0x1, s25  }
0x18: {  	p0 =	sne.s32 s25, $0x28  }
.Ltmp3:
0x19: {  	_ = 	snop;
	(pc) =	sbr.rel @!p0 .LBB2_7-.Ltmp3, $1  }
0x1a: {  	_ =	sdelay $0x3  }
.LBB2_2:
0x1b: {  	s0 =	sshll.u32 s25, $0x5  }
0x1c: {  	s26 =	sor.u32 s7, s0  }
0x1d: {  	p0 =	sgt.u32 s26, $0x4E1  }
.Ltmp4:
0x1e: {  	_ = 	snop;
	(pc) =	sbr.rel @p0 .LBB2_6-.Ltmp4, $1  }
0x1f: {  	_ =	sdelay $0x3  }
0x20: {  	s0 =	sshll.u32 s26, $0x4  }
0x21: {  	s0 =	sand.u32 $0x7F80, s0  }
0x22: {  	s4 =	rddreg [dreg:$0x1];
	s0 =	sor.u32 s9, s0  }
0x23: {  	s28 =	simm.s32 $0x0;
	s4 =	sadd.s32 s4, s0  }
0x24: {  	[tilespmem:s28], [sflag:$0x4] =	stream.linear.gather [hbm4b:s4+s28], $0x80, $0x38;
	[tilespmem:$0x14900] =	vst v63  }
0x25: {  	_ =	swait.ge [sflag:s11], $0x80  }
0x26: {  	[sflag:s11] =	ssyncset.done $0x0  }
0x27: {  	[sflag:s11] =	ssyncadd.s32 $0xFFFFFF80  }
0x28: {  	s10 =	rddreg [dreg:$0x2]  }
0x29: {  	s0 =	sadd.s32 s10, s0;
	s10 =	simm.s32 $0x80  }
0x2a: {  	[tilespmem:s10], [sflag:$0x4] =	stream.linear.gather [hbm4b:s0+s28], $0x80, $0x38;
	[tilespmem:$0x14900] =	vst v63  }
0x2b: {  	_ =	swait.ge [sflag:s11], $0x80  }
0x2c: {  	[sflag:s11] =	ssyncset.done $0x0  }
0x2d: {  	[sflag:s11] =	ssyncadd.s32 $0xFFFFFF80  }
0x2e: {  	v19 =	vld [tilespmem:$0x0];
	_ =	sdelay $0x4  }
0x2f: {  	v20 =	vshll.u32 v19, $0x1  }
0x30: {  	v19 =	vand.u32 $0x7, v19;
	v20 =	vand.u32 $0xFFFFFFF0, v20  }
0x31: {  	v19 =	vor.u32 v19, v20  }
0x32: {  	v20 =	vperm.xlane v19, v1;
	_ =	sdelay $0x1  }
0x33: {  	v19 =	vperm.xlane v19, v3;
	v20 =	vadd.s32 v2, v20;
	_ =	sdelay $0x1  }
0x34: {  	v19 =	vadd.s32 v2, v19;
	_ =	sdelay $0x1  }
0x35: {  	s4 =	simm.s32 $0x8100  }
0x36: {  	[tilespmem:s4], [sflag:$0x1] =	stream.indirect_vreg.gather [hbm4b:s6+s28], $0x80, v20, vm0, $0xb8;
	[tilespmem:$0x14900] =	vst v63  }
0x37: {  	s10 =	simm.s32 $0x8900  }
0x38: {  	[tilespmem:s10], [sflag:$0x1] =	stream.indirect_vreg.gather [hbm4b:s6+s28], $0x80, v19, vm0, $0xb8;
	[tilespmem:$0x14900] =	vst v63  }
0x39: {  	v19 =	vld [tilespmem:$0x10];
	_ =	sdelay $0x4  }
0x3a: {  	v20 =	vshll.u32 v19, $0x1  }
0x3b: {  	v19 =	vand.u32 $0x7, v19;
	v20 =	vand.u32 $0xFFFFFFF0, v20  }
0x3c: {  	v19 =	vor.u32 v19, v20  }
0x3d: {  	v20 =	vperm.xlane v19, v1;
	_ =	sdelay $0x1  }
0x3e: {  	v19 =	vperm.xlane v19, v3;
	v20 =	vadd.s32 v2, v20;
	_ =	sdelay $0x1  }
0x3f: {  	v19 =	vadd.s32 v2, v19;
	_ =	sdelay $0x1  }
0x40: {  	s4 =	simm.s32 $0x9100  }
0x41: {  	[tilespmem:s4], [sflag:$0x1] =	stream.indirect_vreg.gather [hbm4b:s6+s28], $0x80, v20, vm0, $0xb8;
	[tilespmem:$0x14900] =	vst v63  }
0x42: {  	s10 =	simm.s32 $0x9900  }
0x43: {  	[tilespmem:s10], [sflag:$0x1] =	stream.indirect_vreg.gather [hbm4b:s6+s28], $0x80, v19, vm0, $0xb8;
	[tilespmem:$0x14900] =	vst v63  }
0x44: {  	v19 =	vld [tilespmem:$0x20];
	_ =	sdelay $0x4  }
0x45: {  	v20 =	vshll.u32 v19, $0x1  }
0x46: {  	v19 =	vand.u32 $0x7, v19;
	v20 =	vand.u32 $0xFFFFFFF0, v20  }
0x47: {  	v19 =	vor.u32 v19, v20  }
0x48: {  	v20 =	vperm.xlane v19, v1;
	_ =	sdelay $0x1  }
0x49: {  	v19 =	vperm.xlane v19, v3;
	v20 =	vadd.s32 v2, v20;
	_ =	sdelay $0x1  }
0x4a: {  	v19 =	vadd.s32 v2, v19;
	_ =	sdelay $0x1  }
0x4b: {  	s4 =	simm.s32 $0xA100  }
0x4c: {  	[tilespmem:s4], [sflag:$0x1] =	stream.indirect_vreg.gather [hbm4b:s6+s28], $0x80, v20, vm0, $0xb8;
	[tilespmem:$0x14900] =	vst v63  }
0x4d: {  	s10 =	simm.s32 $0xA900  }
0x4e: {  	[tilespmem:s10], [sflag:$0x1] =	stream.indirect_vreg.gather [hbm4b:s6+s28], $0x80, v19, vm0, $0xb8;
	[tilespmem:$0x14900] =	vst v63  }
0x4f: {  	v19 =	vld [tilespmem:$0x30];
	_ =	sdelay $0x4  }
0x50: {  	v20 =	vshll.u32 v19, $0x1  }
0x51: {  	v19 =	vand.u32 $0x7, v19;
	v20 =	vand.u32 $0xFFFFFFF0, v20  }
0x52: {  	v19 =	vor.u32 v19, v20  }
0x53: {  	v20 =	vperm.xlane v19, v1;
	_ =	sdelay $0x1  }
0x54: {  	v19 =	vperm.xlane v19, v3;
	v20 =	vadd.s32 v2, v20;
	_ =	sdelay $0x1  }
0x55: {  	v19 =	vadd.s32 v2, v19;
	_ =	sdelay $0x1  }
0x56: {  	s4 =	simm.s32 $0xB100  }
0x57: {  	[tilespmem:s4], [sflag:$0x1] =	stream.indirect_vreg.gather [hbm4b:s6+s28], $0x80, v20, vm0, $0xb8;
	[tilespmem:$0x14900] =	vst v63  }
0x58: {  	s10 =	simm.s32 $0xB900  }
0x59: {  	[tilespmem:s10], [sflag:$0x1] =	stream.indirect_vreg.gather [hbm4b:s6+s28], $0x80, v19, vm0, $0xb8;
	[tilespmem:$0x14900] =	vst v63  }
0x5a: {  	v19 =	vld [tilespmem:$0x40];
	_ =	sdelay $0x4  }
0x5b: {  	v20 =	vshll.u32 v19, $0x1  }
0x5c: {  	v19 =	vand.u32 $0x7, v19;
	v20 =	vand.u32 $0xFFFFFFF0, v20  }
0x5d: {  	v19 =	vor.u32 v19, v20  }
0x5e: {  	v20 =	vperm.xlane v19, v1;
	_ =	sdelay $0x1  }
0x5f: {  	v19 =	vperm.xlane v19, v3;
	v20 =	vadd.s32 v2, v20;
	_ =	sdelay $0x1  }
0x60: {  	v19 =	vadd.s32 v2, v19;
	_ =	sdelay $0x1  }
0x61: {  	s4 =	simm.s32 $0xC100  }
0x62: {  	[tilespmem:s4], [sflag:$0x1] =	stream.indirect_vreg.gather [hbm4b:s6+s28], $0x80, v20, vm0, $0xb8;
	[tilespmem:$0x14900] =	vst v63  }
0x63: {  	s10 =	simm.s32 $0xC900  }
0x64: {  	[tilespmem:s10], [sflag:$0x1] =	stream.indirect_vreg.gather [hbm4b:s6+s28], $0x80, v19, vm0, $0xb8;
	[tilespmem:$0x14900] =	vst v63  }
0x65: {  	v19 =	vld [tilespmem:$0x50];
	_ =	sdelay $0x4  }
0x66: {  	v20 =	vshll.u32 v19, $0x1  }
0x67: {  	v19 =	vand.u32 $0x7, v19;
	v20 =	vand.u32 $0xFFFFFFF0, v20  }
0x68: {  	v19 =	vor.u32 v19, v20  }
0x69: {  	v20 =	vperm.xlane v19, v1;
	_ =	sdelay $0x1  }
0x6a: {  	v19 =	vperm.xlane v19, v3;
	v20 =	vadd.s32 v2, v20;
	_ =	sdelay $0x1  }
0x6b: {  	v19 =	vadd.s32 v2, v19;
	_ =	sdelay $0x1  }
0x6c: {  	s4 =	simm.s32 $0xD100  }
0x6d: {  	[tilespmem:s4], [sflag:$0x1] =	stream.indirect_vreg.gather [hbm4b:s6+s28], $0x80, v20, vm0, $0xb8;
	[tilespmem:$0x14900] =	vst v63  }
0x6e: {  	s10 =	simm.s32 $0xD900  }
0x6f: {  	[tilespmem:s10], [sflag:$0x1] =	stream.indirect_vreg.gather [hbm4b:s6+s28], $0x80, v19, vm0, $0xb8;
	[tilespmem:$0x14900] =	vst v63  }
0x70: {  	v19 =	vld [tilespmem:$0x60];
	_ =	sdelay $0x4  }
0x71: {  	v20 =	vshll.u32 v19, $0x1  }
0x72: {  	v19 =	vand.u32 $0x7, v19;
	v20 =	vand.u32 $0xFFFFFFF0, v20  }
0x73: {  	v19 =	vor.u32 v19, v20  }
0x74: {  	v20 =	vperm.xlane v19, v1;
	_ =	sdelay $0x1  }
0x75: {  	v19 =	vperm.xlane v19, v3;
	v20 =	vadd.s32 v2, v20;
	_ =	sdelay $0x1  }
0x76: {  	v19 =	vadd.s32 v2, v19;
	_ =	sdelay $0x1  }
0x77: {  	s4 =	simm.s32 $0xE100  }
0x78: {  	[tilespmem:s4], [sflag:$0x1] =	stream.indirect_vreg.gather [hbm4b:s6+s28], $0x80, v20, vm0, $0xb8;
	[tilespmem:$0x14900] =	vst v63  }
0x79: {  	s10 =	simm.s32 $0xE900  }
0x7a: {  	[tilespmem:s10], [sflag:$0x1] =	stream.indirect_vreg.gather [hbm4b:s6+s28], $0x80, v19, vm0, $0xb8;
	[tilespmem:$0x14900] =	vst v63  }
0x7b: {  	v19 =	vld [tilespmem:$0x70];
	_ =	sdelay $0x4  }
0x7c: {  	v20 =	vshll.u32 v19, $0x1  }
0x7d: {  	v19 =	vand.u32 $0x7, v19;
	v20 =	vand.u32 $0xFFFFFFF0, v20  }
0x7e: {  	v19 =	vor.u32 v19, v20  }
0x7f: {  	v20 =	vperm.xlane v19, v1;
	_ =	sdelay $0x1  }
0x80: {  	v19 =	vperm.xlane v19, v3;
	v20 =	vadd.s32 v2, v20;
	_ =	sdelay $0x1  }
0x81: {  	v19 =	vadd.s32 v2, v19;
	_ =	sdelay $0x1  }
0x82: {  	s4 =	simm.s32 $0xF100  }
0x83: {  	[tilespmem:s4], [sflag:$0x1] =	stream.indirect_vreg.gather [hbm4b:s6+s28], $0x80, v20, vm0, $0xb8;
	[tilespmem:$0x14900] =	vst v63  }
0x84: {  	s10 =	simm.s32 $0xF900  }
0x85: {  	[tilespmem:s10], [sflag:$0x1] =	stream.indirect_vreg.gather [hbm4b:s6+s28], $0x80, v19, vm0, $0xb8;
	[tilespmem:$0x14900] =	vst v63  }
0x86: {  	v19 =	vld [tilespmem:$0x80];
	_ =	sdelay $0x4  }
0x87: {  	v20 =	vshll.u32 v19, $0x1  }
0x88: {  	v19 =	vand.u32 $0x7, v19;
	v20 =	vand.u32 $0xFFFFFFF0, v20  }
0x89: {  	v19 =	vor.u32 v19, v20  }
0x8a: {  	v20 =	vperm.xlane v19, v1;
	_ =	sdelay $0x1  }
0x8b: {  	v19 =	vperm.xlane v19, v3;
	v20 =	vadd.s32 v2, v20;
	_ =	sdelay $0x1  }
0x8c: {  	v19 =	vadd.s32 v2, v19;
	_ =	sdelay $0x1  }
0x8d: {  	s4 =	simm.s32 $0x100  }
0x8e: {  	[tilespmem:s4], [sflag:$0x2] =	stream.indirect_vreg.gather [hbm4b:s1+s28], $0x80, v20, vm0, $0xb8;
	[tilespmem:$0x14900] =	vst v63  }
0x8f: {  	s10 =	simm.s32 $0x900  }
0x90: {  	[tilespmem:s10], [sflag:$0x2] =	stream.indirect_vreg.gather [hbm4b:s1+s28], $0x80, v19, vm0, $0xb8;
	[tilespmem:$0x14900] =	vst v63  }
0x91: {  	v19 =	vld [tilespmem:$0x90];
	_ =	sdelay $0x4  }
0x92: {  	v20 =	vshll.u32 v19, $0x1  }
0x93: {  	v19 =	vand.u32 $0x7, v19;
	v20 =	vand.u32 $0xFFFFFFF0, v20  }
0x94: {  	v19 =	vor.u32 v19, v20  }
0x95: {  	v20 =	vperm.xlane v19, v1;
	_ =	sdelay $0x1  }
0x96: {  	v19 =	vperm.xlane v19, v3;
	v20 =	vadd.s32 v2, v20;
	_ =	sdelay $0x1  }
0x97: {  	v19 =	vadd.s32 v2, v19;
	_ =	sdelay $0x1  }
0x98: {  	s4 =	simm.s32 $0x1100  }
0x99: {  	[tilespmem:s4], [sflag:$0x2] =	stream.indirect_vreg.gather [hbm4b:s1+s28], $0x80, v20, vm0, $0xb8;
	[tilespmem:$0x14900] =	vst v63  }
0x9a: {  	s10 =	simm.s32 $0x1900  }
0x9b: {  	[tilespmem:s10], [sflag:$0x2] =	stream.indirect_vreg.gather [hbm4b:s1+s28], $0x80, v19, vm0, $0xb8;
	[tilespmem:$0x14900] =	vst v63  }
0x9c: {  	v19 =	vld [tilespmem:$0xA0];
	_ =	sdelay $0x4  }
0x9d: {  	v20 =	vshll.u32 v19, $0x1  }
0x9e: {  	v19 =	vand.u32 $0x7, v19;
	v20 =	vand.u32 $0xFFFFFFF0, v20  }
0x9f: {  	v19 =	vor.u32 v19, v20  }
0xa0: {  	v20 =	vperm.xlane v19, v1;
	_ =	sdelay $0x1  }
0xa1: {  	v19 =	vperm.xlane v19, v3;
	v20 =	vadd.s32 v2, v20;
	_ =	sdelay $0x1  }
0xa2: {  	v19 =	vadd.s32 v2, v19;
	_ =	sdelay $0x1  }
0xa3: {  	s4 =	simm.s32 $0x2100  }
0xa4: {  	[tilespmem:s4], [sflag:$0x2] =	stream.indirect_vreg.gather [hbm4b:s1+s28], $0x80, v20, vm0, $0xb8;
	[tilespmem:$0x14900] =	vst v63  }
0xa5: {  	_ = 	snop  }
0xa6: {  	[tilespmem:s3], [sflag:$0x2] =	stream.indirect_vreg.gather [hbm4b:s1+s28], $0x80, v19, vm0, $0xb8;
	[tilespmem:$0x14900] =	vst v63  }
0xa7: {  	v19 =	vld [tilespmem:$0xB0];
	_ =	sdelay $0x4  }
0xa8: {  	v20 =	vshll.u32 v19, $0x1  }
0xa9: {  	v19 =	vand.u32 $0x7, v19;
	v20 =	vand.u32 $0xFFFFFFF0, v20  }
0xaa: {  	v19 =	vor.u32 v19, v20  }
0xab: {  	v20 =	vperm.xlane v19, v1;
	_ =	sdelay $0x1  }
0xac: {  	v19 =	vperm.xlane v19, v3;
	v20 =	vadd.s32 v2, v20;
	_ =	sdelay $0x1  }
0xad: {  	v19 =	vadd.s32 v2, v19;
	_ =	sdelay $0x2  }
0xae: {  	[tilespmem:s2], [sflag:$0x2] =	stream.indirect_vreg.gather [hbm4b:s1+s28], $0x80, v20, vm0, $0xb8;
	[tilespmem:$0x14900] =	vst v63  }
0xaf: {  	_ = 	snop  }
0xb0: {  	[tilespmem:s5], [sflag:$0x2] =	stream.indirect_vreg.gather [hbm4b:s1+s28], $0x80, v19, vm0, $0xb8;
	[tilespmem:$0x14900] =	vst v63  }
0xb1: {  	v19 =	vld [tilespmem:$0xC0];
	_ =	sdelay $0x4  }
0xb2: {  	v20 =	vshll.u32 v19, $0x1  }
0xb3: {  	v19 =	vand.u32 $0x7, v19;
	v20 =	vand.u32 $0xFFFFFFF0, v20  }
0xb4: {  	v19 =	vor.u32 v19, v20  }
0xb5: {  	v20 =	vperm.xlane v19, v1;
	_ =	sdelay $0x1  }
0xb6: {  	v19 =	vperm.xlane v19, v3;
	v20 =	vadd.s32 v2, v20;
	_ =	sdelay $0x1  }
0xb7: {  	v19 =	vadd.s32 v2, v19;
	_ =	sdelay $0x2  }
0xb8: {  	[tilespmem:s12], [sflag:$0x2] =	stream.indirect_vreg.gather [hbm4b:s1+s28], $0x80, v20, vm0, $0xb8;
	[tilespmem:$0x14900] =	vst v63  }
0xb9: {  	_ = 	snop  }
0xba: {  	[tilespmem:s13], [sflag:$0x2] =	stream.indirect_vreg.gather [hbm4b:s1+s28], $0x80, v19, vm0, $0xb8;
	[tilespmem:$0x14900] =	vst v63  }
0xbb: {  	v19 =	vld [tilespmem:$0xD0];
	_ =	sdelay $0x4  }
0xbc: {  	v20 =	vshll.u32 v19, $0x1  }
0xbd: {  	v19 =	vand.u32 $0x7, v19;
	v20 =	vand.u32 $0xFFFFFFF0, v20  }
0xbe: {  	v19 =	vor.u32 v19, v20  }
0xbf: {  	v20 =	vperm.xlane v19, v1;
	_ =	sdelay $0x1  }
0xc0: {  	v19 =	vperm.xlane v19, v3;
	v20 =	vadd.s32 v2, v20;
	_ =	sdelay $0x1  }
0xc1: {  	v19 =	vadd.s32 v2, v19;
	_ =	sdelay $0x2  }
0xc2: {  	[tilespmem:s14], [sflag:$0x2] =	stream.indirect_vreg.gather [hbm4b:s1+s28], $0x80, v20, vm0, $0xb8;
	[tilespmem:$0x14900] =	vst v63  }
0xc3: {  	_ = 	snop  }
0xc4: {  	[tilespmem:s15], [sflag:$0x2] =	stream.indirect_vreg.gather [hbm4b:s1+s28], $0x80, v19, vm0, $0xb8;
	[tilespmem:$0x14900] =	vst v63  }
0xc5: {  	v19 =	vld [tilespmem:$0xE0];
	_ =	sdelay $0x4  }
0xc6: {  	v20 =	vshll.u32 v19, $0x1  }
0xc7: {  	v19 =	vand.u32 $0x7, v19;
	v20 =	vand.u32 $0xFFFFFFF0, v20  }
0xc8: {  	v19 =	vor.u32 v19, v20  }
0xc9: {  	v20 =	vperm.xlane v19, v1;
	_ =	sdelay $0x1  }
0xca: {  	v19 =	vperm.xlane v19, v3;
	v20 =	vadd.s32 v2, v20;
	_ =	sdelay $0x1  }
0xcb: {  	v19 =	vadd.s32 v2, v19;
	_ =	sdelay $0x2  }
0xcc: {  	[tilespmem:s16], [sflag:$0x2] =	stream.indirect_vreg.gather [hbm4b:s1+s28], $0x80, v20, vm0, $0xb8;
	[tilespmem:$0x14900] =	vst v63  }
0xcd: {  	_ = 	snop  }
0xce: {  	[tilespmem:s17], [sflag:$0x2] =	stream.indirect_vreg.gather [hbm4b:s1+s28], $0x80, v19, vm0, $0xb8;
	[tilespmem:$0x14900] =	vst v63  }
0xcf: {  	v19 =	vld [tilespmem:$0xF0];
	_ =	sdelay $0x4  }
0xd0: {  	v20 =	vshll.u32 v19, $0x1  }
0xd1: {  	v19 =	vand.u32 $0x7, v19;
	v20 =	vand.u32 $0xFFFFFFF0, v20  }
0xd2: {  	v19 =	vor.u32 v19, v20  }
0xd3: {  	v20 =	vperm.xlane v19, v1;
	_ =	sdelay $0x1  }
0xd4: {  	v19 =	vperm.xlane v19, v3;
	v20 =	vadd.s32 v2, v20;
	_ =	sdelay $0x1  }
0xd5: {  	v19 =	vadd.s32 v2, v19;
	_ =	sdelay $0x2  }
0xd6: {  	[tilespmem:s18], [sflag:$0x2] =	stream.indirect_vreg.gather [hbm4b:s1+s28], $0x80, v20, vm0, $0xb8;
	[tilespmem:$0x14900] =	vst v63  }
0xd7: {  	_ = 	snop  }
0xd8: {  	[tilespmem:s19], [sflag:$0x2] =	stream.indirect_vreg.gather [hbm4b:s1+s28], $0x80, v19, vm0, $0xb8;
	[tilespmem:$0x14900] =	vst v63  }
0xd9: {  	_ =	swait.ge [sflag:s20], $0x8000  }
0xda: {  	[sflag:s20] =	ssyncset.done $0x0  }
0xdb: {  	[sflag:s20] =	ssyncadd.s32 $0xFFFF8000  }
0xdc: {  	_ =	swait.ge [sflag:s21], $0x8000  }
0xdd: {  	s10 =	sand.u32 $0x300, s28;
	s4 =	sand.u32 $0x7800, s28;
	[sflag:s21] =	ssyncset.done $0x0  }
0xde: {  	s0 =	sor.u32 s10, s4;
	[sflag:s21] =	ssyncadd.s32 $0xFFFF8000  }
0xdf: {  	v19 =	vld [tilespmem:s0+$0x8110]  }
0xe0: {  	s29 =	simm.s32 $0x80;
	v20 =	vld [tilespmem:s0+$0x110]  }
0xe1: {  	s29 =	sand.u32 $0x380, s29;
	v21 =	vld [tilespmem:s0+$0x8100]  }
0xe2: {  	s4 =	sor.u32 s4, s29;
	v22 =	vld [tilespmem:s0+$0x100]  }
0xe3: {  	v23 =	vld [tilespmem:s4+$0x8110]  }
0xe4: {  	v24 =	vld [tilespmem:s4+$0x100]  }
0xe5: {  	v25 =	vld [tilespmem:s4+$0x110]  }
0xe6: {  	v26 =	vld [tilespmem:s4+$0x8100];
	_ =	sdelay $0x3  }
0xe7: {  	v19 =	vmul.f32 v19, v20;
	v20 =	vmul.f32 v21, v22  }
0xe8: {  	v52 =	vmul.f32 v23, v25;
	v53 =	vmul.f32 v26, v24  }
0xe9: {  	v19 =	vadd.f32 v19, v20  }
0xea: {  	v20 =	vadd.f32 v52, v53  }
0xeb: {  	[tilespmem:$0x14100] =	vst v19  }
0xec: {  	[tilespmem:$0x14500] =	vst v20  }
0xed: {  	v19 =	vld [tilespmem:s4+$0x130]  }
0xee: {  	v20 =	vld [tilespmem:s4+$0x8130]  }
0xef: {  	v54 =	vld [tilespmem:s4+$0x120]  }
0xf0: {  	v55 =	vld [tilespmem:s0+$0x8120]  }
0xf1: {  	v56 =	vld [tilespmem:s4+$0x8120]  }
0xf2: {  	v57 =	vld [tilespmem:s0+$0x130]  }
0xf3: {  	v58 =	vld [tilespmem:s0+$0x8130]  }
0xf4: {  	v59 =	vld [tilespmem:s0+$0x120];
	_ =	sdelay $0x3  }
0xf5: {  	v19 =	vmul.f32 v20, v19;
	v20 =	vmul.f32 v56, v54  }
0xf6: {  	v60 =	vmul.f32 v58, v57;
	v22 =	vmul.f32 v55, v59  }
0xf7: {  	v19 =	vadd.f32 v19, v20  }
0xf8: {  	v20 =	vadd.f32 v60, v22  }
0xf9: {  	[tilespmem:$0x14580] =	vst v19  }
0xfa: {  	[tilespmem:$0x14180] =	vst v20  }
0xfb: {  	v19 =	vld [tilespmem:s4+$0x150]  }
0xfc: {  	v20 =	vld [tilespmem:s4+$0x8150]  }
0xfd: {  	v61 =	vld [tilespmem:s0+$0x8140]  }
0xfe: {  	v62 =	vld [tilespmem:s4+$0x8140]  }
0xff: {  	v63 =	vld [tilespmem:s0+$0x150]  }
0x100: {  	v28 =	vld [tilespmem:s0+$0x140]  }
0x101: {  	v29 =	vld [tilespmem:s4+$0x140]  }
0x102: {  	v30 =	vld [tilespmem:s0+$0x8150];
	_ =	sdelay $0x3  }
0x103: {  	v19 =	vmul.f32 v20, v19;
	v20 =	vmul.f32 v62, v29  }
0x104: {  	v21 =	vmul.f32 v61, v28;
	v31 =	vmul.f32 v30, v63  }
0x105: {  	v19 =	vadd.f32 v19, v20  }
0x106: {  	v20 =	vadd.f32 v31, v21  }
0x107: {  	[tilespmem:$0x14600] =	vst v19  }
0x108: {  	[tilespmem:$0x14200] =	vst v20  }
0x109: {  	v19 =	vld [tilespmem:s4+$0x8170]  }
0x10a: {  	v20 =	vld [tilespmem:s4+$0x8160]  }
0x10b: {  	v32 =	vld [tilespmem:s0+$0x170]  }
0x10c: {  	v33 =	vld [tilespmem:s0+$0x8160]  }
0x10d: {  	v34 =	vld [tilespmem:s0+$0x8170]  }
0x10e: {  	v35 =	vld [tilespmem:s4+$0x170]  }
0x10f: {  	v36 =	vld [tilespmem:s4+$0x160]  }
0x110: {  	v37 =	vld [tilespmem:s0+$0x160];
	_ =	sdelay $0x3  }
0x111: {  	v19 =	vmul.f32 v19, v35;
	v20 =	vmul.f32 v20, v36  }
0x112: {  	v21 =	vmul.f32 v34, v32;
	v22 =	vmul.f32 v33, v37  }
0x113: {  	v19 =	vadd.f32 v19, v20  }
0x114: {  	v20 =	vadd.f32 v21, v22  }
0x115: {  	[tilespmem:$0x14680] =	vst v19  }
0x116: {  	[tilespmem:$0x14280] =	vst v20  }
0x117: {  	v19 =	vld [tilespmem:s4+$0x510]  }
0x118: {  	v20 =	vld [tilespmem:s4+$0x8510]  }
0x119: {  	v38 =	vld [tilespmem:s0+$0x8500]  }
0x11a: {  	v39 =	vld [tilespmem:s0+$0x510]  }
0x11b: {  	v40 =	vld [tilespmem:s4+$0x8500]  }
0x11c: {  	v41 =	vld [tilespmem:s4+$0x500]  }
0x11d: {  	v42 =	vld [tilespmem:s0+$0x8510]  }
0x11e: {  	v43 =	vld [tilespmem:s0+$0x500];
	_ =	sdelay $0x3  }
0x11f: {  	v19 =	vmul.f32 v20, v19;
	v20 =	vmul.f32 v40, v41  }
0x120: {  	v22 =	vmul.f32 v42, v39;
	v21 =	vmul.f32 v38, v43  }
0x121: {  	v19 =	vadd.f32 v19, v20  }
0x122: {  	v20 =	vadd.f32 v22, v21  }
0x123: {  	[tilespmem:$0x14700] =	vst v19  }
0x124: {  	[tilespmem:$0x14300] =	vst v20  }
0x125: {  	v19 =	vld [tilespmem:s4+$0x8530]  }
0x126: {  	v20 =	vld [tilespmem:s0+$0x8520]  }
0x127: {  	v44 =	vld [tilespmem:s0+$0x8530]  }
0x128: {  	v45 =	vld [tilespmem:s4+$0x8520]  }
0x129: {  	v46 =	vld [tilespmem:s4+$0x530]  }
0x12a: {  	v47 =	vld [tilespmem:s0+$0x530]  }
0x12b: {  	v48 =	vld [tilespmem:s0+$0x520]  }
0x12c: {  	v49 =	vld [tilespmem:s4+$0x520];
	_ =	sdelay $0x3  }
0x12d: {  	v21 =	vmul.f32 v44, v47;
	v20 =	vmul.f32 v20, v48  }
0x12e: {  	v19 =	vmul.f32 v19, v46;
	v22 =	vmul.f32 v45, v49  }
0x12f: {  	v20 =	vadd.f32 v21, v20  }
0x130: {  	v19 =	vadd.f32 v19, v22  }
0x131: {  	[tilespmem:$0x14380] =	vst v20  }
0x132: {  	[tilespmem:$0x14780] =	vst v19  }
0x133: {  	v19 =	vld [tilespmem:s4+$0x8550]  }
0x134: {  	v20 =	vld [tilespmem:s0+$0x550]  }
0x135: {  	v50 =	vld [tilespmem:s4+$0x550]  }
0x136: {  	v51 =	vld [tilespmem:s0+$0x8540]  }
0x137: {  	v52 =	vld [tilespmem:s0+$0x8550]  }
0x138: {  	v53 =	vld [tilespmem:s4+$0x8540]  }
0x139: {  	v54 =	vld [tilespmem:s0+$0x540]  }
0x13a: {  	v55 =	vld [tilespmem:s4+$0x540];
	_ =	sdelay $0x3  }
0x13b: {  	v20 =	vmul.f32 v52, v20;
	v22 =	vmul.f32 v51, v54  }
0x13c: {  	v19 =	vmul.f32 v19, v50;
	v56 =	vmul.f32 v53, v55  }
0x13d: {  	v20 =	vadd.f32 v20, v22  }
0x13e: {  	v19 =	vadd.f32 v19, v56  }
0x13f: {  	[tilespmem:$0x14400] =	vst v20  }
0x140: {  	[tilespmem:$0x14800] =	vst v19  }
0x141: {  	v19 =	vld [tilespmem:s4+$0x8570]  }
0x142: {  	v20 =	vld [tilespmem:s0+$0x560]  }
0x143: {  	v57 =	vld [tilespmem:s0+$0x570]  }
0x144: {  	v58 =	vld [tilespmem:s0+$0x8570]  }
0x145: {  	v59 =	vld [tilespmem:s4+$0x8560]  }
0x146: {  	v60 =	vld [tilespmem:s4+$0x570]  }
0x147: {  	v61 =	vld [tilespmem:s0+$0x8560]  }
0x148: {  	v62 =	vld [tilespmem:s4+$0x560];
	_ =	sdelay $0x3  }
0x149: {  	v21 =	vmul.f32 v58, v57;
	v20 =	vmul.f32 v61, v20  }
0x14a: {  	v19 =	vmul.f32 v19, v60;
	v63 =	vmul.f32 v59, v62  }
0x14b: {  	v20 =	vadd.f32 v21, v20  }
0x14c: {  	v19 =	vadd.f32 v19, v63  }
0x14d: {  	[tilespmem:$0x14480] =	vst v20  }
0x14e: {  	s30 =	simm.s32 $0x2;
	s31 =	simm.s32 $0x0;
	s29 =	simm.s32 $0x0;
	[tilespmem:$0x14880] =	vst v19  }
.LBB2_4:
0x14f: {  	p0 =	sne.s32 s30, $0x7E;
	v19 =	vld.idx.msk [tilespmem:v0+s22+$0x0], $0xffff;
	s28 =	sadd.s32 $0x100, s28;
	s31 =	sadd.s32 $0x200, s31  }
0x150: {  	s0 =	smov.u32 s30;
	s30 =	sadd.s32 $0x2, s30  }
0x151: {  	v20 =	vld.idx.msk [tilespmem:v4+s22+$0x0], $0xffff;
	_ =	sdelay $0x1  }
0x152: {  	v21 =	vld.idx.msk [tilespmem:v5+s22+$0x0], $0xffff;
	_ =	sdelay $0x1  }
0x153: {  	v19 =	vadd.f32 $0.0e+00, v19;
	v22 =	vld.idx.msk [tilespmem:v6+s22+$0x0], $0xffff;
	_ =	sdelay $0x1  }
0x154: {  	v19 =	vadd.f32 v20, v19;
	v20 =	vld.idx.msk [tilespmem:v7+s22+$0x0], $0xffff;
	_ =	sdelay $0x1  }
0x155: {  	v19 =	vadd.f32 v21, v19;
	v21 =	vld.idx.msk [tilespmem:v8+s22+$0x0], $0xffff;
	_ =	sdelay $0x1  }
0x156: {  	v19 =	vadd.f32 v22, v19;
	v22 =	vld.idx.msk [tilespmem:v9+s22+$0x0], $0xffff;
	_ =	sdelay $0x1  }
0x157: {  	v19 =	vadd.f32 v20, v19;
	v20 =	vld.idx.msk [tilespmem:v10+s22+$0x0], $0xffff;
	_ =	sdelay $0x1  }
0x158: {  	v19 =	vadd.f32 v21, v19;
	v21 =	vld.idx.msk [tilespmem:v11+s22+$0x0], $0xffff;
	_ =	sdelay $0x1  }
0x159: {  	v19 =	vadd.f32 v22, v19;
	v22 =	vld.idx.msk [tilespmem:v12+s22+$0x0], $0xffff;
	_ =	sdelay $0x1  }
0x15a: {  	v19 =	vadd.f32 v20, v19;
	v20 =	vld.idx.msk [tilespmem:v13+s22+$0x0], $0xffff;
	_ =	sdelay $0x1  }
0x15b: {  	v19 =	vadd.f32 v21, v19;
	v21 =	vld.idx.msk [tilespmem:v14+s22+$0x0], $0xffff;
	_ =	sdelay $0x1  }
0x15c: {  	v19 =	vadd.f32 v22, v19;
	v22 =	vld.idx.msk [tilespmem:v15+s22+$0x0], $0xffff;
	_ =	sdelay $0x1  }
0x15d: {  	v19 =	vadd.f32 v20, v19;
	v20 =	vld.idx.msk [tilespmem:v16+s22+$0x0], $0xffff;
	_ =	sdelay $0x1  }
0x15e: {  	v19 =	vadd.f32 v21, v19;
	v21 =	vld.idx.msk [tilespmem:v17+s22+$0x0], $0xffff;
	_ =	sdelay $0x1  }
0x15f: {  	v19 =	vadd.f32 v22, v19;
	v22 =	vld.idx.msk [tilespmem:v18+s22+$0x0], $0xffff;
	_ =	sdelay $0x1  }
0x160: {  	v19 =	vadd.f32 v20, v19;
	_ =	sdelay $0x1  }
0x161: {  	v19 =	vadd.f32 v21, v19;
	_ =	sdelay $0x1  }
0x162: {  	v19 =	vadd.f32 v22, v19;
	_ =	sdelay $0x1  }
0x163: {  	v19 =	vmul.f32 $6.250000000e-02, v19;
	_ =	sdelay $0x1  }
0x164: {  	v19 =	vmul.f32 $1.442695020e+00, v19;
	_ =	sdelay $0x1  }
0x165: {  	(erf) = vpow2.f32 v19  }
0x166: {  	s4 =	sadd.s32 $0x1, s29  }
0x167: {  	v19 =	vmov s4  }
0x168: {  	v19 =	vsel vm1, s29, v19;
	s29 =	smov.u32 s0  }
0x169: {  	v19 =	vshll.u32 v19, $0x7  }
0x16a: {  	v19 =	vor.u32 v1, v19;
	_ =	sdelay $0x3  }
0x16b: {  	s4 =	sand.u32 $0x7800, s31;
	s0 =	sand.u32 $0x300, s28;
	v20 =	vpop (erf)  }
0x16c: {  	s0 =	sor.u32 s0, s4;
	[tilespmem:v19+s23+$0x0] =	vst.idx.msk $0xffff, v20  }
0x16d: {  	v19 =	vld [tilespmem:s0+$0x8110]  }
0x16e: {  	s10 =	sadd.s32 $0x80, s28;
	v20 =	vld [tilespmem:s0+$0x110]  }
0x16f: {  	s10 =	sand.u32 $0x380, s10;
	v21 =	vld [tilespmem:s0+$0x8100]  }
0x170: {  	s4 =	sor.u32 s4, s10;
	v22 =	vld [tilespmem:s0+$0x100]  }
0x171: {  	v23 =	vld [tilespmem:s4+$0x8110]  }
0x172: {  	v24 =	vld [tilespmem:s4+$0x100]  }
0x173: {  	v19 =	vmul.f32 v19, v20;
	v20 =	vld [tilespmem:s4+$0x110]  }
0x174: {  	v25 =	vld [tilespmem:s4+$0x8100]  }
0x175: {  	v21 =	vmul.f32 v21, v22;
	_ =	sdelay $0x1  }
0x176: {  	v19 =	vadd.f32 v19, v21  }
0x177: {  	v20 =	vmul.f32 v23, v20  }
0x178: {  	v21 =	vmul.f32 v25, v24;
	_ =	sdelay $0x1  }
0x179: {  	v20 =	vadd.f32 v20, v21  }
0x17a: {  	[tilespmem:$0x14100] =	vst v19  }
0x17b: {  	[tilespmem:$0x14500] =	vst v20  }
0x17c: {  	v19 =	vld [tilespmem:s4+$0x130]  }
0x17d: {  	v20 =	vld [tilespmem:s4+$0x8130]  }
0x17e: {  	v21 =	vld [tilespmem:s4+$0x120]  }
0x17f: {  	v22 =	vld [tilespmem:s0+$0x8120]  }
0x180: {  	v23 =	vld [tilespmem:s4+$0x8120]  }
0x181: {  	v24 =	vld [tilespmem:s0+$0x130]  }
0x182: {  	v25 =	vld [tilespmem:s0+$0x8130];
	v19 =	vmul.f32 v20, v19  }
0x183: {  	v20 =	vld [tilespmem:s0+$0x120];
	_ =	sdelay $0x1  }
0x184: {  	v21 =	vmul.f32 v23, v21;
	_ =	sdelay $0x1  }
0x185: {  	v23 =	vmul.f32 v25, v24;
	v19 =	vadd.f32 v19, v21  }
0x186: {  	v20 =	vmul.f32 v22, v20  }
0x187: {  	[tilespmem:$0x14580] =	vst v19  }
0x188: {  	v19 =	vadd.f32 v23, v20;
	_ =	sdelay $0x1  }
0x189: {  	[tilespmem:$0x14180] =	vst v19  }
0x18a: {  	v19 =	vld [tilespmem:s4+$0x150]  }
0x18b: {  	v20 =	vld [tilespmem:s4+$0x8150]  }
0x18c: {  	v21 =	vld [tilespmem:s0+$0x8140]  }
0x18d: {  	v22 =	vld [tilespmem:s4+$0x8140]  }
0x18e: {  	v23 =	vld [tilespmem:s0+$0x150]  }
0x18f: {  	v24 =	vld [tilespmem:s0+$0x140]  }
0x190: {  	v25 =	vld [tilespmem:s4+$0x140];
	v19 =	vmul.f32 v20, v19  }
0x191: {  	v20 =	vld [tilespmem:s0+$0x8150];
	_ =	sdelay $0x2  }
0x192: {  	v21 =	vmul.f32 v21, v24  }
0x193: {  	v22 =	vmul.f32 v22, v25  }
0x194: {  	v20 =	vmul.f32 v20, v23  }
0x195: {  	v19 =	vadd.f32 v19, v22  }
0x196: {  	v20 =	vadd.f32 v20, v21  }
0x197: {  	[tilespmem:$0x14600] =	vst v19  }
0x198: {  	[tilespmem:$0x14200] =	vst v20  }
0x199: {  	v19 =	vld [tilespmem:s4+$0x8170]  }
0x19a: {  	v20 =	vld [tilespmem:s4+$0x8160]  }
0x19b: {  	v21 =	vld [tilespmem:s0+$0x170]  }
0x19c: {  	v22 =	vld [tilespmem:s0+$0x8160]  }
0x19d: {  	v23 =	vld [tilespmem:s0+$0x8170]  }
0x19e: {  	v24 =	vld [tilespmem:s4+$0x170]  }
0x19f: {  	v25 =	vld [tilespmem:s4+$0x160]  }
0x1a0: {  	v26 =	vld [tilespmem:s0+$0x160];
	_ =	sdelay $0x1  }
0x1a1: {  	v21 =	vmul.f32 v23, v21  }
0x1a2: {  	v19 =	vmul.f32 v19, v24  }
0x1a3: {  	v20 =	vmul.f32 v20, v25  }
0x1a4: {  	v22 =	vmul.f32 v22, v26  }
0x1a5: {  	v19 =	vadd.f32 v19, v20  }
0x1a6: {  	v20 =	vadd.f32 v21, v22  }
0x1a7: {  	[tilespmem:$0x14680] =	vst v19  }
0x1a8: {  	[tilespmem:$0x14280] =	vst v20  }
0x1a9: {  	v19 =	vld [tilespmem:s4+$0x510]  }
0x1aa: {  	v20 =	vld [tilespmem:s4+$0x8510]  }
0x1ab: {  	v21 =	vld [tilespmem:s0+$0x8500]  }
0x1ac: {  	v22 =	vld [tilespmem:s0+$0x510]  }
0x1ad: {  	v23 =	vld [tilespmem:s4+$0x8500]  }
0x1ae: {  	v24 =	vld [tilespmem:s4+$0x500]  }
0x1af: {  	v25 =	vld [tilespmem:s0+$0x8510];
	v19 =	vmul.f32 v20, v19  }
0x1b0: {  	v20 =	vld [tilespmem:s0+$0x500];
	_ =	sdelay $0x2  }
0x1b1: {  	v23 =	vmul.f32 v23, v24  }
0x1b2: {  	v22 =	vmul.f32 v25, v22  }
0x1b3: {  	v20 =	vmul.f32 v21, v20;
	v19 =	vadd.f32 v19, v23;
	_ =	sdelay $0x1  }
0x1b4: {  	v20 =	vadd.f32 v22, v20;
	[tilespmem:$0x14700] =	vst v19;
	_ =	sdelay $0x1  }
0x1b5: {  	[tilespmem:$0x14300] =	vst v20  }
0x1b6: {  	v19 =	vld [tilespmem:s4+$0x8530]  }
0x1b7: {  	v20 =	vld [tilespmem:s0+$0x8520]  }
0x1b8: {  	v21 =	vld [tilespmem:s0+$0x8530]  }
0x1b9: {  	v22 =	vld [tilespmem:s4+$0x8520]  }
0x1ba: {  	v23 =	vld [tilespmem:s4+$0x530]  }
0x1bb: {  	v24 =	vld [tilespmem:s0+$0x530]  }
0x1bc: {  	v25 =	vld [tilespmem:s0+$0x520]  }
0x1bd: {  	v26 =	vld [tilespmem:s4+$0x520];
	_ =	sdelay $0x1  }
0x1be: {  	v19 =	vmul.f32 v19, v23  }
0x1bf: {  	v21 =	vmul.f32 v21, v24  }
0x1c0: {  	v20 =	vmul.f32 v20, v25  }
0x1c1: {  	v22 =	vmul.f32 v22, v26  }
0x1c2: {  	v20 =	vadd.f32 v21, v20  }
0x1c3: {  	v19 =	vadd.f32 v19, v22  }
0x1c4: {  	[tilespmem:$0x14380] =	vst v20  }
0x1c5: {  	[tilespmem:$0x14780] =	vst v19  }
0x1c6: {  	v19 =	vld [tilespmem:s4+$0x8550]  }
0x1c7: {  	v20 =	vld [tilespmem:s0+$0x550]  }
0x1c8: {  	v21 =	vld [tilespmem:s4+$0x550]  }
0x1c9: {  	v22 =	vld [tilespmem:s0+$0x8540]  }
0x1ca: {  	v23 =	vld [tilespmem:s0+$0x8550]  }
0x1cb: {  	v24 =	vld [tilespmem:s4+$0x8540]  }
0x1cc: {  	v25 =	vld [tilespmem:s0+$0x540]  }
0x1cd: {  	v26 =	vld [tilespmem:s4+$0x540];
	_ =	sdelay $0x1  }
0x1ce: {  	v20 =	vmul.f32 v23, v20  }
0x1cf: {  	v19 =	vmul.f32 v19, v21  }
0x1d0: {  	v21 =	vmul.f32 v22, v25  }
0x1d1: {  	v22 =	vmul.f32 v24, v26  }
0x1d2: {  	v20 =	vadd.f32 v20, v21  }
0x1d3: {  	v19 =	vadd.f32 v19, v22  }
0x1d4: {  	[tilespmem:$0x14400] =	vst v20  }
0x1d5: {  	[tilespmem:$0x14800] =	vst v19  }
0x1d6: {  	v19 =	vld [tilespmem:s4+$0x8570]  }
0x1d7: {  	v20 =	vld [tilespmem:s0+$0x560]  }
0x1d8: {  	v21 =	vld [tilespmem:s0+$0x570]  }
0x1d9: {  	v22 =	vld [tilespmem:s0+$0x8570]  }
0x1da: {  	v23 =	vld [tilespmem:s4+$0x8560]  }
0x1db: {  	v24 =	vld [tilespmem:s4+$0x570]  }
0x1dc: {  	v25 =	vld [tilespmem:s0+$0x8560]  }
0x1dd: {  	v26 =	vld [tilespmem:s4+$0x560]  }
0x1de: {  	v21 =	vmul.f32 v22, v21;
	_ =	sdelay $0x1  }
0x1df: {  	v19 =	vmul.f32 v19, v24  }
0x1e0: {  	v20 =	vmul.f32 v25, v20  }
.Ltmp5:
0x1e1: {  	v22 =	vmul.f32 v23, v26;
	(pc) =	sbr.rel @p0 .LBB2_4-.Ltmp5, $4  }
0x1e2: {  	v20 =	vadd.f32 v21, v20  }
0x1e3: {  	v19 =	vadd.f32 v19, v22  }
0x1e4: {  	[tilespmem:$0x14480] =	vst v20  }
0x1e5: {  	[tilespmem:$0x14880] =	vst v19  }
0x1e6: {  	_ =	sdelay $0x3  }
0x1e7: {  	v19 =	vld.idx.msk [tilespmem:v0+s22+$0x0], $0xffff;
	_ =	sdelay $0x1  }
0x1e8: {  	v20 =	vld.idx.msk [tilespmem:v4+s22+$0x0], $0xffff;
	_ =	sdelay $0x1  }
0x1e9: {  	v21 =	vld.idx.msk [tilespmem:v5+s22+$0x0], $0xffff  }
0x1ea: {  	v19 =	vadd.f32 $0.0e+00, v19  }
0x1eb: {  	v22 =	vld.idx.msk [tilespmem:v6+s22+$0x0], $0xffff  }
0x1ec: {  	v19 =	vadd.f32 v20, v19  }
0x1ed: {  	v20 =	vld.idx.msk [tilespmem:v7+s22+$0x0], $0xffff  }
0x1ee: {  	v19 =	vadd.f32 v21, v19  }
0x1ef: {  	v56 =	vld.idx.msk [tilespmem:v8+s22+$0x0], $0xffff  }
0x1f0: {  	v19 =	vadd.f32 v22, v19  }
0x1f1: {  	v57 =	vld.idx.msk [tilespmem:v9+s22+$0x0], $0xffff  }
0x1f2: {  	v19 =	vadd.f32 v20, v19  }
0x1f3: {  	v20 =	vld.idx.msk [tilespmem:v10+s22+$0x0], $0xffff  }
0x1f4: {  	v19 =	vadd.f32 v56, v19  }
0x1f5: {  	v58 =	vld.idx.msk [tilespmem:v11+s22+$0x0], $0xffff  }
0x1f6: {  	v19 =	vadd.f32 v57, v19  }
0x1f7: {  	v59 =	vld.idx.msk [tilespmem:v12+s22+$0x0], $0xffff  }
0x1f8: {  	v19 =	vadd.f32 v20, v19  }
0x1f9: {  	v20 =	vld.idx.msk [tilespmem:v13+s22+$0x0], $0xffff  }
0x1fa: {  	v19 =	vadd.f32 v58, v19  }
0x1fb: {  	v60 =	vld.idx.msk [tilespmem:v14+s22+$0x0], $0xffff  }
0x1fc: {  	v19 =	vadd.f32 v59, v19  }
0x1fd: {  	v61 =	vld.idx.msk [tilespmem:v15+s22+$0x0], $0xffff  }
0x1fe: {  	v19 =	vadd.f32 v20, v19  }
0x1ff: {  	v20 =	vld.idx.msk [tilespmem:v16+s22+$0x0], $0xffff  }
0x200: {  	v19 =	vadd.f32 v60, v19  }
0x201: {  	v62 =	vld.idx.msk [tilespmem:v17+s22+$0x0], $0xffff  }
0x202: {  	v19 =	vadd.f32 v61, v19  }
0x203: {  	v63 =	vld.idx.msk [tilespmem:v18+s22+$0x0], $0xffff  }
0x204: {  	v19 =	vadd.f32 v20, v19;
	_ =	sdelay $0x1  }
0x205: {  	v19 =	vadd.f32 v62, v19;
	_ =	sdelay $0x1  }
0x206: {  	v19 =	vadd.f32 v63, v19;
	_ =	sdelay $0x1  }
0x207: {  	v19 =	vmul.f32 $6.250000000e-02, v19;
	_ =	sdelay $0x1  }
0x208: {  	v19 =	vmul.f32 $1.442695020e+00, v19;
	_ =	sdelay $0x1  }
0x209: {  	(erf) = vpow2.f32 v19  }
0x20a: {  	s0 =	sadd.s32 $0x1, s29  }
0x20b: {  	v19 =	vmov s0  }
0x20c: {  	v19 =	vsel vm1, s29, v19  }
0x20d: {  	v19 =	vshll.u32 v19, $0x7  }
0x20e: {  	v19 =	vor.u32 v1, v19;
	_ =	sdelay $0x3  }
0x20f: {  	s31 =	sshll.u32 s26, $0xB;
	v20 =	vpop (erf)  }
.Ltmp6:
0x210: {  	s4 =	simm.s32 $0x0;
	s0 =	sadd.s32 s8, s31;
	[tilespmem:v19+s23+$0x0] =	vst.idx.msk $0xffff, v20;
	(pc) =	sbr.rel .LBB2_6-.Ltmp6, $4  }
0x211: {  	[hbm4b:s0+s4] =	stream.linear.scatter [tilespmem:s23], [sflag:$0x3], $0x4000, $0x38;
	[tilespmem:$0x14900] =	vst v63  }
0x212: {  	_ =	swait.ge [sflag:s24], $0x4000  }
0x213: {  	[sflag:s24] =	ssyncset.done $0x0  }
0x214: {  	[sflag:s24] =	ssyncadd.s32 $0xFFFFC000  }
.LBB2_8:
0x215: {  	_ =	sfence.sel $0x180000  }
0x216: {  	[bflag:$0x0] =	sbarrier.arrive $0xFFFF  }
0x217: {  	_ =	strace $0x90000047  }
0x218: {  	s0 =	stileid.u32;
	[bflag:$0x2] =	sbarrier.arrive $0xFFFF  }
0x219: {  	p0 =	sne.s32 s0, $0x0;
	s0 =	rddreg [dreg:$0x3]  }
0x21a: {  	s0 =	sadd.s32 @!p0 $0x100000, s0  }
0x21b: {  	[sflag:s0] =	ssyncadd.tile.s32 @!p0 $0x1;
	_ =	shalt  }
.Lfunc_end2:
_tile_overlayer_lowered:
.L_overlay_start_2:
0x21c: {  	(tag) =	ssettag $0x2  }
0x21d: {  	s0 =	rddreg [dreg:$0x0];
	s2 =	stileid.u32  }
0x21e: {  	s1 =	rddreg [dreg:$0x1];
	p0 =	sne.s32 s2, $0x0  }
0x21f: {  	s3 =	rddreg [dreg:$0x2];
	[bflag:$0x3] =	sbarrier.arrive $0xFFFF;
	s2 =	simm.s32 @!p0 $0x1C03  }
0x220: {  	[timem:s3], [sflag:s2] =	dma.local @!p0 [hbm:s0], s1  }
0x221: {  	s0 =	simm.s32 @!p0 $0x3  }
0x222: {  	_ =	swait.ge @!p0 [sflag:s0], s1  }
0x223: {  	s1 =	ssub.s32 @!p0 $0x0, s1;
	[sflag:s0] =	ssyncset.done @!p0 $0x0  }
0x224: {  	[sflag:s0] =	ssyncadd.s32 @!p0 s1  }
0x225: {  	[bflag:$0x3] =	sbarrier.arrive $0xFFFF  }
0x226: {  	_ =	shalt  }

// kernel: scatter_offload_async_start.1
scs
__scs_entry_jumppad:
0x0: {  	(pc) =	sbr.rel $0x88, $3  }
0x1: {  	(tag) =	ssettag $0x0;
	lr =	simm.s32 $0x1  }
0x2: {  	[smem:$0x3F96] =	sst lr;
	_ =	strace $0xD0000000  }
0x3: {  	_ = 	snop  }
0x4: {  	_ = 	snop  }
0x5: {  	_ = 	snop  }
0x6: {  	_ = 	snop  }
0x7: {  	_ = 	snop  }
__scs_overlays_trampoline_lowered:
0x8: {  	[smem:$0x3FA5] =	sst s0  }
0x9: {  	[smem:$0x3FA6] =	sst s1  }
0xa: {  	[smem:$0x3FA7] =	sst s2  }
0xb: {  	[smem:$0x3FA8] =	sst s3  }
0xc: {  	[smem:$0x3FA9] =	sst s4  }
0xd: {  	[smem:$0x3FAA] =	sst s5  }
0xe: {  	[smem:$0x3FAB] =	sst s6  }
0xf: {  	[smem:$0x3FAC] =	sst s7  }
0x10: {  	[smem:$0x3FAD] =	sst s8  }
0x11: {  	[smem:$0x3FAE] =	sst s9;
	s0 =	simm.s32 @!p0 $0x0  }
0x12: {  	s1 =	sld [smem:$0x3F94];
	s0 =	simm.s32 @p0 $0x1  }
0x13: {  	[smem:$0x3FAF] =	sst s0;
	s0 =	simm.s32 @!p1 $0x0  }
0x14: {  	s2 =	sld [smem:$0x3F93];
	s0 =	simm.s32 @p1 $0x1  }
0x15: {  	[smem:$0x3FB0] =	sst s0;
	s0 =	simm.s32 @!p2 $0x0  }
0x16: {  	s3 =	sld [smem:$0x3FDB];
	s0 =	simm.s32 @p2 $0x1  }
0x17: {  	s4 =	simm.s32 $0x1BF5;
	[smem:$0x3FB2] =	sst s0  }
0x18: {  	s0 =	sld [smem:$0x3F95];
	_ =	swait.ge [sflag:s4], $0x0  }
0x19: {  	s7 =	sld [smem:$0x3F96]  }
0x1a: {  	s8 =	sadd.s32 $0xFFFFE003, lr  }
0x1b: {  	s9 =	sadd.s32 $0xFFFFFEF7, lr;
	s5 =	simm.s32 $0xFFFFFFFF;
	p2 =	slt.u32 s8, $0xFFFFF086  }
0x1c: {  	p1 =	slt.u32 s9, $0xF7A;
	s5 =	simm.s32 @!p2 $0x0  }
0x1d: {  	s5 =	simm.s32 @p1 $0x1;
	p0 =	seq.s32 s7, s2  }
0x1e: {  	s7 =	smul.u32 @!p0 $0xF7A, s2;
	p2 =	seq.s32 @!p0 s5, $0x0  }
0x1f: {  	s9 =	smul.u32 $0xF7A, s1;
	s8 =	simm.s32 @!p0 $0x1BF5;
	p2 =	por !p2, p0  }
0x20: {  	[sflag:s8] =	ssyncset.s32 @!p0 $0xFFFFF086;
	s6 =	sadd.s32 @!p0 s3, s7;
	s7 =	simm.s32 @!p0 $0x108  }
0x21: {  	s3 =	sadd.s32 s3, s9;
	s6 =	sadd.s32 @!p0 $0x88, s6;
	s7 =	simm.s32 @p2 $0x1082  }
0x22: {  	[simem:s7], [sflag:s8] =	dma.local @!p0 [hbm:s6], $0xF7A  }
0x23: {  	s9 =	sor.u32 $0xD0000000, s2;
	s6 =	simm.s32 $0x108;
	_ =	swait.ge @!p0 [sflag:s8], $0x0  }
0x24: {  	s3 =	sadd.s32 $0x88, s3;
	s6 =	simm.s32 @!p1 $0x1082;
	[sflag:s4] =	ssyncset.s32 $0xFFFFF086  }
0x25: {  	[simem:s6], [sflag:s4] =	dma.local [hbm:s3], $0xF7A  }
0x26: {  	[smem:$0x3F96] =	sst s1;
	(tag) =	ssettag s2;
	_ =	strace s9  }
0x27: {  	s1 =	sld [smem:$0x3FA6]  }
0x28: {  	s2 =	sld [smem:$0x3FA7]  }
0x29: {  	s4 =	sld [smem:$0x3FA9]  }
0x2a: {  	p0 =	seq.s32 s5, $0x0;
	s5 =	sld [smem:$0x3FAA]  }
0x2b: {  	s6 =	sld [smem:$0x3FAB]  }
0x2c: {  	s7 =	sld [smem:$0x3FAC]  }
0x2d: {  	s3 =	simm.s32 $0x108;
	s8 =	sld [smem:$0x3FAD]  }
0x2e: {  	s3 =	simm.s32 @!p0 $0x1082;
	s9 =	sld [smem:$0x3FAE]  }
0x2f: {  	lr =	sadd.s32 s0, s3;
	s0 =	sld [smem:$0x3FA5]  }
0x30: {  	s3 =	sld [smem:$0x3FA8]  }
0x31: {  	[smem:$0x3FB1] =	sst s10  }
0x32: {  	s10 =	sld [smem:$0x3FAF];
	_ =	sdelay $0x3  }
0x33: {  	p0 =	seq.s32 s10, $0x1;
	s10 =	sld [smem:$0x3FB1];
	_ =	sdelay $0x3  }
0x34: {  	[smem:$0x3FB1] =	sst s10  }
0x35: {  	s10 =	sld [smem:$0x3FB0];
	_ =	sdelay $0x3  }
0x36: {  	p1 =	seq.s32 s10, $0x1;
	s10 =	sld [smem:$0x3FB1];
	_ =	sdelay $0x3  }
0x37: {  	[smem:$0x3FB1] =	sst s10  }
0x38: {  	s10 =	sld [smem:$0x3FB2]  }
0x39: {  	_ = 	snop;
	(pc) =	sbr.ind lr, $3  }
0x3a: {  	_ = 	snop  }
0x3b: {  	_ = 	snop  }
0x3c: {  	p2 =	seq.s32 s10, $0x1;
	s10 =	sld [smem:$0x3FB1]  }
0x3d: {  	_ =	shalt  }
0x3e: {  	_ =	shalt  }
0x3f: {  	_ =	shalt  }
0x40: {  	_ =	shalt  }
0x41: {  	_ =	shalt  }
0x42: {  	_ =	shalt  }
0x43: {  	_ =	shalt  }
0x44: {  	_ =	shalt  }
0x45: {  	_ =	shalt  }
0x46: {  	_ =	shalt  }
0x47: {  	_ =	shalt  }
0x48: {  	_ =	shalt  }
0x49: {  	_ =	shalt  }
0x4a: {  	_ =	shalt  }
0x4b: {  	_ =	shalt  }
0x4c: {  	_ =	shalt  }
0x4d: {  	_ =	shalt  }
0x4e: {  	_ =	shalt  }
0x4f: {  	_ =	shalt  }
0x50: {  	_ =	shalt  }
0x51: {  	_ =	shalt  }
0x52: {  	_ =	shalt  }
0x53: {  	_ =	shalt  }
0x54: {  	_ =	shalt  }
0x55: {  	_ =	shalt  }
0x56: {  	_ =	shalt  }
0x57: {  	_ =	shalt  }
0x58: {  	_ =	shalt  }
0x59: {  	_ =	shalt  }
0x5a: {  	_ =	shalt  }
0x5b: {  	_ =	shalt  }
0x5c: {  	_ =	shalt  }
0x5d: {  	_ =	shalt  }
0x5e: {  	_ =	shalt  }
0x5f: {  	_ =	shalt  }
0x60: {  	_ =	shalt  }
0x61: {  	_ =	shalt  }
0x62: {  	_ =	shalt  }
0x63: {  	_ =	shalt  }
0x64: {  	_ =	shalt  }
0x65: {  	_ =	shalt  }
0x66: {  	_ =	shalt  }
0x67: {  	_ =	shalt  }
0x68: {  	_ =	shalt  }
0x69: {  	_ =	shalt  }
0x6a: {  	_ =	shalt  }
0x6b: {  	_ =	shalt  }
0x6c: {  	_ =	shalt  }
0x6d: {  	_ =	shalt  }
0x6e: {  	_ =	shalt  }
0x6f: {  	_ =	shalt  }
0x70: {  	_ =	shalt  }
0x71: {  	_ =	shalt  }
0x72: {  	_ =	shalt  }
0x73: {  	_ =	shalt  }
0x74: {  	_ =	shalt  }
0x75: {  	_ =	shalt  }
0x76: {  	_ =	shalt  }
0x77: {  	_ =	shalt  }
0x78: {  	_ =	shalt  }
0x79: {  	_ =	shalt  }
0x7a: {  	_ =	shalt  }
0x7b: {  	_ =	shalt  }
0x7c: {  	_ =	shalt  }
0x7d: {  	_ =	shalt  }
0x7e: {  	_ =	shalt  }
0x7f: {  	_ =	shalt  }
0x80: {  	_ =	shalt  }
0x81: {  	_ =	shalt  }
0x82: {  	_ =	shalt  }
0x83: {  	_ =	shalt  }
0x84: {  	_ =	shalt  }
0x85: {  	_ =	shalt  }
0x86: {  	_ =	shalt  }
0x87: {  	_ =	shalt  }
.Lfunc_end0:
.L_simem_size_0:
called_computation.1_lowered:
.L_overlay_start_0:
0x88: {  	s2 =	sld [smem:$0x3FD9]  }
0x89: {  	s3 =	sld [smem:$0x3FFE];
	_ =	sdelay $0x1  }
0x8a: {  	s1 =	srdreg.scid  }
0x8b: {  	s0 =	sand.u32 $0x1, s1  }
0x8c: {  	s13 =	sshll.u32 s0, $0xA;
	s2 =	sadd.s32 s3, s2  }
0x8d: {  	s2 =	sadd.s32 s2, s13  }
0x8e: {  	[smem:$0x3FBD] =	sst s2  }
0x8f: {  	_ = 	snop  }
0x90: {  	s2 =	sld [smem:$0x3FD0];
	_ =	sdelay $0x2  }
0x91: {  	s14 =	simm.s32 $0xA;
	s4 =	simm.s32 $0x10  }
0x92: {  	[smem:s4], [sflag:s14] =	dma.local [hbm:s2], $0x1  }
0x93: {  	_ =	swait.eq [sflag:s14], $0x1  }
0x94: {  	[sflag:s14] =	ssyncset.done $0x0  }
0x95: {  	[sflag:s14] =	ssyncadd.s32 $0xFFFFFFFF  }
0x96: {  	s15 =	sld [smem:$0x10];
	(tm) =	ssettm $0x1  }
0x97: {  	s16 =	sld [smem:$0x3FFB];
	_ =	sdelay $0x3  }
0x98: {  	_ =	strace s16  }
0x99: {  	s3 =	sld [smem:$0x3FFC];
	_ =	sdelay $0x3  }
0x9a: {  	_ =	strace s3  }
0x9b: {  	s3 =	sld [smem:$0x3FFD];
	_ =	sdelay $0x3  }
0x9c: {  	_ =	strace s3  }
0x9d: {  	_ =	strace $0x8FFFFFFF  }
0x9e: {  	s17 =	sld [smem:$0x3FDB];
	_ =	sdelay $0x1  }
0x9f: {  	s18 =	simm.s32 $_scs_section_size  }
0xa0: {  	s5 =	simm.s32 $_size__tile_overlayer_lowered;
	s6 =	simm.s32 $_tile_overlayer_lowered  }
0xa1: {  	s21 =	simm.s32 $0x1BFF;
	s20 =	sshll.u32 s6, $0x1;
	s3 =	sadd.s32 s18, s17  }
0xa2: {  	s7 =	simm.s32 $0x0;
	s19 =	sshll.u32 s5, $0x1;
	s5 =	sadd.s32 s20, s3  }
0xa3: {  	[timem:s7], [sflag:s21] =	dma.local [hbm:s5], s19  }
0xa4: {  	_ =	swait.ge [sflag:s21], s19  }
0xa5: {  	s4 =	ssub.s32 $0x0, s19;
	[sflag:s21] =	ssyncset.done $0x0  }
0xa6: {  	[sflag:s21] =	ssyncadd.s32 s4;
	_ =	sdelay $0x1  }
0xa7: {  	s22 =	simm.s32 $0x1B8B  }
0xa8: {  	_ =	swait.ge [sflag:s22], $0x1  }
0xa9: {  	[sflag:s22] =	ssyncset.done $0x0  }
0xaa: {  	s23 =	sld [smem:$0x3FFE];
	[sflag:s22] =	ssyncadd.s32 $0xFFFFFFFF  }
0xab: {  	s25 =	simm.s32 $0x1B8E;
	s24 =	sld [smem:$0x0]  }
0xac: {  	s26 =	simm.s32 $execute0_lowered;
	[smem:$0x3FD2] =	sst s25  }
0xad: {  	s6 =	sshll.u32 s26, $0x1;
	_ =	strace $0x8000004F;
	[dreg:$0x1] =	wrdreg $0xFFFFFFFF  }
0xae: {  	s28 =	simm.s32 $_size_execute0_lowered;
	s3 =	sadd.s32 s3, s6;
	[dreg:$0x0] =	wrdreg $0x0  }
0xaf: {  	s6 =	sshll.u32 s28, $0x1;
	[dreg:$0x2] =	wrdreg s3  }
0xb0: {  	[dreg:$0x3] =	wrdreg s6  }
0xb1: {  	[dreg:$0x4] =	wrdreg $0xC0  }
0xb2: {  	_ =	task [dreg:s7], $0x5FFFF  }
0xb3: {  	[dreg:$0x1] =	wrdreg $0xFFFFFFFF  }
0xb4: {  	[dreg:$0x0] =	wrdreg $0x60  }
0xb5: {  	[dreg:$0x2] =	wrdreg s15  }
0xb6: {  	[dreg:$0x3] =	wrdreg s23  }
0xb7: {  	[dreg:$0x4] =	wrdreg s1  }
0xb8: {  	[dreg:$0x5] =	wrdreg s24  }
0xb9: {  	[dreg:$0x6] =	wrdreg $0x9  }
0xba: {  	_ =	task.clear_ibuf [dreg:s7], $0x7FFFF;
	_ =	strace $0x9000004F  }
0xbb: {  	s29 =	simm.s32 $0x9;
	_ =	strace $0x80000051  }
0xbc: {  	_ =	swait.ge [sflag:s29], $0x1  }
0xbd: {  	[sflag:s29] =	ssyncadd.s32 $0xFFFFFFFF  }
0xbe: {  	_ =	strace $0x90000051  }
0xbf: {  	_ =	sfence  }
0xc0: {  	s30 =	sld [smem:$0x0];
	_ =	sdelay $0x2  }
0xc1: {  	s31 =	sshll.u32 s1, $0xD;
	s1 =	sshrl.u32 s1, $0x2  }
0xc2: {  	s3 =	sand.u32 $0x4000, s31;
	s1 =	sadd.s32 s1, s30  }
0xc3: {  	s0 =	sor.u32 s3, s0;
	s1 =	sshll.u32 s1, $0x11  }
0xc4: {  	s0 =	sor.u32 s1, s0  }
0xc5: {  	s0 =	sadd.s32 $0x8F2B, s0  }
0xc6: {  	[sflag:s0] =	ssyncadd.remote.s32 $0x1  }
0xc7: {  	_ =	sfence.sel $0xFFFF  }
0xc8: {  	[dreg:$0x0] =	wrdreg $0xFFFFFFFF;
	(pc) =	sbr.abs _section_cstart, $3  }
0xc9: {  	[dreg:$0x1] =	wrdreg $0xFFFFFFFF  }
0xca: {  	_ =	task.clear_ibuf [dreg:s7], $0x2FFFF;
	_ =	strace $0x9FFFFFFF  }
0xcb: {  	(tm) =	ssettm $0x7FFFFFFF  }
tec
execute0_lowered:
.L_overlay_start_1:
0x0: {  	(tag) =	ssettag $0x1  }
0x1: {  	s1 =	rddreg [dreg:$0x0]  }
0x2: {  	s2 =	rddreg [dreg:$0x1]  }
0x3: {  	s3 =	rddreg [dreg:$0x2];
	_ =	strace $0x80000050;
	s0 =	simm.s32 $0x1  }
0x4: {  	s5 =	simm.s32 $0x208;
	v0 =	vimm.s32 $0x0;
	[sflag:s0] =	ssyncpa.u1 $0x0  }
0x5: {  	[tilespmem:s5+$0x70] =	vst v0  }
0x6: {  	[tilespmem:s5+$0x60] =	vst v0  }
0x7: {  	[tilespmem:s5+$0x50] =	vst v0  }
0x8: {  	[tilespmem:s5+$0x40] =	vst v0  }
0x9: {  	[tilespmem:s5+$0x30] =	vst v0  }
0xa: {  	s0 =	sadd.s32 $0x2C9200, s2;
	s6 =	sadd.s32 $0xF08200, s2;
	[tilespmem:s5+$0x20] =	vst v0  }
0xb: {  	s4 =	sadd.s32 $0x2CE200, s2;
	s10 =	sand.u32 $0x1, s3;
	s2 =	simm.s32 $0x40;
	[tilespmem:s5+$0x10] =	vst v0  }
.LBB2_1:
0xc: {  	s2 =	sadd.s32 $0x40, s2;
	[tilespmem:s5+$0x0] =	vst v0;
	s5 =	sadd.s32 $0x80, s5  }
0xd: {  	p0 =	slt.u32 s2, $0x3880;
	[tilespmem:s5+$0x70] =	vst v0  }
0xe: {  	[tilespmem:s5+$0x60] =	vst v0  }
.Ltmp0:
0xf: {  	[tilespmem:s5+$0x50] =	vst v0;
	(pc) =	sbr.rel @p0 .LBB2_1-.Ltmp0, $4  }
0x10: {  	[tilespmem:s5+$0x40] =	vst v0  }
0x11: {  	[tilespmem:s5+$0x30] =	vst v0  }
0x12: {  	[tilespmem:s5+$0x20] =	vst v0  }
0x13: {  	[tilespmem:s5+$0x10] =	vst v0  }
0x14: {  	s11 =	stileid.u32  }
0x15: {  	s2 =	smul.u32 $0x2C, s11  }
0x16: {  	s3 =	smin.u32 s11, $0xB  }
0x17: {  	s2 =	sadd.s32 s3, s2  }
0x18: {  	p0 =	slt.u32 s11, $0xB;
	s20 =	smul.u32 $0x70, s2;
	s2 =	simm.s32 $0x13B0  }
0x19: {  	s2 =	simm.s32 @!p0 $0x1340  }
0x1a: {  	s2 =	sadd.s32 s2, s20  }
0x1b: {  	s8 =	smin.u32 s2, $0x13880  }
0x1c: {  	s26 =	simm.s32 $0x2;
	s2 =	ssub.s32 s8, s20  }
0x1d: {  	s9 =	simm.s32 $0x9;
	s29 =	simm.s32 $0xA;
	p0 =	sgt.s32 s2, $0x0  }
0x1e: {  	s30 =	simm.s32 $0xB;
	s31 =	smul.u32 $0x2710, s10;
	s2 =	simm.s32 @!p0 $0x0  }
0x1f: {  	[dreg:$0x5] =	wrdreg s10;
	s12 =	simm.s32 $0x1;
	s25 =	smulhi.u32 $0x92492493, s2  }
0x20: {  	s24 =	simm.s32 $0x0;
	p1 =	por $0x0, $0x0;
	s18 =	simm.s32 $0x80  }
0x21: {  	s19 =	simm.s32 $0x400;
	s17 =	simm.s32 $0xC;
	s3 =	sshrl.u32 s25, $0x6  }
0x22: {  	s21 =	simm.s32 $0x0;
	s23 =	simm.s32 $0x0;
	s28 =	smul.u32 $0x70, s3  }
.Ltmp1:
0x23: {  	[tilespmem:s5+$0x0] =	vst v0;
	v0 =	vimm.s32 $0xFFFFFFFF;
	[sflag:s26] =	ssyncpa.u1 $0x0;
	s16 =	sshll.u32 s11, $0x9;
	(pc) =	sbr.rel .LBB2_3-.Ltmp1, $4  }
0x24: {  	[tilespmem:$0xE408] =	vst v0;
	[sflag:s9] =	ssyncpa.u1 $0x0;
	p0 =	sne.s32 s2, s28;
	s2 =	simm.s32 $0x1  }
0x25: {  	s14 =	sadd.s32 s31, s4;
	[sflag:s29] =	ssyncpa.u1 $0x0;
	s2 =	simm.s32 @!p0 $0x0  }
0x26: {  	s15 =	sadd.s32 s31, s0;
	[sflag:s30] =	ssyncpa.u1 $0x0;
	s13 =	sadd.s32 s2, s3  }
0x27: {  	v0 =	vlaneseq.u32;
	s22 =	smov.u32 s20;
	p0 =	por $0x1, $0x1;
	s11 =	sadd.s32 $0x1, s13  }
.LBB2_24:
0x28: {  	s2 =	sshrl.u32 s4, $0x2  }
.LBB2_26:
0x29: {  	_ =	swait.ge [sflag:s17], s2  }
0x2a: {  	s31 =	ssub.s32 $0x0, s2;
	v1 =	vmov s26;
	vm0 =	veq.s32 v0, $0x0;
	[sflag:s17] =	ssyncset.done $0x0  }
0x2b: {  	vm15 =	veq.s32 v0, $0x2;
	v1 =	vsel vm0, s0, v1;
	[sflag:s17] =	ssyncadd.s32 s31  }
0x2c: {  	v1 =	vsel vm15, s24, v1;
	[sflag:s17] =	ssyncpa.u1 $0x1  }
0x2d: {  	[tilespmem:$0xE408] =	vst v1  }
.LBB2_27:
0x2e: {  	s0 =	sadd.s32 $0x70, s22  }
0x2f: {  	s2 =	smov.u32 s20;
	p2 =	slt.s32 s0, s8  }
0x30: {  	s2 =	smov.u32 @p2 s0;
	p2 =	sne.s32 s23, s11  }
.Ltmp2:
0x31: {  	_ = 	snop;
	(pc) =	sbr.rel @!p2 .LBB2_28-.Ltmp2, $4  }
0x32: {  	_ = 	snop  }
0x33: {  	s24 =	smov.u32 s21  }
0x34: {  	s31 =	sadd.s32 $0x1, s23;
	s21 =	smov.u32 s22;
	p0 =	por !p0, !p0  }
0x35: {  	p1 =	por !p1, !p1;
	s23 =	smov.u32 s31;
	s22 =	smov.u32 s2  }
.LBB2_3:
0x36: {  	p2 =	sge.u32 s23, s13  }
0x37: {  	s0 =	smulhi.u32 @!p2 $0xAAAAAAAB, s23  }
0x38: {  	s2 =	smov.u32 s22;
	p3 =	sgt.s32 @!p2 s22, $0x13810  }
0x39: {  	s3 =	sshra.s32 @!p2 s22, $0x1F;
	p3 =	por !p3, p2;
	s0 =	sshrl.u32 @!p2 s0, $0x1  }
0x3a: {  	s3 =	sand.u32 @!p2 s3, s22;
	s2 =	simm.s32 @p3 $0x13810;
	s0 =	smul.u32 @!p2 $0x3, s0  }
0x3b: {  	s2 =	ssub.s32 @!p2 s2, s3  }
0x3c: {  	s2 =	sadd.s32 @!p2 $0xFFFEC7F0, s2;
	s0 =	ssub.s32 @!p2 s23, s0  }
0x3d: {  	s3 =	sshll.u32 @!p2 s2, $0x2;
	p3 =	sgt.s32 @!p2 s2, $0x6F;
	s0 =	smul.u32 @!p2 $0x1C0, s0  }
0x3e: {  	s4 =	sand.u32 @!p2 $0x7, s22;
	s2 =	ssub.s32 @!p2 $0x1C0, s3;
	p3 =	por !p3, p2  }
0x3f: {  	s3 =	sshrl.u32 @!p2 s22, $0x3;
	s2 =	sshrl.u32 @!p2 s2, $0x2;
	s0 =	sshrl.u32 @!p2 s0, $0x2  }
0x40: {  	s3 =	sadd.s32 @!p2 s3, s14;
	s2 =	simm.s32 @!p3 $0x0;
	s0 =	sadd.s32 @!p2 $0x10448, s0  }
0x41: {  	[tilespmem:s0], [sflag:$0xA] =	stream.linear.gather @!p2 [hbm4b:s3+s4], s2, $0x38;
	[tilespmem:$0x1E678] =	vst v63  }
0x42: {  	s2 =	sadd.s32 $0xFFFFFFFF, s23  }
0x43: {  	p2 =	sge.u32 s2, s13  }
0x44: {  	p3 =	sgt.s32 @!p2 s21, $0x13810  }
0x45: {  	s0 =	smov.u32 s21;
	s3 =	sshra.s32 @!p2 s21, $0x1F;
	p3 =	por !p3, p2  }
0x46: {  	s3 =	sand.u32 @!p2 s3, s21;
	s0 =	simm.s32 @p3 $0x13810  }
0x47: {  	s0 =	ssub.s32 @!p2 s0, s3  }
0x48: {  	s0 =	sadd.s32 @!p2 $0xFFFEC7F0, s0  }
0x49: {  	s3 =	sshll.u32 @!p2 s0, $0x2  }
0x4a: {  	p3 =	sgt.s32 @!p2 s0, $0x6F;
	s0 =	ssub.s32 @!p2 $0x1C0, s3  }
0x4b: {  	p3 =	por !p3, p2;
	s0 =	sshrl.u32 @!p2 s0, $0x2  }
0x4c: {  	s4 =	simm.s32 @!p2 $0xA;
	s3 =	sand.u32 @!p2 $0x1, s2;
	s0 =	simm.s32 @!p3 $0x0  }
0x4d: {  	s3 =	smul.u32 @!p2 $0x1C0, s3;
	_ =	swait.ge @!p2 [sflag:s4], s0  }
0x4e: {  	s5 =	ssub.s32 @!p2 $0x0, s0;
	[sflag:s4] =	ssyncset.done @!p2 $0x0  }
0x4f: {  	s3 =	sshrl.u32 @!p2 s3, $0x2;
	[sflag:s4] =	ssyncadd.s32 @!p2 s5;
	s4 =	sshrl.u32 @!p2 s21, $0x3  }
0x50: {  	s3 =	sadd.s32 @!p2 $0x10598, s3;
	s5 =	sand.u32 @!p2 $0x7, s21;
	s4 =	sadd.s32 @!p2 s4, s15  }
0x51: {  	[tilespmem:s3], [sflag:$0xB] =	stream.linear.gather @!p2 [hbm4b:s4+s5], s0, $0x38;
	[tilespmem:$0x1E678] =	vst v63  }
0x52: {  	s0 =	ssub.s32 @!p2 $0x13880, s21  }
0x53: {  	p3 =	slt.s32 @!p2 s0, $0x1  }
0x54: {  	p3 =	por p2, p3  }
.Ltmp3:
0x55: {  	_ = 	snop;
	(pc) =	sbr.rel @p3 .LBB2_9-.Ltmp3, $1  }
0x56: {  	_ =	sdelay $0x3  }
0x57: {  	s3 =	smulhi.u32 $0xAAAAAAAB, s2;
	_ =	sdelay $0x1  }
0x58: {  	s3 =	sshrl.u32 s3, $0x1  }
0x59: {  	s3 =	smul.u32 $0x3, s3;
	_ =	sdelay $0x1  }
0x5a: {  	s30 =	ssub.s32 s2, s3  }
0x5b: {  	s4 =	simm.s32 $0x1;
	s2 =	smul.u32 $0x1C0, s30  }
.Ltmp4:
0x5c: {  	s4 =	simm.s32 @!p0 $0x0;
	(pc) =	sbr.rel .LBB2_6-.Ltmp4, $4  }
0x5d: {  	s31 =	smul.u32 $0x1C000, s4  }
0x5e: {  	p3 =	slt.s32 @!p2 s0, $0x70;
	s2 =	sshrl.u32 s2, $0x2  }
0x5f: {  	p2 =	por !p3, p2;
	s3 =	sshrl.u32 s31, $0x2;
	s5 =	sadd.s32 $0x10448, s2  }
0x60: {  	s0 =	simm.s32 @p2 $0x70;
	s4 =	sor.u32 $0x10678, s3;
	s2 =	simm.s32 $0x0;
	v1 =	vmov s5  }
.LBB2_5:
0x61: {  	p2 =	sge.s32 s2, s0  }
.Ltmp5:
0x62: {  	_ = 	snop;
	(pc) =	sbr.rel @p2 .LBB2_9-.Ltmp5, $2  }
0x63: {  	_ =	sdelay $0x2  }
0x64: {  	s4 =	sadd.s32 $0x1000, s4  }
.LBB2_6:
0x65: {  	p2 =	sle.s32 s0, s2  }
.Ltmp6:
0x66: {  	_ = 	snop;
	(pc) =	sbr.rel @p2 .LBB2_5-.Ltmp6, $2  }
0x67: {  	_ =	sdelay $0x2  }
0x68: {  	s5 =	smov.u32 s2;
	s2 =	sadd.s32 $0x10, s2  }
0x69: {  	s3 =	ssub.s32 s0, s5  }
0x6a: {  	p2 =	slt.s32 s3, $0x10  }
0x6b: {  	s3 =	simm.s32 @!p2 $0x10  }
0x6c: {  	v2 =	vmov s3  }
0x6d: {  	vm0 =	vgt.s32 v2, v0;
	_ =	sdelay $0x5  }
0x6e: {  	v2 =	vld.idx.msk [tilespmem:v1+s5+$0x0 ss:$0x1], vm0;
	_ =	sdelay $0x2  }
0x6f: {  	p2 =	slt.s32 s2, s0;
	s3 =	smov.u32 s0  }
0x70: {  	s9 =	smov.u32 s4;
	s25 =	simm.s32 $0x0;
	s3 =	smov.u32 @p2 s2  }
.LBB2_8:
0x71: {  	(v2sf) =	vpush v2, s25;
	_ =	sdelay $0xe  }
0x72: {  	s25 =	sadd.s32 $0x1, s25;
	s10 =	spop (v2sf)  }
0x73: {  	s31 =	sadd.s32 s25, s5;
	s26 =	sshll.u32 s10, $0x8;
	s10 =	sshll.u32 s10, $0x7  }
0x74: {  	p2 =	slt.s32 s31, s3;
	s26 =	sand.u32 $0xFFFFF800, s26;
	s10 =	sand.u32 $0x380, s10  }
.Ltmp7:
0x75: {  	s10 =	sor.u32 s10, s26;
	(pc) =	sbr.rel @p2 .LBB2_8-.Ltmp7, $4  }
0x76: {  	s10 =	sshrl.u32 s10, $0x3  }
0x77: {  	s10 =	sadd.s32 s6, s10  }
0x78: {  	[tilespmem:s9], [sflag:$0x9] =	stream.strided.gather [hbm4b:s10+s18], $0x100, s19, s18, $0x38;
	[tilespmem:$0x1E678] =	vst v63  }
0x79: {  	s9 =	sadd.s32 $0x100, s9  }
.Ltmp8:
0x7a: {  	_ = 	snop;
	(pc) =	sbr.rel .LBB2_5-.Ltmp8, $1  }
0x7b: {  	_ =	sdelay $0x3  }
.LBB2_9:
0x7c: {  	p2 =	slt.u32 s23, $0x2  }
.Ltmp9:
0x7d: {  	_ = 	snop;
	(pc) =	sbr.rel @p2 .LBB2_27-.Ltmp9, $1  }
0x7e: {  	_ =	sdelay $0x3  }
0x7f: {  	p2 =	sgt.s32 s24, $0x13810  }
0x80: {  	s0 =	smov.u32 s24;
	s2 =	sshra.s32 s24, $0x1F;
	s3 =	ssub.s32 $0x13880, s24  }
0x81: {  	s0 =	simm.s32 @!p2 $0x13810;
	s2 =	sand.u32 s2, s24;
	p2 =	slt.s32 s3, $0x70  }
0x82: {  	s0 =	ssub.s32 s0, s2;
	s3 =	simm.s32 @!p2 $0x70  }
0x83: {  	s0 =	sadd.s32 $0xFFFEC7F0, s0;
	s9 =	sshll.u32 s3, $0x8  }
0x84: {  	s26 =	simm.s32 $0x9;
	s10 =	sshll.u32 s0, $0x2;
	s2 =	sand.u32 $0x3FFFFF00, s9  }
0x85: {  	p2 =	sgt.s32 s0, $0x6F;
	s25 =	ssub.s32 $0x1C0, s10;
	_ =	swait.ge [sflag:s26], s2  }
0x86: {  	s2 =	ssub.s32 $0x0, s2;
	[sflag:s26] =	ssyncset.done $0x0;
	s0 =	sshrl.u32 s25, $0x2  }
0x87: {  	s29 =	simm.s32 $0xB;
	[sflag:s26] =	ssyncadd.s32 s2;
	s0 =	simm.s32 @p2 $0x0  }
0x88: {  	_ =	swait.ge [sflag:s29], s0  }
0x89: {  	s0 =	ssub.s32 $0x0, s0;
	[sflag:s29] =	ssyncset.done $0x0  }
0x8a: {  	[sflag:s29] =	ssyncadd.s32 s0  }
0x8b: {  	v1 =	vld [tilespmem:$0xE408];
	_ =	sdelay $0x4  }
0x8c: {  	(v2sf) =	vpush v1, $0x0  }
0x8d: {  	(v2sf) =	vpush v1, $0x1  }
0x8e: {  	(v2sf) =	vpush v1, $0x2;
	_ =	sdelay $0x3  }
0x8f: {  	s0 =	sadd.s32 $0x70, s24  }
0x90: {  	s2 =	ssub.s32 $0x27100, s24;
	p2 =	slt.s32 s8, s0  }
0x91: {  	s0 =	smov.u32 @p2 s8;
	p2 =	sgt.s32 s2, $0x0  }
0x92: {  	s0 =	ssub.s32 s0, s24;
	s2 =	simm.s32 @!p2 $0x0  }
0x93: {  	p2 =	slt.s32 s2, s0  }
0x94: {  	s0 =	smov.u32 @p2 s2  }
0x95: {  	s4 =	simm.s32 $0x1;
	p2 =	slt.s32 s0, $0x1  }
.Ltmp10:
0x96: {  	s4 =	simm.s32 @!p1 $0x0;
	(pc) =	sbr.rel @p2 .LBB2_14-.Ltmp10, $4  }
0x97: {  	s30 =	smul.u32 $0x1C0, s4  }
0x98: {  	s5 =	spop (v2sf)  }
0x99: {  	s31 =	sshrl.u32 s30, $0x2;
	s28 =	spop (v2sf)  }
0x9a: {  	s25 =	sadd.s32 $0x10598, s31;
	s24 =	spop (v2sf)  }
0x9b: {  	s2 =	smin.u32 s0, $0x10  }
0x9c: {  	v1 =	vmov s2  }
0x9d: {  	vm1 =	vgt.u32 v1, v0  }
0x9e: {  	p3 =	sgt.s32 s0, $0x10  }
.Ltmp11:
0x9f: {  	_ = 	snop;
	(pc) =	sbr.rel @!p3 .LBB2_13-.Ltmp11, $2  }
0xa0: {  	_ =	sdelay $0x2  }
0xa1: {  	s26 =	simm.s32 $0x10;
	s29 =	sadd.s32 $0xFFFFFFF0, s0;
	s2 =	smov.u32 s25;
	vm0 =	vmmov vm1;
	v1 =	vld.msk [tilespmem:s25+$0x0 ss:$0x1], vm1  }
.LBB2_12:
0xa2: {  	s3 =	smin.u32 s29, $0x10;
	s26 =	sadd.s32 $0x10, s26  }
0xa3: {  	v2 =	vmov s3;
	p3 =	slt.s32 s26, s0  }
0xa4: {  	vm1 =	vgt.u32 v2, v0;
	_ =	sdelay $0x1  }
0xa5: {  	v2 =	vshll.u32 v1, $0x5;
	v1 =	vshll.u32 v1, $0x4  }
.Ltmp12:
0xa6: {  	v2 =	vand.u32 $0xFFFFFF00, v2;
	v1 =	vand.u32 $0x70, v1;
	(pc) =	sbr.rel @p3 .LBB2_12-.Ltmp12, $4  }
0xa7: {  	v1 =	vor.u32 v1, v2  }
0xa8: {  	[tilespmem:s2+$0x0] =	vst.msk vm0, v1;
	s2 =	sadd.s32 $0x10, s2;
	vm0 =	vmmov vm1  }
0xa9: {  	v1 =	vld.msk [tilespmem:s2+$0x0 ss:$0x1], vm1  }
0xaa: {  	s29 =	sadd.s32 $0xFFFFFFF0, s29  }
.LBB2_13:
0xab: {  	_ =	sdelay $0x3  }
0xac: {  	v2 =	vshll.u32 v1, $0x5;
	v1 =	vshll.u32 v1, $0x4  }
0xad: {  	v2 =	vand.u32 $0xFFFFFF00, v2;
	v1 =	vand.u32 $0x70, v1  }
0xae: {  	v1 =	vor.u32 v1, v2  }
0xaf: {  	[tilespmem:s2+$0x0] =	vst.msk vm0, v1  }
.LBB2_14:
0xb0: {  	s2 =	sand.u32 $0x1, s23  }
0xb1: {  	s2 =	smul.u32 $0x70, s2  }
0xb2: {  	p3 =	sne.s32 s28, $0xFFFFFFFF  }
0xb3: {  	v1 =	vld.msk @!p3 [tilespmem:s2+$0x10598], $0x1;
	_ =	sdelay $0x4  }
0xb4: {  	(v2sf) =	vpush @!p3 v1, $0x0;
	_ =	sdelay $0xc  }
.Ltmp13:
0xb5: {  	_ = 	snop;
	(pc) =	sbr.rel @p2 .LBB2_25-.Ltmp13, $4  }
0xb6: {  	_ = 	snop  }
0xb7: {  	s31 =	spop @!p3 (v2sf)  }
0xb8: {  	s24 =	simm.s32 @!p3 $0x0;
	s26 =	smov.u32 s31  }
0xb9: {  	[sflag:s17] =	ssyncpa.u1 $0x0;
	s31 =	smov.u32 @p3 s5;
	s26 =	smov.u32 @p3 s28  }
0xba: {  	v1 =	vld.msk [tilespmem:s25+$0x0], $0x1;
	_ =	sdelay $0x4  }
0xbb: {  	(v2sf) =	vpush v1, $0x0;
	_ =	sdelay $0xe  }
0xbc: {  	s7 =	smov.u32 s11;
	s5 =	spop (v2sf)  }
0xbd: {  	s17 =	smov.u32 s15;
	s2 =	smul.u32 $0x1C000, s4;
	p2 =	seq.s32 s31, s5  }
0xbe: {  	s3 =	smov.u32 s31;
	s29 =	ssub.s32 $0x0, s0;
	p3 =	sgt.s32 @!p2 s31, $0x0  }
0xbf: {  	s30 =	simm.s32 $0x0;
	s2 =	sshrl.u32 s2, $0x2;
	p3 =	por !p3, p2  }
0xc0: {  	s0 =	sadd.s32 $0x1, s29;
	s28 =	sor.u32 $0x106F8, s2;
	s3 =	simm.s32 @p3 $0x0  }
0xc1: {  	s2 =	simm.s32 @!p2 $0x1;
	p3 =	seq.s32 s0, $0x0;
	s3 =	smin.u32 @!p2 s3, $0x4E170  }
.Ltmp14:
0xc2: {  	s4 =	simm.s32 @!p2 $0x7308;
	s9 =	sand.u32 @!p2 $0x7FFF8, s3;
	(pc) =	sbr.rel @p3 .LBB2_17-.Ltmp14, $4  }
0xc3: {  	s10 =	sadd.s32 @!p2 $0x80, s3;
	s11 =	sadd.s32 @!p2 s1, s9;
	s9 =	sand.u32 @!p2 $0x7, s3  }
0xc4: {  	[tilespmem:s4], [sflag:$0x2] =	stream.linear.gather @!p2 [hbm4b:s11+s9], $0x80, $0x38;
	[tilespmem:$0x1E678] =	vst v63  }
0xc5: {  	s15 =	smov.u32 s14;
	s2 =	smov.u32 @p2 s30;
	s4 =	sand.u32 @!p2 $0xFFFF8, s10  }
0xc6: {  	s3 =	simm.s32 @!p2 $0x7388;
	s10 =	sadd.s32 @!p2 s1, s4;
	s4 =	sadd.s32 $0x1, s25  }
.LBB2_16:
0xc7: {  	s11 =	smov.u32 s2  }
0xc8: {  	[tilespmem:s3], [sflag:$0x2] =	stream.linear.gather @!p2 [hbm4b:s10+s9], $0x80, $0x38;
	[tilespmem:$0x1E678] =	vst v63  }
0xc9: {  	s0 =	sadd.s32 $0x1, s0;
	s9 =	smov.u32 s5;
	v1 =	vld.msk [tilespmem:s4+$0x0], $0x1  }
0xca: {  	p3 =	seq.s32 s0, $0x0;
	_ =	sdelay $0x3  }
0xcb: {  	(v2sf) =	vpush v1, $0x0;
	_ =	sdelay $0xe  }
0xcc: {  	s5 =	spop (v2sf)  }
0xcd: {  	p2 =	seq.s32 s9, s5  }
0xce: {  	p4 =	sgt.s32 @!p2 s9, $0x0;
	s3 =	sshll.u32 @!p2 s2, $0xA;
	s2 =	sadd.s32 @!p2 $0x1, s2  }
0xcf: {  	p4 =	por !p4, p2;
	s3 =	sshra.s32 @!p2 s3, $0x2;
	s2 =	smov.u32 @p2 s11  }
0xd0: {  	s9 =	simm.s32 @p4 $0x0;
	s10 =	sadd.s32 @!p2 $0x7308, s3;
	s3 =	sadd.s32 @!p2 $0x7388, s3  }
.Ltmp15:
0xd1: {  	s9 =	smin.u32 @!p2 s9, $0x4E170;
	(pc) =	sbr.rel @!p3 .LBB2_16-.Ltmp15, $4  }
0xd2: {  	s11 =	sand.u32 @!p2 $0x7FFF8, s9;
	s14 =	sadd.s32 @!p2 $0x80, s9  }
0xd3: {  	s9 =	sand.u32 @!p2 $0x7, s9;
	s11 =	sadd.s32 @!p2 s1, s11;
	s14 =	sand.u32 @!p2 $0xFFFF8, s14  }
0xd4: {  	[tilespmem:s10], [sflag:$0x2] =	stream.linear.gather @!p2 [hbm4b:s11+s9], $0x80, $0x38;
	[tilespmem:$0x1E678] =	vst v63  }
0xd5: {  	s4 =	sadd.s32 $0x1, s4;
	s10 =	sadd.s32 @!p2 s1, s14  }
.LBB2_17:
0xd6: {  	[tilespmem:s3], [sflag:$0x2] =	stream.linear.gather @!p2 [hbm4b:s10+s9], $0x80, $0x38;
	[tilespmem:$0x1E678] =	vst v63  }
0xd7: {  	s0 =	sshll.u32 s2, $0x8  }
.Ltmp16:
0xd8: {  	s14 =	simm.s32 $0x2;
	s0 =	sand.u32 $0x3FFFFF00, s0;
	(pc) =	sbr.rel .LBB2_18-.Ltmp16, $4  }
0xd9: {  	_ =	swait.ge [sflag:s14], s0  }
0xda: {  	s0 =	ssub.s32 $0x0, s0;
	[sflag:s14] =	ssyncset.done $0x0  }
0xdb: {  	s4 =	simm.s32 $0x0;
	s11 =	smov.u32 s7;
	[sflag:s14] =	ssyncadd.s32 s0  }
0xdc: {  	s14 =	smov.u32 s15;
	s15 =	smov.u32 s17;
	s17 =	simm.s32 $0xC  }
.LBB2_19:
0xdd: {  	v1 =	vld [tilespmem:s28+$0xFFFFFF80];
	_ =	sdelay $0x4  }
0xde: {  	[tilespmem:s5+$0x208] =	vst.add.f32.msk $0xffff, v1  }
0xdf: {  	v1 =	vld [tilespmem:s28+$0xFFFFFF90];
	_ =	sdelay $0x4  }
0xe0: {  	[tilespmem:s5+$0x218] =	vst.add.f32.msk $0xffff, v1  }
0xe1: {  	v1 =	vld [tilespmem:s28+$0xFFFFFFA0];
	_ =	sdelay $0x4  }
0xe2: {  	[tilespmem:s5+$0x228] =	vst.add.f32.msk $0xffff, v1  }
0xe3: {  	v1 =	vld [tilespmem:s28+$0xFFFFFFB0];
	_ =	sdelay $0x4  }
0xe4: {  	[tilespmem:s5+$0x238] =	vst.add.f32.msk $0xffff, v1  }
0xe5: {  	v1 =	vld [tilespmem:s28+$0xFFFFFFC0];
	_ =	sdelay $0x4  }
0xe6: {  	[tilespmem:s5+$0x248] =	vst.add.f32.msk $0xffff, v1  }
0xe7: {  	v1 =	vld [tilespmem:s28+$0xFFFFFFD0];
	_ =	sdelay $0x4  }
0xe8: {  	[tilespmem:s5+$0x258] =	vst.add.f32.msk $0xffff, v1  }
0xe9: {  	v1 =	vld [tilespmem:s28+$0xFFFFFFE0];
	_ =	sdelay $0x4  }
0xea: {  	[tilespmem:s5+$0x268] =	vst.add.f32.msk $0xffff, v1  }
0xeb: {  	v1 =	vld [tilespmem:s28+$0xFFFFFFF0];
	_ =	sdelay $0x4  }
0xec: {  	[tilespmem:s5+$0x278] =	vst.add.f32.msk $0xffff, v1  }
0xed: {  	v1 =	vld [tilespmem:s28+$0x0];
	_ =	sdelay $0x4  }
0xee: {  	[tilespmem:s5+$0x288] =	vst.add.f32.msk $0xffff, v1  }
0xef: {  	v1 =	vld [tilespmem:s28+$0x10];
	_ =	sdelay $0x4  }
0xf0: {  	[tilespmem:s5+$0x298] =	vst.add.f32.msk $0xffff, v1  }
0xf1: {  	v1 =	vld [tilespmem:s28+$0x20];
	_ =	sdelay $0x4  }
0xf2: {  	[tilespmem:s5+$0x2A8] =	vst.add.f32.msk $0xffff, v1  }
0xf3: {  	v1 =	vld [tilespmem:s28+$0x30];
	_ =	sdelay $0x4  }
0xf4: {  	[tilespmem:s5+$0x2B8] =	vst.add.f32.msk $0xffff, v1  }
0xf5: {  	v1 =	vld [tilespmem:s28+$0x40];
	_ =	sdelay $0x4  }
0xf6: {  	[tilespmem:s5+$0x2C8] =	vst.add.f32.msk $0xffff, v1  }
0xf7: {  	v1 =	vld [tilespmem:s28+$0x50];
	_ =	sdelay $0x4  }
0xf8: {  	[tilespmem:s5+$0x2D8] =	vst.add.f32.msk $0xffff, v1  }
0xf9: {  	v1 =	vld [tilespmem:s28+$0x60];
	_ =	sdelay $0x4  }
0xfa: {  	[tilespmem:s5+$0x2E8] =	vst.add.f32.msk $0xffff, v1  }
0xfb: {  	v1 =	vld [tilespmem:s28+$0x70];
	_ =	sdelay $0x4  }
0xfc: {  	[tilespmem:s5+$0x2F8] =	vst.add.f32.msk $0xffff, v1  }
.LBB2_23:
0xfd: {  	s29 =	sadd.s32 $0x1, s29  }
0xfe: {  	p2 =	seq.s32 s29, $0x0  }
.Ltmp17:
0xff: {  	_ = 	snop;
	(pc) =	sbr.rel @p2 .LBB2_24-.Ltmp17, $2  }
0x100: {  	_ =	sdelay $0x2  }
0x101: {  	s25 =	sadd.s32 $0x1, s25;
	s28 =	sadd.s32 $0x100, s28;
	s31 =	smov.u32 s0  }
.LBB2_18:
0x102: {  	v1 =	vld.msk [tilespmem:s25+$0x0], $0x1;
	_ =	sdelay $0x4  }
0x103: {  	(v2sf) =	vpush v1, $0x0;
	_ =	sdelay $0xe  }
0x104: {  	s0 =	spop (v2sf)  }
0x105: {  	p2 =	sne.s32 s31, s0  }
.Ltmp18:
0x106: {  	_ = 	snop;
	(pc) =	sbr.rel @!p2 .LBB2_19-.Ltmp18, $3  }
0x107: {  	_ =	sdelay $0x1  }
0x108: {  	s2 =	sshll.u32 s24, $0xA  }
0x109: {  	s5 =	sshra.s32 s2, $0x2  }
0x10a: {  	p2 =	seq.s32 s31, s26  }
.Ltmp19:
0x10b: {  	_ = 	snop;
	(pc) =	sbr.rel @!p2 .LBB2_21-.Ltmp19, $1  }
0x10c: {  	_ =	sdelay $0x3  }
.Ltmp20:
0x10d: {  	s2 =	sadd.s32 $0x208, s5;
	(pc) =	sbr.rel .LBB2_22-.Ltmp20, $4  }
0x10e: {  	[spmem:s16] =	stream.linear.scatter [tilespmem:s2], [sflag:$0x1], $0x100, $0x38;
	[tilespmem:$0x1E678] =	vst v63  }
0x10f: {  	_ =	swait.ge [sflag:s12], $0x100  }
0x110: {  	[sflag:s12] =	ssyncset.done $0x0  }
0x111: {  	[sflag:s12] =	ssyncadd.s32 $0xFFFFFF00  }
.LBB2_21:
0x112: {  	s2 =	sshll.u32 s30, $0xA  }
0x113: {  	s2 =	sshra.s32 s2, $0x2  }
0x114: {  	v1 =	vld [tilespmem:s2+$0x7308];
	_ =	sdelay $0x4  }
0x115: {  	[tilespmem:s5+$0x208] =	vst.add.f32.msk $0xffff, v1  }
0x116: {  	v1 =	vld [tilespmem:s2+$0x7318];
	_ =	sdelay $0x4  }
0x117: {  	[tilespmem:s5+$0x218] =	vst.add.f32.msk $0xffff, v1  }
0x118: {  	v1 =	vld [tilespmem:s2+$0x7328];
	_ =	sdelay $0x4  }
0x119: {  	[tilespmem:s5+$0x228] =	vst.add.f32.msk $0xffff, v1  }
0x11a: {  	v1 =	vld [tilespmem:s2+$0x7338];
	_ =	sdelay $0x4  }
0x11b: {  	[tilespmem:s5+$0x238] =	vst.add.f32.msk $0xffff, v1  }
0x11c: {  	v1 =	vld [tilespmem:s2+$0x7348];
	_ =	sdelay $0x4  }
0x11d: {  	[tilespmem:s5+$0x248] =	vst.add.f32.msk $0xffff, v1  }
0x11e: {  	v1 =	vld [tilespmem:s2+$0x7358];
	_ =	sdelay $0x4  }
0x11f: {  	[tilespmem:s5+$0x258] =	vst.add.f32.msk $0xffff, v1  }
0x120: {  	v1 =	vld [tilespmem:s2+$0x7368];
	_ =	sdelay $0x4  }
0x121: {  	[tilespmem:s5+$0x268] =	vst.add.f32.msk $0xffff, v1  }
0x122: {  	v1 =	vld [tilespmem:s2+$0x7378];
	_ =	sdelay $0x4  }
0x123: {  	[tilespmem:s5+$0x278] =	vst.add.f32.msk $0xffff, v1  }
0x124: {  	v1 =	vld [tilespmem:s2+$0x7388];
	_ =	sdelay $0x4  }
0x125: {  	[tilespmem:s5+$0x288] =	vst.add.f32.msk $0xffff, v1  }
0x126: {  	v1 =	vld [tilespmem:s2+$0x7398];
	_ =	sdelay $0x4  }
0x127: {  	[tilespmem:s5+$0x298] =	vst.add.f32.msk $0xffff, v1  }
0x128: {  	v1 =	vld [tilespmem:s2+$0x73A8];
	_ =	sdelay $0x4  }
0x129: {  	[tilespmem:s5+$0x2A8] =	vst.add.f32.msk $0xffff, v1  }
0x12a: {  	v1 =	vld [tilespmem:s2+$0x73B8];
	_ =	sdelay $0x4  }
0x12b: {  	[tilespmem:s5+$0x2B8] =	vst.add.f32.msk $0xffff, v1  }
0x12c: {  	v1 =	vld [tilespmem:s2+$0x73C8];
	_ =	sdelay $0x4  }
0x12d: {  	[tilespmem:s5+$0x2C8] =	vst.add.f32.msk $0xffff, v1  }
0x12e: {  	v1 =	vld [tilespmem:s2+$0x73D8];
	_ =	sdelay $0x4  }
0x12f: {  	[tilespmem:s5+$0x2D8] =	vst.add.f32.msk $0xffff, v1  }
0x130: {  	v1 =	vld [tilespmem:s2+$0x73E8];
	_ =	sdelay $0x4  }
0x131: {  	[tilespmem:s5+$0x2E8] =	vst.add.f32.msk $0xffff, v1  }
0x132: {  	v1 =	vld [tilespmem:s2+$0x73F8];
	_ =	sdelay $0x2  }
0x133: {  	p2 =	sgt.u32 s31, $0x4E170  }
0x134: {  	s2 =	sand.u32 @!p2 $0x7FFF8, s31  }
0x135: {  	s3 =	sadd.s32 $0x208, s5;
	s9 =	sand.u32 @!p2 $0x7, s31;
	s2 =	sadd.s32 @!p2 s1, s2;
	[tilespmem:s5+$0x2F8] =	vst.add.f32.msk $0xffff, v1  }
0x136: {  	[hbm4b:s2+s9] =	stream.linear.scatter @!p2 [tilespmem:s3], [sflag:$0xC], $0x80, $0x38;
	[tilespmem:$0x1E678] =	vst v63  }
0x137: {  	s2 =	sadd.s32 @!p2 $0x80, s31  }
0x138: {  	s2 =	sand.u32 @!p2 $0xFFFF8, s2  }
0x139: {  	s3 =	sadd.s32 $0x288, s5;
	s2 =	sadd.s32 @!p2 s1, s2  }
0x13a: {  	[hbm4b:s2+s9] =	stream.linear.scatter @!p2 [tilespmem:s3], [sflag:$0xC], $0x80, $0x38;
	[tilespmem:$0x1E678] =	vst v63  }
0x13b: {  	s2 =	simm.s32 $0x0  }
0x13c: {  	s2 =	simm.s32 @!p2 $0x400  }
0x13d: {  	s4 =	sadd.s32 s2, s4  }
.LBB2_22:
0x13e: {  	s2 =	sadd.s32 $0x1, s24  }
0x13f: {  	s3 =	sshrl.u32 s2, $0x4  }
0x140: {  	s3 =	smulhi.u32 $0x24924925, s3  }
0x141: {  	v1 =	vld [tilespmem:s28+$0xFFFFFF80]  }
0x142: {  	s3 =	smul.u32 $0x70, s3;
	_ =	sdelay $0x1  }
0x143: {  	s24 =	ssub.s32 s2, s3  }
0x144: {  	s2 =	sshll.u32 s24, $0x8  }
0x145: {  	[tilespmem:s2+$0x208] =	vst v1  }
0x146: {  	v1 =	vld [tilespmem:s28+$0xFFFFFF90];
	_ =	sdelay $0x4  }
0x147: {  	[tilespmem:s2+$0x218] =	vst v1  }
0x148: {  	v1 =	vld [tilespmem:s28+$0xFFFFFFA0];
	_ =	sdelay $0x4  }
0x149: {  	[tilespmem:s2+$0x228] =	vst v1  }
0x14a: {  	v1 =	vld [tilespmem:s28+$0xFFFFFFB0];
	_ =	sdelay $0x4  }
0x14b: {  	[tilespmem:s2+$0x238] =	vst v1  }
0x14c: {  	v1 =	vld [tilespmem:s28+$0xFFFFFFC0];
	_ =	sdelay $0x4  }
0x14d: {  	[tilespmem:s2+$0x248] =	vst v1  }
0x14e: {  	v1 =	vld [tilespmem:s28+$0xFFFFFFD0];
	_ =	sdelay $0x4  }
0x14f: {  	[tilespmem:s2+$0x258] =	vst v1  }
0x150: {  	v1 =	vld [tilespmem:s28+$0xFFFFFFE0];
	_ =	sdelay $0x4  }
0x151: {  	[tilespmem:s2+$0x268] =	vst v1  }
0x152: {  	v1 =	vld [tilespmem:s28+$0xFFFFFFF0];
	_ =	sdelay $0x4  }
0x153: {  	[tilespmem:s2+$0x278] =	vst v1  }
0x154: {  	v1 =	vld [tilespmem:s28+$0x0];
	_ =	sdelay $0x4  }
0x155: {  	[tilespmem:s2+$0x288] =	vst v1  }
0x156: {  	v1 =	vld [tilespmem:s28+$0x10];
	_ =	sdelay $0x4  }
0x157: {  	[tilespmem:s2+$0x298] =	vst v1  }
0x158: {  	v1 =	vld [tilespmem:s28+$0x20];
	_ =	sdelay $0x4  }
0x159: {  	[tilespmem:s2+$0x2A8] =	vst v1  }
0x15a: {  	v1 =	vld [tilespmem:s28+$0x30];
	_ =	sdelay $0x4  }
0x15b: {  	[tilespmem:s2+$0x2B8] =	vst v1  }
0x15c: {  	v1 =	vld [tilespmem:s28+$0x40];
	_ =	sdelay $0x4  }
0x15d: {  	[tilespmem:s2+$0x2C8] =	vst v1  }
0x15e: {  	v1 =	vld [tilespmem:s28+$0x50];
	_ =	sdelay $0x4  }
0x15f: {  	[tilespmem:s2+$0x2D8] =	vst v1  }
0x160: {  	v1 =	vld [tilespmem:s28+$0x60];
	_ =	sdelay $0x4  }
0x161: {  	[tilespmem:s2+$0x2E8] =	vst v1  }
0x162: {  	v1 =	vld [tilespmem:s28+$0x70]  }
.Ltmp21:
0x163: {  	_ = 	snop;
	(pc) =	sbr.rel .LBB2_23-.Ltmp21, $2  }
0x164: {  	_ =	sdelay $0x2  }
0x165: {  	s30 =	sadd.s32 $0x1, s30;
	[tilespmem:s2+$0x2F8] =	vst v1  }
.LBB2_25:
.Ltmp22:
0x166: {  	(pc) =	sbr.rel .LBB2_26-.Ltmp22, $4  }
0x167: {  	_ = 	snop  }
0x168: {  	s0 =	simm.s32 $0x2  }
0x169: {  	_ =	swait.ge [sflag:s0], $0x0  }
0x16a: {  	s2 =	simm.s32 $0x0;
	[sflag:s0] =	ssyncset.done $0x0;
	s0 =	smov.u32 s31  }
.LBB2_28:
0x16b: {  	_ =	sfence.sel $0x180000  }
0x16c: {  	s0 =	simm.s32 $0x9;
	[bflag:$0x0] =	sbarrier.arrive $0xFFFF  }
0x16d: {  	s24 =	simm.s32 $0xA;
	[sflag:s0] =	ssyncpa.u1 $0x1  }
0x16e: {  	s25 =	simm.s32 $0xB;
	[sflag:s24] =	ssyncpa.u1 $0x1  }
0x16f: {  	s26 =	simm.s32 $0x2;
	[sflag:s25] =	ssyncpa.u1 $0x1  }
0x170: {  	[sflag:s26] =	ssyncpa.u1 $0x1  }
0x171: {  	v0 =	vld [tilespmem:$0xE408];
	_ =	sdelay $0x4  }
0x172: {  	(v2sf) =	vpush v0, $0x0  }
0x173: {  	(v2sf) =	vpush v0, $0x1;
	_ =	sdelay $0x1  }
0x174: {  	(v2sf) =	vpush v0, $0x2;
	_ =	sdelay $0xb  }
0x175: {  	s0 =	spop (v2sf)  }
0x176: {  	s2 =	spop (v2sf)  }
0x177: {  	s3 =	smov.u32 s0;
	p0 =	sne.s32 s0, s2  }
0x178: {  	s4 =	spop (v2sf);
	s3 =	simm.s32 @!p0 $0xFFFFFFFF  }
0x179: {  	v2 =	vimm.s32 $0x1;
	v3 =	vlaneseq.u32;
	p0 =	seq.s32 s4, $0xFFFFFFFF;
	v1 =	vmov s3  }
0x17a: {  	s15 =	stileid.u32;
	v0 =	vperm.xlane v0, v2;
	p1 =	sne.s32 @!p0 s0, s2;
	v1 =	vperm.xlane v1, v3  }
0x17b: {  	vm0 =	vcmask $0x3F04;
	s6 =	simm.s32 $0xE408;
	s0 =	simm.s32 @!p0 $0x1;
	p1 =	por !p1, p0  }
0x17c: {  	s3 =	sshll.u32 s15, $0x1;
	s2 =	sshll.u32 @!p0 s4, $0xA;
	s0 =	simm.s32 @p1 $0x0;
	v0 =	vsel vm0, v1, v0  }
0x17d: {  	s5 =	sor.u32 $0x2000, s3;
	s2 =	sshra.s32 @!p0 s2, $0x2;
	s0 =	sor.u32 @!p0 s0, s3;
	[tilespmem:$0xE408] =	vst v0  }
0x17e: {  	[spmem:s5] =	stream.linear.scatter [tilespmem:s6], [sflag:$0x1], $0x2, $0x38;
	[tilespmem:$0x1E678] =	vst v63  }
0x17f: {  	s2 =	sadd.s32 @!p0 $0x208, s2;
	s0 =	sshll.u32 @!p0 s0, $0x8  }
0x180: {  	[spmem:s0] =	stream.linear.scatter @!p0 [tilespmem:s2], [sflag:$0x1], $0x100, $0x38;
	[tilespmem:$0x1E678] =	vst v63  }
0x181: {  	s0 =	simm.s32 @!p0 $0x102  }
0x182: {  	s28 =	simm.s32 $0x1;
	s0 =	simm.s32 @p0 $0x2  }
0x183: {  	_ =	swait.ge [sflag:s28], s0  }
0x184: {  	s0 =	ssub.s32 $0x0, s0;
	[sflag:s28] =	ssyncset.done $0x0  }
0x185: {  	p0 =	sne.s32 s15, $0x0;
	[sflag:s28] =	ssyncadd.s32 s0  }
.Ltmp23:
0x186: {  	_ =	sfence.stream.spmem;
	(pc) =	sbr.rel @p0 .LBB2_45-.Ltmp23, $4  }
0x187: {  	s29 =	simm.s32 $0x3;
	[bflag:$0x0] =	sbarrier.arrive $0xFFFF  }
0x188: {  	s30 =	simm.s32 $0x4;
	[sflag:s29] =	ssyncpa.u1 $0x1  }
0x189: {  	s31 =	simm.s32 $0x3C;
	[sflag:s30] =	ssyncpa.u1 $0x1  }
0x18a: {  	s14 =	rddreg [dreg:$0x5];
	[sflag:s31] =	ssyncpa.u1 $0x1  }
0x18b: {  	_ =	sfence.stream.spmem;
	s0 =	simm.s32 $0x5  }
0x18c: {  	s2 =	simm.s32 $0x2000;
	s3 =	simm.s32 $0xE418;
	[sflag:s0] =	ssyncpa.u1 $0x0  }
0x18d: {  	[tilespmem:s3], [sflag:$0x5] =	stream.linear.gather [spmem:s2], $0x20, $0x38;
	[tilespmem:$0x1E678] =	vst v63  }
0x18e: {  	s26 =	simm.s32 $0x0;
	s28 =	simm.s32 $0xE438  }
0x18f: {  	[tilespmem:s28], [sflag:$0x5] =	stream.linear.gather [spmem:s26], $0x2000, $0x38;
	[tilespmem:$0x1E678] =	vst v63  }
0x190: {  	_ =	swait.ge [sflag:s0], $0x2020  }
0x191: {  	[sflag:s0] =	ssyncset.done $0x0  }
0x192: {  	s29 =	simm.s32 $0x0;
	[sflag:s0] =	ssyncadd.s32 $0xFFFFDFE0  }
0x193: {  	v0 =	vld.msk [tilespmem:s29+$0xE418], $0x1;
	_ =	sdelay $0x1  }
0x194: {  	s30 =	simm.s32 $0x1  }
0x195: {  	v1 =	vld.msk [tilespmem:s30+$0xE418], $0x1;
	_ =	sdelay $0x1  }
0x196: {  	(v2sf) =	vpush v0, $0x0;
	_ =	sdelay $0x2  }
0x197: {  	(v2sf) =	vpush v1, $0x0;
	_ =	sdelay $0x2  }
0x198: {  	s31 =	simm.s32 $0x2  }
0x199: {  	v0 =	vld.msk [tilespmem:s31+$0xE418], $0x1;
	_ =	sdelay $0x2  }
0x19a: {  	s2 =	simm.s32 $0xFFFFFFFF;
	s3 =	simm.s32 $0xFFFFFFFF;
	s0 =	simm.s32 $0xC  }
.LBB2_30:
0x19b: {  	s4 =	smov.u32 s3;
	s5 =	smov.u32 s2  }
0x19c: {  	s2 =	sshra.s32 s0, $0x2;
	p1 =	sne.s32 s0, $0x7C;
	s0 =	sadd.s32 $0x4, s0;
	(v2sf) =	vpush v0, $0x0  }
0x19d: {  	v0 =	vld.msk [tilespmem:s2+$0xE418], $0x1  }
.Ltmp24:
0x19e: {  	(pc) =	sbr.rel @p1 .LBB2_30-.Ltmp24, $4  }
0x19f: {  	s3 =	spop (v2sf)  }
0x1a0: {  	p2 =	sne.s32 s5, $0xFFFFFFFF;
	s2 =	smov.u32 s3  }
0x1a1: {  	p3 =	seq.s32 s3, $0xFFFFFFFF;
	s2 =	smov.u32 @p2 s5  }
0x1a2: {  	s3 =	smov.u32 @p3 s4;
	s2 =	smov.u32 @p3 s5  }
0x1a3: {  	(v2sf) =	vpush v0, $0x0;
	_ =	sdelay $0x8  }
0x1a4: {  	s0 =	spop (v2sf)  }
0x1a5: {  	p1 =	sne.s32 s2, $0xFFFFFFFF;
	s9 =	simm.s32 $0x6;
	s4 =	smov.u32 s0  }
0x1a6: {  	s6 =	simm.s32 $0x0;
	p2 =	seq.s32 s0, $0xFFFFFFFF;
	s4 =	smov.u32 @p1 s2  }
0x1a7: {  	s10 =	simm.s32 $0xE308;
	s4 =	smov.u32 @p2 s2;
	s2 =	spop (v2sf)  }
0x1a8: {  	s0 =	smov.u32 @p2 s3;
	p1 =	sne.s32 s4, $0xFFFFFFFF;
	s5 =	smov.u32 s2  }
.Ltmp25:
0x1a9: {  	p2 =	seq.s32 s2, $0xFFFFFFFF;
	s5 =	smov.u32 @p1 s4;
	(pc) =	sbr.rel .LBB2_32-.Ltmp25, $4  }
0x1aa: {  	s11 =	simm.s32 $0xE388;
	s5 =	smov.u32 @p2 s4;
	s7 =	spop (v2sf)  }
0x1ab: {  	s12 =	simm.s32 $0x0;
	p1 =	sne.s32 s5, $0xFFFFFFFF;
	s8 =	smov.u32 s7  }
0x1ac: {  	s2 =	smov.u32 @p2 s0;
	p2 =	seq.s32 s7, $0xFFFFFFFF;
	s8 =	smov.u32 @p1 s5  }
0x1ad: {  	[sflag:s9] =	ssyncpa.u1 $0x0;
	s7 =	smov.u32 @p2 s2;
	s8 =	smov.u32 @p2 s5  }
.LBB2_38:
0x1ae: {  	p1 =	sgt.u32 s0, $0x4E170  }
0x1af: {  	p2 =	seq.s32 @!p1 s0, s8  }
0x1b0: {  	p1 =	por p1, p2  }
0x1b1: {  	p2 =	sne.s32 @!p1 s0, s7  }
0x1b2: {  	p1 =	por p1, !p2  }
0x1b3: {  	s0 =	sshll.u32 @p1 s12, $0xA  }
0x1b4: {  	s2 =	sand.u32 @!p1 $0x7FFF8, s0;
	s3 =	sand.u32 @!p1 $0x7, s0;
	s0 =	sadd.s32 @!p1 $0x80, s0  }
0x1b5: {  	s2 =	sadd.s32 @!p1 s1, s2;
	s0 =	sand.u32 @!p1 $0xFFFF8, s0  }
0x1b6: {  	[tilespmem:s10], [sflag:$0x6] =	stream.linear.gather @!p1 [hbm4b:s2+s3], $0x80, $0x38;
	[tilespmem:$0x1E678] =	vst v63  }
0x1b7: {  	s0 =	sadd.s32 @!p1 s1, s0  }
0x1b8: {  	[tilespmem:s11], [sflag:$0x6] =	stream.linear.gather @!p1 [hbm4b:s0+s3], $0x80, $0x38;
	[tilespmem:$0x1E678] =	vst v63  }
0x1b9: {  	_ =	swait.ge @!p1 [sflag:s9], $0x100  }
0x1ba: {  	[sflag:s9] =	ssyncset.done @!p1 $0x0  }
0x1bb: {  	[sflag:s9] =	ssyncadd.s32 @!p1 $0xFFFFFF00  }
0x1bc: {  	v1 =	vld @!p1 [tilespmem:$0xE308];
	_ =	sdelay $0x2  }
0x1bd: {  	s0 =	sshll.u32 @!p1 s12, $0xA  }
0x1be: {  	s2 =	sshrl.u32 @!p1 s0, $0x2  }
0x1bf: {  	[tilespmem:s2+$0xE438] =	vst.add.f32.msk @!p1 $0xffff, v1  }
0x1c0: {  	v1 =	vld @!p1 [tilespmem:$0xE318];
	_ =	sdelay $0x4  }
0x1c1: {  	[tilespmem:s2+$0xE448] =	vst.add.f32.msk @!p1 $0xffff, v1  }
0x1c2: {  	v1 =	vld @!p1 [tilespmem:$0xE328];
	_ =	sdelay $0x4  }
0x1c3: {  	[tilespmem:s2+$0xE458] =	vst.add.f32.msk @!p1 $0xffff, v1  }
0x1c4: {  	v1 =	vld @!p1 [tilespmem:$0xE338];
	_ =	sdelay $0x4  }
0x1c5: {  	[tilespmem:s2+$0xE468] =	vst.add.f32.msk @!p1 $0xffff, v1  }
0x1c6: {  	v1 =	vld @!p1 [tilespmem:$0xE348];
	_ =	sdelay $0x4  }
0x1c7: {  	[tilespmem:s2+$0xE478] =	vst.add.f32.msk @!p1 $0xffff, v1  }
0x1c8: {  	v1 =	vld @!p1 [tilespmem:$0xE358];
	_ =	sdelay $0x4  }
0x1c9: {  	[tilespmem:s2+$0xE488] =	vst.add.f32.msk @!p1 $0xffff, v1  }
0x1ca: {  	v1 =	vld @!p1 [tilespmem:$0xE368];
	_ =	sdelay $0x4  }
0x1cb: {  	[tilespmem:s2+$0xE498] =	vst.add.f32.msk @!p1 $0xffff, v1  }
0x1cc: {  	v1 =	vld @!p1 [tilespmem:$0xE378];
	_ =	sdelay $0x4  }
0x1cd: {  	[tilespmem:s2+$0xE4A8] =	vst.add.f32.msk @!p1 $0xffff, v1  }
0x1ce: {  	v1 =	vld @!p1 [tilespmem:$0xE388];
	_ =	sdelay $0x4  }
0x1cf: {  	[tilespmem:s2+$0xE4B8] =	vst.add.f32.msk @!p1 $0xffff, v1  }
0x1d0: {  	v1 =	vld @!p1 [tilespmem:$0xE398];
	_ =	sdelay $0x4  }
0x1d1: {  	[tilespmem:s2+$0xE4C8] =	vst.add.f32.msk @!p1 $0xffff, v1  }
0x1d2: {  	v1 =	vld @!p1 [tilespmem:$0xE3A8];
	_ =	sdelay $0x4  }
0x1d3: {  	[tilespmem:s2+$0xE4D8] =	vst.add.f32.msk @!p1 $0xffff, v1  }
0x1d4: {  	v1 =	vld @!p1 [tilespmem:$0xE3B8];
	_ =	sdelay $0x4  }
0x1d5: {  	[tilespmem:s2+$0xE4E8] =	vst.add.f32.msk @!p1 $0xffff, v1  }
0x1d6: {  	v1 =	vld @!p1 [tilespmem:$0xE3C8];
	_ =	sdelay $0x4  }
0x1d7: {  	[tilespmem:s2+$0xE4F8] =	vst.add.f32.msk @!p1 $0xffff, v1  }
0x1d8: {  	v1 =	vld @!p1 [tilespmem:$0xE3D8];
	_ =	sdelay $0x4  }
0x1d9: {  	[tilespmem:s2+$0xE508] =	vst.add.f32.msk @!p1 $0xffff, v1  }
0x1da: {  	v1 =	vld @!p1 [tilespmem:$0xE3E8];
	_ =	sdelay $0x4  }
0x1db: {  	[tilespmem:s2+$0xE518] =	vst.add.f32.msk @!p1 $0xffff, v1  }
0x1dc: {  	v1 =	vld @!p1 [tilespmem:$0xE3F8];
	_ =	sdelay $0x4  }
0x1dd: {  	[tilespmem:s2+$0xE528] =	vst.add.f32.msk @!p1 $0xffff, v1  }
0x1de: {  	s0 =	sshrl.u32 s0, $0x2;
	[tilespmem:s6+$0xE418] =	vst.msk $0x1, v0  }
0x1df: {  	v0 =	vld [tilespmem:s0+$0xE438];
	_ =	sdelay $0x2  }
0x1e0: {  	s31 =	sshll.u32 s6, $0xA  }
0x1e1: {  	s2 =	sshra.s32 s31, $0x2  }
0x1e2: {  	[tilespmem:s2+$0xE438] =	vst v0  }
0x1e3: {  	v0 =	vld [tilespmem:s0+$0xE448];
	_ =	sdelay $0x4  }
0x1e4: {  	[tilespmem:s2+$0xE448] =	vst v0  }
0x1e5: {  	v0 =	vld [tilespmem:s0+$0xE458];
	_ =	sdelay $0x4  }
0x1e6: {  	[tilespmem:s2+$0xE458] =	vst v0  }
0x1e7: {  	v0 =	vld [tilespmem:s0+$0xE468];
	_ =	sdelay $0x4  }
0x1e8: {  	[tilespmem:s2+$0xE468] =	vst v0  }
0x1e9: {  	v0 =	vld [tilespmem:s0+$0xE478];
	_ =	sdelay $0x4  }
0x1ea: {  	[tilespmem:s2+$0xE478] =	vst v0  }
0x1eb: {  	v0 =	vld [tilespmem:s0+$0xE488];
	_ =	sdelay $0x4  }
0x1ec: {  	[tilespmem:s2+$0xE488] =	vst v0  }
0x1ed: {  	v0 =	vld [tilespmem:s0+$0xE498];
	_ =	sdelay $0x4  }
0x1ee: {  	[tilespmem:s2+$0xE498] =	vst v0  }
0x1ef: {  	v0 =	vld [tilespmem:s0+$0xE4A8];
	_ =	sdelay $0x4  }
0x1f0: {  	[tilespmem:s2+$0xE4A8] =	vst v0  }
0x1f1: {  	v0 =	vld [tilespmem:s0+$0xE4B8];
	_ =	sdelay $0x4  }
0x1f2: {  	[tilespmem:s2+$0xE4B8] =	vst v0  }
0x1f3: {  	v0 =	vld [tilespmem:s0+$0xE4C8];
	_ =	sdelay $0x4  }
0x1f4: {  	[tilespmem:s2+$0xE4C8] =	vst v0  }
0x1f5: {  	v0 =	vld [tilespmem:s0+$0xE4D8];
	_ =	sdelay $0x4  }
0x1f6: {  	[tilespmem:s2+$0xE4D8] =	vst v0  }
0x1f7: {  	v0 =	vld [tilespmem:s0+$0xE4E8];
	_ =	sdelay $0x4  }
0x1f8: {  	[tilespmem:s2+$0xE4E8] =	vst v0  }
0x1f9: {  	v0 =	vld [tilespmem:s0+$0xE4F8];
	_ =	sdelay $0x4  }
0x1fa: {  	[tilespmem:s2+$0xE4F8] =	vst v0  }
0x1fb: {  	v0 =	vld [tilespmem:s0+$0xE508];
	_ =	sdelay $0x4  }
0x1fc: {  	[tilespmem:s2+$0xE508] =	vst v0  }
0x1fd: {  	v0 =	vld [tilespmem:s0+$0xE518];
	_ =	sdelay $0x4  }
0x1fe: {  	[tilespmem:s2+$0xE518] =	vst v0  }
0x1ff: {  	v0 =	vld [tilespmem:s0+$0xE528];
	_ =	sdelay $0x4  }
0x200: {  	s6 =	sadd.s32 $0x1, s6;
	[tilespmem:s2+$0xE528] =	vst v0  }
.LBB2_39:
0x201: {  	s12 =	sadd.s32 $0x1, s12  }
0x202: {  	p1 =	sne.s32 s12, $0x20  }
.Ltmp26:
0x203: {  	_ = 	snop;
	(pc) =	sbr.rel @!p1 .LBB2_40-.Ltmp26, $1  }
0x204: {  	_ =	sdelay $0x3  }
.LBB2_32:
0x205: {  	v0 =	vld.msk [tilespmem:s12+$0xE418], $0x1;
	_ =	sdelay $0x4  }
0x206: {  	(v2sf) =	vpush v0, $0x0;
	_ =	sdelay $0xe  }
0x207: {  	s0 =	spop (v2sf)  }
0x208: {  	p1 =	seq.s32 s0, $0xFFFFFFFF  }
.Ltmp27:
0x209: {  	_ = 	snop;
	(pc) =	sbr.rel @p1 .LBB2_39-.Ltmp27, $1  }
0x20a: {  	_ =	sdelay $0x3  }
0x20b: {  	p1 =	slt.s32 s6, $0x1  }
.Ltmp28:
0x20c: {  	_ = 	snop;
	(pc) =	sbr.rel @p1 .LBB2_38-.Ltmp28, $1  }
0x20d: {  	_ =	sdelay $0x3  }
0x20e: {  	s4 =	simm.s32 $0xE418;
	p1 =	por $0x0, $0x0  }
0x20f: {  	v1 =	vld.msk @!p1 [tilespmem:s4+$0x0], $0x1;
	_ =	sdelay $0x4  }
0x210: {  	(v2sf) =	vpush @!p1 v1, $0x0;
	_ =	sdelay $0xd  }
0x211: {  	p3 =	sne.s32 s6, $0x1  }
.Ltmp29:
0x212: {  	s2 =	spop @!p1 (v2sf);
	(pc) =	sbr.rel @!p3 .LBB2_36-.Ltmp29, $4  }
0x213: {  	p2 =	seq.s32 @!p1 s0, s2  }
0x214: {  	s5 =	simm.s32 $0x0;
	p2 =	por !p2, p1  }
0x215: {  	s2 =	simm.s32 $0xFFFFFFFF;
	s5 =	simm.s32 @p2 $0xFFFFFFFF  }
0x216: {  	s13 =	simm.s32 $0x1;
	s5 =	smov.u32 @p1 s2  }
.LBB2_35:
0x217: {  	s2 =	smov.u32 s5;
	p1 =	sne.s32 s5, $0xFFFFFFFF  }
0x218: {  	s4 =	sadd.s32 $0x1, s4;
	s5 =	smov.u32 s13;
	s13 =	sadd.s32 $0x1, s13  }
0x219: {  	p2 =	sne.s32 s6, s13;
	v1 =	vld.msk @!p1 [tilespmem:s4+$0x0], $0x1;
	_ =	sdelay $0x4  }
0x21a: {  	(v2sf) =	vpush @!p1 v1, $0x0;
	_ =	sdelay $0xe  }
.Ltmp30:
0x21b: {  	s3 =	spop @!p1 (v2sf);
	(pc) =	sbr.rel @p2 .LBB2_35-.Ltmp30, $4  }
0x21c: {  	p3 =	seq.s32 @!p1 s0, s3  }
0x21d: {  	p3 =	por !p3, p1  }
0x21e: {  	s5 =	simm.s32 @p3 $0xFFFFFFFF  }
0x21f: {  	s5 =	smov.u32 @p1 s2  }
.LBB2_36:
0x220: {  	p1 =	seq.s32 s5, $0xFFFFFFFF  }
.Ltmp31:
0x221: {  	_ = 	snop;
	(pc) =	sbr.rel @p1 .LBB2_38-.Ltmp31, $1  }
0x222: {  	_ =	sdelay $0x3  }
0x223: {  	s0 =	sshll.u32 s12, $0x8  }
0x224: {  	s0 =	sand.u32 $0x3FFFFF00, s0  }
0x225: {  	v0 =	vld [tilespmem:s0+$0xE438];
	_ =	sdelay $0x2  }
0x226: {  	s2 =	sshll.u32 s5, $0xA  }
0x227: {  	s2 =	sshra.s32 s2, $0x2  }
0x228: {  	[tilespmem:s2+$0xE438] =	vst.add.f32.msk $0xffff, v0  }
0x229: {  	v0 =	vld [tilespmem:s0+$0xE448];
	_ =	sdelay $0x4  }
0x22a: {  	[tilespmem:s2+$0xE448] =	vst.add.f32.msk $0xffff, v0  }
0x22b: {  	v0 =	vld [tilespmem:s0+$0xE458];
	_ =	sdelay $0x4  }
0x22c: {  	[tilespmem:s2+$0xE458] =	vst.add.f32.msk $0xffff, v0  }
0x22d: {  	v0 =	vld [tilespmem:s0+$0xE468];
	_ =	sdelay $0x4  }
0x22e: {  	[tilespmem:s2+$0xE468] =	vst.add.f32.msk $0xffff, v0  }
0x22f: {  	v0 =	vld [tilespmem:s0+$0xE478];
	_ =	sdelay $0x4  }
0x230: {  	[tilespmem:s2+$0xE478] =	vst.add.f32.msk $0xffff, v0  }
0x231: {  	v0 =	vld [tilespmem:s0+$0xE488];
	_ =	sdelay $0x4  }
0x232: {  	[tilespmem:s2+$0xE488] =	vst.add.f32.msk $0xffff, v0  }
0x233: {  	v0 =	vld [tilespmem:s0+$0xE498];
	_ =	sdelay $0x4  }
0x234: {  	[tilespmem:s2+$0xE498] =	vst.add.f32.msk $0xffff, v0  }
0x235: {  	v0 =	vld [tilespmem:s0+$0xE4A8];
	_ =	sdelay $0x4  }
0x236: {  	[tilespmem:s2+$0xE4A8] =	vst.add.f32.msk $0xffff, v0  }
0x237: {  	v0 =	vld [tilespmem:s0+$0xE4B8];
	_ =	sdelay $0x4  }
0x238: {  	[tilespmem:s2+$0xE4B8] =	vst.add.f32.msk $0xffff, v0  }
0x239: {  	v0 =	vld [tilespmem:s0+$0xE4C8];
	_ =	sdelay $0x4  }
0x23a: {  	[tilespmem:s2+$0xE4C8] =	vst.add.f32.msk $0xffff, v0  }
0x23b: {  	v0 =	vld [tilespmem:s0+$0xE4D8];
	_ =	sdelay $0x4  }
0x23c: {  	[tilespmem:s2+$0xE4D8] =	vst.add.f32.msk $0xffff, v0  }
0x23d: {  	v0 =	vld [tilespmem:s0+$0xE4E8];
	_ =	sdelay $0x4  }
0x23e: {  	[tilespmem:s2+$0xE4E8] =	vst.add.f32.msk $0xffff, v0  }
0x23f: {  	v0 =	vld [tilespmem:s0+$0xE4F8];
	_ =	sdelay $0x4  }
0x240: {  	[tilespmem:s2+$0xE4F8] =	vst.add.f32.msk $0xffff, v0  }
0x241: {  	v0 =	vld [tilespmem:s0+$0xE508];
	_ =	sdelay $0x4  }
0x242: {  	[tilespmem:s2+$0xE508] =	vst.add.f32.msk $0xffff, v0  }
0x243: {  	v0 =	vld [tilespmem:s0+$0xE518];
	_ =	sdelay $0x4  }
0x244: {  	[tilespmem:s2+$0xE518] =	vst.add.f32.msk $0xffff, v0  }
0x245: {  	v0 =	vld [tilespmem:s0+$0xE528]  }
.Ltmp32:
0x246: {  	_ = 	snop;
	(pc) =	sbr.rel .LBB2_39-.Ltmp32, $2  }
0x247: {  	_ =	sdelay $0x2  }
0x248: {  	[tilespmem:s2+$0xE528] =	vst.add.f32.msk $0xffff, v0  }
.LBB2_40:
0x249: {  	s0 =	simm.s32 $0x6;
	p1 =	seq.s32 s6, $0x0  }
0x24a: {  	[sflag:s0] =	ssyncpa.u1 $0x1;
	v0 =	vimm.s32 @p1 $0xFFFFFFFF  }
0x24b: {  	s0 =	sadd.s32 $0xFFFFFFFF, s6;
	[tilespmem:$0x10438] =	vst @p1 v0  }
0x24c: {  	v0 =	vld.msk @!p1 [tilespmem:s0+$0xE418], $0x1;
	_ =	sdelay $0x1  }
0x24d: {  	v1 =	vld.msk @!p1 [tilespmem:$0xE418], $0x1;
	_ =	sdelay $0x2  }
0x24e: {  	p2 =	seq.s32 @!p1 s0, $0x0;
	v0 =	vbroadcast @!p1 v0, $0x0  }
0x24f: {  	vm0 =	vmmov @!p1 $0x1;
	p2 =	por !p2, p1  }
0x250: {  	v1 =	vnsel @!p1 vm0, $0xFFFFFFFF, v1;
	vm0 =	vcmask @!p1 $0x308;
	v0 =	vpsel !p2, $0xFFFFFFFF, v0  }
0x251: {  	p2 =	sne.s32 @!p1 s8, s7;
	v0 =	vsel @!p1 vm0, v1, v0  }
0x252: {  	s2 =	simm.s32 @!p1 $0xE438;
	s3 =	simm.s32 @!p1 $0x0;
	p3 =	por !p2, p1;
	[tilespmem:$0x10438] =	vst @!p1 v0  }
0x253: {  	[spmem:s3] =	stream.linear.scatter @!p1 [tilespmem:s2], [sflag:$0x1], $0x100, $0x38;
	[tilespmem:$0x1E678] =	vst v63  }
0x254: {  	s2 =	sshll.u32 @!p3 s0, $0xA  }
0x255: {  	s2 =	sshra.s32 @!p3 s2, $0x2  }
0x256: {  	s3 =	simm.s32 @!p3 $0x100;
	s2 =	sadd.s32 @!p3 $0xE438, s2  }
0x257: {  	[spmem:s3] =	stream.linear.scatter @!p3 [tilespmem:s2], [sflag:$0x1], $0x100, $0x38;
	[tilespmem:$0x1E678] =	vst v63  }
0x258: {  	s2 =	simm.s32 @!p3 $0x1  }
0x259: {  	_ =	swait.ge @!p3 [sflag:s2], $0x200  }
0x25a: {  	p1 =	por p2, p1;
	[sflag:s2] =	ssyncset.done @!p3 $0x0  }
0x25b: {  	[sflag:s2] =	ssyncadd.s32 @!p3 $0xFFFFFE00;
	s2 =	simm.s32 @!p1 $0x1  }
0x25c: {  	_ =	swait.ge @!p1 [sflag:s2], $0x100  }
0x25d: {  	s29 =	simm.s32 $0x10438;
	[sflag:s2] =	ssyncset.done @!p1 $0x0  }
0x25e: {  	s30 =	simm.s32 $0x2000;
	s31 =	simm.s32 $0x1;
	[sflag:s2] =	ssyncadd.s32 @!p1 $0xFFFFFF00  }
0x25f: {  	[spmem:s30] =	stream.linear.scatter [tilespmem:s29], [sflag:$0x1], $0x10, $0x38;
	[tilespmem:$0x1E678] =	vst v63  }
0x260: {  	_ =	swait.ge [sflag:s31], $0x10  }
0x261: {  	[sflag:s31] =	ssyncset.done $0x0  }
0x262: {  	p1 =	seq.s32 s14, $0x0;
	s9 =	rddreg [dreg:$0x2];
	[sflag:s31] =	ssyncadd.s32 $0xFFFFFFF0  }
0x263: {  	s3 =	sshll.u32 @p1 s9, $0xE;
	s8 =	rddreg [dreg:$0x3]  }
0x264: {  	s2 =	sadd.s32 @p1 $0x15C3C, s3;
	s3 =	sshll.u32 @p1 s8, $0x11  }
0x265: {  	_ =	sfence.stream.spmem;
	s2 =	sor.u32 @p1 s3, s2  }
0x266: {  	[sflag:s2] =	ssyncadd.remote.s32 @p1 $0x1;
	s2 =	simm.s32 @p1 $0x4  }
0x267: {  	s4 =	simm.s32 @!p1 $0x3C;
	s3 =	sand.u32 $0xFFFFFFFE, s9;
	_ =	swait.ge @p1 [sflag:s2], $0x42  }
0x268: {  	s5 =	simm.s32 @!p1 $0x0;
	s3 =	sadd.s32 @!p1 $0x4, s3;
	[sflag:s2] =	ssyncset.done @p1 $0x0  }
0x269: {  	s7 =	simm.s32 @!p1 $0x200;
	[sflag:s2] =	ssyncadd.s32 @p1 $0xFFFFFFBE;
	s2 =	sshll.u32 @!p1 s3, $0x1A  }
0x26a: {  	s3 =	sshll.u32 @!p1 s3, $0xD;
	s2 =	sor.u32 @!p1 s2, s8;
	_ =	swait.eq @!p1 [sflag:s4], $0x1  }
0x26b: {  	s3 =	sor.u32 @!p1 $0x1C04, s3;
	s4 =	simm.s32 @!p1 $0x1C03;
	s2 =	sor.u32 @!p1 $0x80004000, s2  }
0x26c: {  	[spmem:s7], [sflag:s3] =	dma.general @!p1 [spmem:s5], [sflag:s4], length:$0x40, [dreg:$0x0], stride_count:$0x0, ici_dest:s2, dma_misc:DstOpCode:WRITE  }
0x26d: {  	p2 =	slt.s32 s0, $0x2;
	s5 =	simm.s32 @!p1 $0x400;
	s7 =	simm.s32 @!p1 $0x402  }
0x26e: {  	[spmem:s7], [sflag:s3] =	dma.general @!p1 [spmem:s5], [sflag:s4], length:$0x2, [dreg:$0x0], stride_count:$0x0, ici_dest:s2, dma_misc:DstOpCode:WRITE  }
.Ltmp33:
0x26f: {  	s2 =	simm.s32 @!p1 $0x3;
	(pc) =	sbr.rel @p2 .LBB2_44-.Ltmp33, $4  }
0x270: {  	s3 =	sshll.u32 @!p1 s9, $0xE;
	_ =	swait.ge @!p1 [sflag:s2], $0x42  }
0x271: {  	s4 =	sshll.u32 @!p1 s8, $0x11;
	s3 =	sadd.s32 @!p1 $0x11C3C, s3;
	[sflag:s2] =	ssyncset.done @!p1 $0x0  }
0x272: {  	[sflag:s2] =	ssyncadd.s32 @!p1 $0xFFFFFFBE;
	s2 =	sor.u32 @!p1 s4, s3  }
0x273: {  	s0 =	simm.s32 $0x0;
	[sflag:s2] =	ssyncadd.remote.s32 @!p1 $0xFFFFFFFF  }
0x274: {  	s0 =	simm.s32 $0xE419  }
0x275: {  	v0 =	vld.msk [tilespmem:s0+$0x0], $0x1;
	_ =	sdelay $0x4  }
0x276: {  	(v2sf) =	vpush v0, $0x0;
	_ =	sdelay $0xd  }
0x277: {  	s31 =	sadd.s32 $0xFFFFFFFE, s6  }
0x278: {  	s6 =	simm.s32 $0x0;
	s0 =	sadd.s32 $0xFFFFFFFF, s31;
	s2 =	spop (v2sf)  }
0x279: {  	s3 =	simm.s32 $0xE538;
	p1 =	sne.s32 s0, $0x0;
	p2 =	sgt.u32 s2, $0x4E170  }
.Ltmp34:
0x27a: {  	s4 =	simm.s32 $0xE638;
	s5 =	sand.u32 @!p2 $0x7FFF8, s2;
	(pc) =	sbr.rel @!p1 .LBB2_43-.Ltmp34, $4  }
0x27b: {  	s7 =	sadd.s32 @!p2 $0x80, s2;
	s2 =	sand.u32 @!p2 $0x7, s2;
	s6 =	simm.s32 @!p2 $0x400  }
0x27c: {  	s5 =	sadd.s32 @!p2 s1, s5;
	s7 =	sand.u32 @!p2 $0xFFFF8, s7;
	s6 =	sadd.s32 $0x0, s6  }
0x27d: {  	[hbm4b:s5+s2] =	stream.linear.scatter @!p2 [tilespmem:s3], [sflag:$0x5], $0x80, $0x38;
	[tilespmem:$0x1E678] =	vst v63  }
0x27e: {  	s5 =	simm.s32 $0xE41A;
	s3 =	simm.s32 @!p2 $0xE5B8;
	s7 =	sadd.s32 @!p2 s1, s7  }
.LBB2_42:
0x27f: {  	[hbm4b:s7+s2] =	stream.linear.scatter @!p2 [tilespmem:s3], [sflag:$0x5], $0x80, $0x38;
	[tilespmem:$0x1E678] =	vst v63  }
0x280: {  	s0 =	sadd.s32 $0xFFFFFFFF, s0;
	s3 =	smov.u32 s4;
	v0 =	vld.msk [tilespmem:s5+$0x0], $0x1  }
0x281: {  	p1 =	sne.s32 s0, $0x0;
	_ =	sdelay $0x3  }
0x282: {  	(v2sf) =	vpush v0, $0x0;
	_ =	sdelay $0xe  }
0x283: {  	s4 =	sadd.s32 $0x100, s4;
	s8 =	simm.s32 $0x0;
	s2 =	spop (v2sf)  }
.Ltmp35:
0x284: {  	s5 =	sadd.s32 $0x1, s5;
	p2 =	sgt.u32 s2, $0x4E170;
	(pc) =	sbr.rel @p1 .LBB2_42-.Ltmp35, $4  }
0x285: {  	s8 =	simm.s32 @!p2 $0x400;
	s7 =	sand.u32 @!p2 $0x7FFF8, s2;
	s9 =	sadd.s32 @!p2 $0x80, s2  }
0x286: {  	s2 =	sand.u32 @!p2 $0x7, s2;
	s7 =	sadd.s32 @!p2 s1, s7;
	s9 =	sand.u32 @!p2 $0xFFFF8, s9  }
0x287: {  	[hbm4b:s7+s2] =	stream.linear.scatter @!p2 [tilespmem:s3], [sflag:$0x5], $0x80, $0x38;
	[tilespmem:$0x1E678] =	vst v63  }
0x288: {  	s6 =	sadd.s32 s6, s8;
	s3 =	sadd.s32 @!p2 $0x80, s3;
	s7 =	sadd.s32 @!p2 s1, s9  }
.LBB2_43:
0x289: {  	[hbm4b:s7+s2] =	stream.linear.scatter @!p2 [tilespmem:s3], [sflag:$0x5], $0x80, $0x38;
	[tilespmem:$0x1E678] =	vst v63  }
0x28a: {  	s0 =	sshrl.u32 s6, $0x2  }
.LBB2_44:
0x28b: {  	s2 =	simm.s32 $0x5  }
0x28c: {  	_ =	swait.ge [sflag:s2], s0  }
0x28d: {  	s31 =	ssub.s32 $0x0, s0;
	[sflag:s2] =	ssyncset.done $0x0  }
0x28e: {  	[sflag:s2] =	ssyncadd.s32 s31  }
0x28f: {  	[sflag:s2] =	ssyncpa.u1 $0x1  }
.LBB2_45:
0x290: {  	s0 =	sor.u32 s14, s15  }
0x291: {  	p1 =	sne.s32 s0, $0x0  }
.Ltmp36:
0x292: {  	_ = 	snop;
	(pc) =	sbr.rel @p1 .LBB2_60-.Ltmp36, $3  }
0x293: {  	_ =	sdelay $0x1  }
0x294: {  	[bflag:$0x0] =	sbarrier.arrive $0xFFFF  }
0x295: {  	_ =	sfence  }
0x296: {  	s0 =	simm.s32 $0x7  }
0x297: {  	s2 =	simm.s32 $0x2000;
	s3 =	simm.s32 $0xE418;
	[sflag:s0] =	ssyncpa.u1 $0x0  }
0x298: {  	[tilespmem:s3], [sflag:$0x7] =	stream.linear.gather [spmem:s2], $0x20, $0x38;
	[tilespmem:$0x1E678] =	vst v63  }
0x299: {  	s30 =	simm.s32 $0xE438;
	s2 =	simm.s32 $0x0  }
0x29a: {  	[tilespmem:s30], [sflag:$0x7] =	stream.linear.gather [spmem:s2], $0x2000, $0x38;
	[tilespmem:$0x1E678] =	vst v63  }
.Ltmp37:
0x29b: {  	_ = 	snop;
	(pc) =	sbr.rel .LBB2_47-.Ltmp37, $4  }
0x29c: {  	_ =	swait.ge [sflag:s0], $0x2020  }
0x29d: {  	[sflag:s0] =	ssyncset.done $0x0  }
0x29e: {  	s31 =	simm.s32 $0x8;
	[sflag:s0] =	ssyncadd.s32 $0xFFFFDFE0  }
0x29f: {  	s3 =	simm.s32 $0x0;
	[sflag:s31] =	ssyncpa.u1 $0x0  }
.LBB2_53:
0x2a0: {  	p1 =	slt.u32 s0, $0x4E171  }
0x2a1: {  	s4 =	sand.u32 @p1 $0x7FFF8, s0;
	s5 =	sand.u32 @p1 $0x7, s0;
	s0 =	sadd.s32 @p1 $0x80, s0  }
0x2a2: {  	s6 =	simm.s32 @p1 $0xE308;
	s4 =	sadd.s32 @p1 s1, s4;
	s0 =	sand.u32 @p1 $0xFFFF8, s0  }
0x2a3: {  	[tilespmem:s6], [sflag:$0x8] =	stream.linear.gather @p1 [hbm4b:s4+s5], $0x80, $0x38;
	[tilespmem:$0x1E678] =	vst v63  }
0x2a4: {  	s0 =	sadd.s32 @p1 s1, s0;
	s4 =	simm.s32 @p1 $0xE388  }
0x2a5: {  	[tilespmem:s4], [sflag:$0x8] =	stream.linear.gather @p1 [hbm4b:s0+s5], $0x80, $0x38;
	[tilespmem:$0x1E678] =	vst v63  }
0x2a6: {  	s0 =	simm.s32 @p1 $0x8  }
0x2a7: {  	_ =	swait.ge @p1 [sflag:s0], $0x100  }
0x2a8: {  	[sflag:s0] =	ssyncset.done @p1 $0x0  }
0x2a9: {  	[sflag:s0] =	ssyncadd.s32 @p1 $0xFFFFFF00  }
0x2aa: {  	v1 =	vld @p1 [tilespmem:$0xE308];
	_ =	sdelay $0x2  }
0x2ab: {  	s0 =	sshll.u32 @p1 s3, $0xA  }
0x2ac: {  	s4 =	sshrl.u32 @p1 s0, $0x2  }
0x2ad: {  	[tilespmem:s4+$0xE438] =	vst.add.f32.msk @p1 $0xffff, v1  }
0x2ae: {  	v1 =	vld @p1 [tilespmem:$0xE318];
	_ =	sdelay $0x4  }
0x2af: {  	[tilespmem:s4+$0xE448] =	vst.add.f32.msk @p1 $0xffff, v1  }
0x2b0: {  	v1 =	vld @p1 [tilespmem:$0xE328];
	_ =	sdelay $0x4  }
0x2b1: {  	[tilespmem:s4+$0xE458] =	vst.add.f32.msk @p1 $0xffff, v1  }
0x2b2: {  	v1 =	vld @p1 [tilespmem:$0xE338];
	_ =	sdelay $0x4  }
0x2b3: {  	[tilespmem:s4+$0xE468] =	vst.add.f32.msk @p1 $0xffff, v1  }
0x2b4: {  	v1 =	vld @p1 [tilespmem:$0xE348];
	_ =	sdelay $0x4  }
0x2b5: {  	[tilespmem:s4+$0xE478] =	vst.add.f32.msk @p1 $0xffff, v1  }
0x2b6: {  	v1 =	vld @p1 [tilespmem:$0xE358];
	_ =	sdelay $0x4  }
0x2b7: {  	[tilespmem:s4+$0xE488] =	vst.add.f32.msk @p1 $0xffff, v1  }
0x2b8: {  	v1 =	vld @p1 [tilespmem:$0xE368];
	_ =	sdelay $0x4  }
0x2b9: {  	[tilespmem:s4+$0xE498] =	vst.add.f32.msk @p1 $0xffff, v1  }
0x2ba: {  	v1 =	vld @p1 [tilespmem:$0xE378];
	_ =	sdelay $0x4  }
0x2bb: {  	[tilespmem:s4+$0xE4A8] =	vst.add.f32.msk @p1 $0xffff, v1  }
0x2bc: {  	v1 =	vld @p1 [tilespmem:$0xE388];
	_ =	sdelay $0x4  }
0x2bd: {  	[tilespmem:s4+$0xE4B8] =	vst.add.f32.msk @p1 $0xffff, v1  }
0x2be: {  	v1 =	vld @p1 [tilespmem:$0xE398];
	_ =	sdelay $0x4  }
0x2bf: {  	[tilespmem:s4+$0xE4C8] =	vst.add.f32.msk @p1 $0xffff, v1  }
0x2c0: {  	v1 =	vld @p1 [tilespmem:$0xE3A8];
	_ =	sdelay $0x4  }
0x2c1: {  	[tilespmem:s4+$0xE4D8] =	vst.add.f32.msk @p1 $0xffff, v1  }
0x2c2: {  	v1 =	vld @p1 [tilespmem:$0xE3B8];
	_ =	sdelay $0x4  }
0x2c3: {  	[tilespmem:s4+$0xE4E8] =	vst.add.f32.msk @p1 $0xffff, v1  }
0x2c4: {  	v1 =	vld @p1 [tilespmem:$0xE3C8];
	_ =	sdelay $0x4  }
0x2c5: {  	[tilespmem:s4+$0xE4F8] =	vst.add.f32.msk @p1 $0xffff, v1  }
0x2c6: {  	v1 =	vld @p1 [tilespmem:$0xE3D8];
	_ =	sdelay $0x4  }
0x2c7: {  	[tilespmem:s4+$0xE508] =	vst.add.f32.msk @p1 $0xffff, v1  }
0x2c8: {  	v1 =	vld @p1 [tilespmem:$0xE3E8];
	_ =	sdelay $0x4  }
0x2c9: {  	[tilespmem:s4+$0xE518] =	vst.add.f32.msk @p1 $0xffff, v1  }
0x2ca: {  	v1 =	vld @p1 [tilespmem:$0xE3F8];
	_ =	sdelay $0x3  }
0x2cb: {  	s5 =	sshll.u32 @!p1 s3, $0xA  }
0x2cc: {  	s5 =	smov.u32 @p1 s0;
	[tilespmem:s4+$0xE528] =	vst.add.f32.msk @p1 $0xffff, v1  }
0x2cd: {  	s0 =	sshrl.u32 s5, $0x2;
	[tilespmem:s2+$0xE418] =	vst.msk $0x1, v0  }
0x2ce: {  	v0 =	vld [tilespmem:s0+$0xE438];
	_ =	sdelay $0x2  }
0x2cf: {  	s31 =	sshll.u32 s2, $0xA  }
0x2d0: {  	s4 =	sshra.s32 s31, $0x2  }
0x2d1: {  	[tilespmem:s4+$0xE438] =	vst v0  }
0x2d2: {  	v0 =	vld [tilespmem:s0+$0xE448];
	_ =	sdelay $0x4  }
0x2d3: {  	[tilespmem:s4+$0xE448] =	vst v0  }
0x2d4: {  	v0 =	vld [tilespmem:s0+$0xE458];
	_ =	sdelay $0x4  }
0x2d5: {  	[tilespmem:s4+$0xE458] =	vst v0  }
0x2d6: {  	v0 =	vld [tilespmem:s0+$0xE468];
	_ =	sdelay $0x4  }
0x2d7: {  	[tilespmem:s4+$0xE468] =	vst v0  }
0x2d8: {  	v0 =	vld [tilespmem:s0+$0xE478];
	_ =	sdelay $0x4  }
0x2d9: {  	[tilespmem:s4+$0xE478] =	vst v0  }
0x2da: {  	v0 =	vld [tilespmem:s0+$0xE488];
	_ =	sdelay $0x4  }
0x2db: {  	[tilespmem:s4+$0xE488] =	vst v0  }
0x2dc: {  	v0 =	vld [tilespmem:s0+$0xE498];
	_ =	sdelay $0x4  }
0x2dd: {  	[tilespmem:s4+$0xE498] =	vst v0  }
0x2de: {  	v0 =	vld [tilespmem:s0+$0xE4A8];
	_ =	sdelay $0x4  }
0x2df: {  	[tilespmem:s4+$0xE4A8] =	vst v0  }
0x2e0: {  	v0 =	vld [tilespmem:s0+$0xE4B8];
	_ =	sdelay $0x4  }
0x2e1: {  	[tilespmem:s4+$0xE4B8] =	vst v0  }
0x2e2: {  	v0 =	vld [tilespmem:s0+$0xE4C8];
	_ =	sdelay $0x4  }
0x2e3: {  	[tilespmem:s4+$0xE4C8] =	vst v0  }
0x2e4: {  	v0 =	vld [tilespmem:s0+$0xE4D8];
	_ =	sdelay $0x4  }
0x2e5: {  	[tilespmem:s4+$0xE4D8] =	vst v0  }
0x2e6: {  	v0 =	vld [tilespmem:s0+$0xE4E8];
	_ =	sdelay $0x4  }
0x2e7: {  	[tilespmem:s4+$0xE4E8] =	vst v0  }
0x2e8: {  	v0 =	vld [tilespmem:s0+$0xE4F8];
	_ =	sdelay $0x4  }
0x2e9: {  	[tilespmem:s4+$0xE4F8] =	vst v0  }
0x2ea: {  	v0 =	vld [tilespmem:s0+$0xE508];
	_ =	sdelay $0x4  }
0x2eb: {  	[tilespmem:s4+$0xE508] =	vst v0  }
0x2ec: {  	v0 =	vld [tilespmem:s0+$0xE518];
	_ =	sdelay $0x4  }
0x2ed: {  	[tilespmem:s4+$0xE518] =	vst v0  }
0x2ee: {  	v0 =	vld [tilespmem:s0+$0xE528];
	_ =	sdelay $0x4  }
0x2ef: {  	s2 =	sadd.s32 $0x1, s2;
	[tilespmem:s4+$0xE528] =	vst v0  }
.LBB2_54:
0x2f0: {  	s3 =	sadd.s32 $0x1, s3  }
0x2f1: {  	p1 =	sne.s32 s3, $0x20  }
.Ltmp38:
0x2f2: {  	_ = 	snop;
	(pc) =	sbr.rel @!p1 .LBB2_55-.Ltmp38, $1  }
0x2f3: {  	_ =	sdelay $0x3  }
.LBB2_47:
0x2f4: {  	v0 =	vld.msk [tilespmem:s3+$0xE418], $0x1;
	_ =	sdelay $0x4  }
0x2f5: {  	(v2sf) =	vpush v0, $0x0;
	_ =	sdelay $0xe  }
0x2f6: {  	s0 =	spop (v2sf)  }
0x2f7: {  	p1 =	seq.s32 s0, $0xFFFFFFFF  }
.Ltmp39:
0x2f8: {  	_ = 	snop;
	(pc) =	sbr.rel @p1 .LBB2_54-.Ltmp39, $1  }
0x2f9: {  	_ =	sdelay $0x3  }
0x2fa: {  	p1 =	slt.s32 s2, $0x1  }
.Ltmp40:
0x2fb: {  	_ = 	snop;
	(pc) =	sbr.rel @p1 .LBB2_53-.Ltmp40, $1  }
0x2fc: {  	_ =	sdelay $0x3  }
0x2fd: {  	s4 =	simm.s32 $0xE418;
	p1 =	por $0x0, $0x0  }
0x2fe: {  	v1 =	vld.msk @!p1 [tilespmem:s4+$0x0], $0x1;
	_ =	sdelay $0x4  }
0x2ff: {  	(v2sf) =	vpush @!p1 v1, $0x0;
	_ =	sdelay $0xd  }
0x300: {  	p3 =	sne.s32 s2, $0x1  }
.Ltmp41:
0x301: {  	s5 =	spop @!p1 (v2sf);
	(pc) =	sbr.rel @!p3 .LBB2_51-.Ltmp41, $4  }
0x302: {  	p2 =	seq.s32 @!p1 s0, s5  }
0x303: {  	s5 =	simm.s32 $0x0;
	p2 =	por !p2, p1  }
0x304: {  	s7 =	simm.s32 $0xFFFFFFFF;
	s5 =	simm.s32 @p2 $0xFFFFFFFF  }
0x305: {  	s6 =	simm.s32 $0x1;
	s5 =	smov.u32 @p1 s7  }
.LBB2_50:
0x306: {  	s7 =	smov.u32 s5;
	p1 =	sne.s32 s5, $0xFFFFFFFF  }
0x307: {  	s4 =	sadd.s32 $0x1, s4;
	s5 =	smov.u32 s6;
	s6 =	sadd.s32 $0x1, s6  }
0x308: {  	p2 =	sne.s32 s2, s6;
	v1 =	vld.msk @!p1 [tilespmem:s4+$0x0], $0x1;
	_ =	sdelay $0x4  }
0x309: {  	(v2sf) =	vpush @!p1 v1, $0x0;
	_ =	sdelay $0xe  }
.Ltmp42:
0x30a: {  	s8 =	spop @!p1 (v2sf);
	(pc) =	sbr.rel @p2 .LBB2_50-.Ltmp42, $4  }
0x30b: {  	p3 =	seq.s32 @!p1 s0, s8  }
0x30c: {  	p3 =	por !p3, p1  }
0x30d: {  	s5 =	simm.s32 @p3 $0xFFFFFFFF  }
0x30e: {  	s5 =	smov.u32 @p1 s7  }
.LBB2_51:
0x30f: {  	p1 =	seq.s32 s5, $0xFFFFFFFF  }
.Ltmp43:
0x310: {  	_ = 	snop;
	(pc) =	sbr.rel @p1 .LBB2_53-.Ltmp43, $1  }
0x311: {  	_ =	sdelay $0x3  }
0x312: {  	s0 =	sshll.u32 s3, $0x8  }
0x313: {  	s0 =	sand.u32 $0x3FFFFF00, s0  }
0x314: {  	v0 =	vld [tilespmem:s0+$0xE438];
	_ =	sdelay $0x2  }
0x315: {  	s4 =	sshll.u32 s5, $0xA  }
0x316: {  	s4 =	sshra.s32 s4, $0x2  }
0x317: {  	[tilespmem:s4+$0xE438] =	vst.add.f32.msk $0xffff, v0  }
0x318: {  	v0 =	vld [tilespmem:s0+$0xE448];
	_ =	sdelay $0x4  }
0x319: {  	[tilespmem:s4+$0xE448] =	vst.add.f32.msk $0xffff, v0  }
0x31a: {  	v0 =	vld [tilespmem:s0+$0xE458];
	_ =	sdelay $0x4  }
0x31b: {  	[tilespmem:s4+$0xE458] =	vst.add.f32.msk $0xffff, v0  }
0x31c: {  	v0 =	vld [tilespmem:s0+$0xE468];
	_ =	sdelay $0x4  }
0x31d: {  	[tilespmem:s4+$0xE468] =	vst.add.f32.msk $0xffff, v0  }
0x31e: {  	v0 =	vld [tilespmem:s0+$0xE478];
	_ =	sdelay $0x4  }
0x31f: {  	[tilespmem:s4+$0xE478] =	vst.add.f32.msk $0xffff, v0  }
0x320: {  	v0 =	vld [tilespmem:s0+$0xE488];
	_ =	sdelay $0x4  }
0x321: {  	[tilespmem:s4+$0xE488] =	vst.add.f32.msk $0xffff, v0  }
0x322: {  	v0 =	vld [tilespmem:s0+$0xE498];
	_ =	sdelay $0x4  }
0x323: {  	[tilespmem:s4+$0xE498] =	vst.add.f32.msk $0xffff, v0  }
0x324: {  	v0 =	vld [tilespmem:s0+$0xE4A8];
	_ =	sdelay $0x4  }
0x325: {  	[tilespmem:s4+$0xE4A8] =	vst.add.f32.msk $0xffff, v0  }
0x326: {  	v0 =	vld [tilespmem:s0+$0xE4B8];
	_ =	sdelay $0x4  }
0x327: {  	[tilespmem:s4+$0xE4B8] =	vst.add.f32.msk $0xffff, v0  }
0x328: {  	v0 =	vld [tilespmem:s0+$0xE4C8];
	_ =	sdelay $0x4  }
0x329: {  	[tilespmem:s4+$0xE4C8] =	vst.add.f32.msk $0xffff, v0  }
0x32a: {  	v0 =	vld [tilespmem:s0+$0xE4D8];
	_ =	sdelay $0x4  }
0x32b: {  	[tilespmem:s4+$0xE4D8] =	vst.add.f32.msk $0xffff, v0  }
0x32c: {  	v0 =	vld [tilespmem:s0+$0xE4E8];
	_ =	sdelay $0x4  }
0x32d: {  	[tilespmem:s4+$0xE4E8] =	vst.add.f32.msk $0xffff, v0  }
0x32e: {  	v0 =	vld [tilespmem:s0+$0xE4F8];
	_ =	sdelay $0x4  }
0x32f: {  	[tilespmem:s4+$0xE4F8] =	vst.add.f32.msk $0xffff, v0  }
0x330: {  	v0 =	vld [tilespmem:s0+$0xE508];
	_ =	sdelay $0x4  }
0x331: {  	[tilespmem:s4+$0xE508] =	vst.add.f32.msk $0xffff, v0  }
0x332: {  	v0 =	vld [tilespmem:s0+$0xE518];
	_ =	sdelay $0x4  }
0x333: {  	[tilespmem:s4+$0xE518] =	vst.add.f32.msk $0xffff, v0  }
0x334: {  	v0 =	vld [tilespmem:s0+$0xE528]  }
.Ltmp44:
0x335: {  	_ = 	snop;
	(pc) =	sbr.rel .LBB2_54-.Ltmp44, $2  }
0x336: {  	_ =	sdelay $0x2  }
0x337: {  	[tilespmem:s4+$0xE528] =	vst.add.f32.msk $0xffff, v0  }
.LBB2_55:
0x338: {  	p1 =	slt.s32 s2, $0x1  }
.Ltmp45:
0x339: {  	_ = 	snop;
	(pc) =	sbr.rel @p1 .LBB2_59-.Ltmp45, $3  }
0x33a: {  	_ =	sdelay $0x1  }
0x33b: {  	s0 =	simm.s32 $0x8  }
0x33c: {  	s4 =	simm.s32 $0x0;
	[sflag:s0] =	ssyncpa.u1 $0x1  }
0x33d: {  	s0 =	simm.s32 $0xE418  }
0x33e: {  	v0 =	vld.msk [tilespmem:s0+$0x0], $0x1;
	_ =	sdelay $0x4  }
0x33f: {  	(v2sf) =	vpush v0, $0x0;
	_ =	sdelay $0xe  }
0x340: {  	s0 =	sadd.s32 $0xFFFFFFFF, s2;
	s3 =	spop (v2sf)  }
0x341: {  	s6 =	simm.s32 $0xE438;
	p1 =	sne.s32 s0, $0x0;
	p2 =	sgt.u32 s3, $0x4E170  }
.Ltmp46:
0x342: {  	s2 =	simm.s32 $0xE538;
	s5 =	sand.u32 @!p2 $0x7FFF8, s3;
	(pc) =	sbr.rel @!p1 .LBB2_58-.Ltmp46, $4  }
0x343: {  	s7 =	sadd.s32 @!p2 $0x80, s3;
	s4 =	simm.s32 @!p2 $0x400;
	s8 =	sadd.s32 @!p2 s1, s5  }
0x344: {  	s5 =	sand.u32 @!p2 $0x7, s3;
	s3 =	simm.s32 $0xE419;
	s7 =	sand.u32 @!p2 $0xFFFF8, s7  }
0x345: {  	[hbm4b:s8+s5] =	stream.linear.scatter @!p2 [tilespmem:s6], [sflag:$0x7], $0x80, $0x38;
	[tilespmem:$0x1E678] =	vst v63  }
0x346: {  	s4 =	sadd.s32 $0x0, s4;
	s6 =	simm.s32 @!p2 $0xE4B8;
	s7 =	sadd.s32 @!p2 s1, s7  }
.LBB2_57:
0x347: {  	[hbm4b:s7+s5] =	stream.linear.scatter @!p2 [tilespmem:s6], [sflag:$0x7], $0x80, $0x38;
	[tilespmem:$0x1E678] =	vst v63  }
0x348: {  	s0 =	sadd.s32 $0xFFFFFFFF, s0;
	s6 =	smov.u32 s2;
	v0 =	vld.msk [tilespmem:s3+$0x0], $0x1  }
0x349: {  	p1 =	sne.s32 s0, $0x0;
	_ =	sdelay $0x3  }
0x34a: {  	(v2sf) =	vpush v0, $0x0;
	_ =	sdelay $0xe  }
0x34b: {  	s2 =	sadd.s32 $0x100, s2;
	s8 =	simm.s32 $0x0;
	s5 =	spop (v2sf)  }
.Ltmp47:
0x34c: {  	s3 =	sadd.s32 $0x1, s3;
	p2 =	sgt.u32 s5, $0x4E170;
	(pc) =	sbr.rel @p1 .LBB2_57-.Ltmp47, $4  }
0x34d: {  	s8 =	simm.s32 @!p2 $0x400;
	s7 =	sand.u32 @!p2 $0x7FFF8, s5;
	s9 =	sadd.s32 @!p2 $0x80, s5  }
0x34e: {  	s5 =	sand.u32 @!p2 $0x7, s5;
	s7 =	sadd.s32 @!p2 s1, s7;
	s9 =	sand.u32 @!p2 $0xFFFF8, s9  }
0x34f: {  	[hbm4b:s7+s5] =	stream.linear.scatter @!p2 [tilespmem:s6], [sflag:$0x7], $0x80, $0x38;
	[tilespmem:$0x1E678] =	vst v63  }
0x350: {  	s4 =	sadd.s32 s4, s8;
	s6 =	sadd.s32 @!p2 $0x80, s6;
	s7 =	sadd.s32 @!p2 s1, s9  }
.LBB2_58:
0x351: {  	[hbm4b:s7+s5] =	stream.linear.scatter @!p2 [tilespmem:s6], [sflag:$0x7], $0x80, $0x38;
	[tilespmem:$0x1E678] =	vst v63  }
0x352: {  	s4 =	sshrl.u32 s4, $0x2  }
.LBB2_59:
0x353: {  	s0 =	simm.s32 $0x7  }
0x354: {  	_ =	swait.ge [sflag:s0], s4  }
0x355: {  	s1 =	ssub.s32 $0x0, s4;
	[sflag:s0] =	ssyncset.done $0x0  }
0x356: {  	[sflag:s0] =	ssyncadd.s32 s1  }
0x357: {  	[sflag:s0] =	ssyncpa.u1 $0x1  }
.LBB2_60:
0x358: {  	_ =	sfence;
	s0 =	simm.s32 $0x1  }
0x359: {  	[sflag:s0] =	ssyncpa.u1 $0x1  }
0x35a: {  	_ =	strace $0x90000050  }
0x35b: {  	[bflag:$0x2] =	sbarrier.arrive $0xFFFF  }
0x35c: {  	s0 =	rddreg [dreg:$0x4]  }
0x35d: {  	s0 =	sadd.s32 @!p0 $0x100000, s0  }
0x35e: {  	[sflag:s0] =	ssyncadd.tile.s32 @!p0 $0x1;
	_ =	shalt  }
.Lfunc_end2:
_tile_overlayer_lowered:
.L_overlay_start_2:
0x35f: {  	(tag) =	ssettag $0x2  }
0x360: {  	s0 =	rddreg [dreg:$0x0];
	s2 =	stileid.u32  }
0x361: {  	s1 =	rddreg [dreg:$0x1];
	p0 =	sne.s32 s2, $0x0  }
0x362: {  	s3 =	rddreg [dreg:$0x2];
	[bflag:$0x3] =	sbarrier.arrive $0xFFFF;
	s2 =	simm.s32 @!p0 $0x1C01  }
0x363: {  	[timem:s3], [sflag:s2] =	dma.local @!p0 [hbm:s0], s1  }
0x364: {  	s0 =	simm.s32 @!p0 $0x1  }
0x365: {  	_ =	swait.ge @!p0 [sflag:s0], s1  }
0x366: {  	s1 =	ssub.s32 @!p0 $0x0, s1;
	[sflag:s0] =	ssyncset.done @!p0 $0x0  }
0x367: {  	[sflag:s0] =	ssyncadd.s32 @!p0 s1  }
0x368: {  	[bflag:$0x3] =	sbarrier.arrive $0xFFFF  }
0x369: {  	_ =	shalt  }

// kernel: scatter_offload_async_start
scs
__scs_entry_jumppad:
0x0: {  	(pc) =	sbr.rel $0x88, $3  }
0x1: {  	(tag) =	ssettag $0x0;
	lr =	simm.s32 $0x1  }
0x2: {  	[smem:$0x3F96] =	sst lr;
	_ =	strace $0xD0000000  }
0x3: {  	_ = 	snop  }
0x4: {  	_ = 	snop  }
0x5: {  	_ = 	snop  }
0x6: {  	_ = 	snop  }
0x7: {  	_ = 	snop  }
__scs_overlays_trampoline_lowered:
0x8: {  	[smem:$0x3FA5] =	sst s0  }
0x9: {  	[smem:$0x3FA6] =	sst s1  }
0xa: {  	[smem:$0x3FA7] =	sst s2  }
0xb: {  	[smem:$0x3FA8] =	sst s3  }
0xc: {  	[smem:$0x3FA9] =	sst s4  }
0xd: {  	[smem:$0x3FAA] =	sst s5  }
0xe: {  	[smem:$0x3FAB] =	sst s6  }
0xf: {  	[smem:$0x3FAC] =	sst s7  }
0x10: {  	[smem:$0x3FAD] =	sst s8  }
0x11: {  	[smem:$0x3FAE] =	sst s9;
	s0 =	simm.s32 @!p0 $0x0  }
0x12: {  	s1 =	sld [smem:$0x3F94];
	s0 =	simm.s32 @p0 $0x1  }
0x13: {  	[smem:$0x3FAF] =	sst s0;
	s0 =	simm.s32 @!p1 $0x0  }
0x14: {  	s2 =	sld [smem:$0x3F93];
	s0 =	simm.s32 @p1 $0x1  }
0x15: {  	[smem:$0x3FB0] =	sst s0;
	s0 =	simm.s32 @!p2 $0x0  }
0x16: {  	s3 =	sld [smem:$0x3FDB];
	s0 =	simm.s32 @p2 $0x1  }
0x17: {  	s4 =	simm.s32 $0x1BF5;
	[smem:$0x3FB2] =	sst s0  }
0x18: {  	s0 =	sld [smem:$0x3F95];
	_ =	swait.ge [sflag:s4], $0x0  }
0x19: {  	s7 =	sld [smem:$0x3F96]  }
0x1a: {  	s8 =	sadd.s32 $0xFFFFE003, lr  }
0x1b: {  	s9 =	sadd.s32 $0xFFFFFEF7, lr;
	s5 =	simm.s32 $0xFFFFFFFF;
	p2 =	slt.u32 s8, $0xFFFFF086  }
0x1c: {  	p1 =	slt.u32 s9, $0xF7A;
	s5 =	simm.s32 @!p2 $0x0  }
0x1d: {  	s5 =	simm.s32 @p1 $0x1;
	p0 =	seq.s32 s7, s2  }
0x1e: {  	s7 =	smul.u32 @!p0 $0xF7A, s2;
	p2 =	seq.s32 @!p0 s5, $0x0  }
0x1f: {  	s9 =	smul.u32 $0xF7A, s1;
	s8 =	simm.s32 @!p0 $0x1BF5;
	p2 =	por !p2, p0  }
0x20: {  	[sflag:s8] =	ssyncset.s32 @!p0 $0xFFFFF086;
	s6 =	sadd.s32 @!p0 s3, s7;
	s7 =	simm.s32 @!p0 $0x108  }
0x21: {  	s3 =	sadd.s32 s3, s9;
	s6 =	sadd.s32 @!p0 $0x88, s6;
	s7 =	simm.s32 @p2 $0x1082  }
0x22: {  	[simem:s7], [sflag:s8] =	dma.local @!p0 [hbm:s6], $0xF7A  }
0x23: {  	s9 =	sor.u32 $0xD0000000, s2;
	s6 =	simm.s32 $0x108;
	_ =	swait.ge @!p0 [sflag:s8], $0x0  }
0x24: {  	s3 =	sadd.s32 $0x88, s3;
	s6 =	simm.s32 @!p1 $0x1082;
	[sflag:s4] =	ssyncset.s32 $0xFFFFF086  }
0x25: {  	[simem:s6], [sflag:s4] =	dma.local [hbm:s3], $0xF7A  }
0x26: {  	[smem:$0x3F96] =	sst s1;
	(tag) =	ssettag s2;
	_ =	strace s9  }
0x27: {  	s1 =	sld [smem:$0x3FA6]  }
0x28: {  	s2 =	sld [smem:$0x3FA7]  }
0x29: {  	s4 =	sld [smem:$0x3FA9]  }
0x2a: {  	p0 =	seq.s32 s5, $0x0;
	s5 =	sld [smem:$0x3FAA]  }
0x2b: {  	s6 =	sld [smem:$0x3FAB]  }
0x2c: {  	s7 =	sld [smem:$0x3FAC]  }
0x2d: {  	s3 =	simm.s32 $0x108;
	s8 =	sld [smem:$0x3FAD]  }
0x2e: {  	s3 =	simm.s32 @!p0 $0x1082;
	s9 =	sld [smem:$0x3FAE]  }
0x2f: {  	lr =	sadd.s32 s0, s3;
	s0 =	sld [smem:$0x3FA5]  }
0x30: {  	s3 =	sld [smem:$0x3FA8]  }
0x31: {  	[smem:$0x3FB1] =	sst s10  }
0x32: {  	s10 =	sld [smem:$0x3FAF];
	_ =	sdelay $0x3  }
0x33: {  	p0 =	seq.s32 s10, $0x1;
	s10 =	sld [smem:$0x3FB1];
	_ =	sdelay $0x3  }
0x34: {  	[smem:$0x3FB1] =	sst s10  }
0x35: {  	s10 =	sld [smem:$0x3FB0];
	_ =	sdelay $0x3  }
0x36: {  	p1 =	seq.s32 s10, $0x1;
	s10 =	sld [smem:$0x3FB1];
	_ =	sdelay $0x3  }
0x37: {  	[smem:$0x3FB1] =	sst s10  }
0x38: {  	s10 =	sld [smem:$0x3FB2]  }
0x39: {  	_ = 	snop;
	(pc) =	sbr.ind lr, $3  }
0x3a: {  	_ = 	snop  }
0x3b: {  	_ = 	snop  }
0x3c: {  	p2 =	seq.s32 s10, $0x1;
	s10 =	sld [smem:$0x3FB1]  }
0x3d: {  	_ =	shalt  }
0x3e: {  	_ =	shalt  }
0x3f: {  	_ =	shalt  }
0x40: {  	_ =	shalt  }
0x41: {  	_ =	shalt  }
0x42: {  	_ =	shalt  }
0x43: {  	_ =	shalt  }
0x44: {  	_ =	shalt  }
0x45: {  	_ =	shalt  }
0x46: {  	_ =	shalt  }
0x47: {  	_ =	shalt  }
0x48: {  	_ =	shalt  }
0x49: {  	_ =	shalt  }
0x4a: {  	_ =	shalt  }
0x4b: {  	_ =	shalt  }
0x4c: {  	_ =	shalt  }
0x4d: {  	_ =	shalt  }
0x4e: {  	_ =	shalt  }
0x4f: {  	_ =	shalt  }
0x50: {  	_ =	shalt  }
0x51: {  	_ =	shalt  }
0x52: {  	_ =	shalt  }
0x53: {  	_ =	shalt  }
0x54: {  	_ =	shalt  }
0x55: {  	_ =	shalt  }
0x56: {  	_ =	shalt  }
0x57: {  	_ =	shalt  }
0x58: {  	_ =	shalt  }
0x59: {  	_ =	shalt  }
0x5a: {  	_ =	shalt  }
0x5b: {  	_ =	shalt  }
0x5c: {  	_ =	shalt  }
0x5d: {  	_ =	shalt  }
0x5e: {  	_ =	shalt  }
0x5f: {  	_ =	shalt  }
0x60: {  	_ =	shalt  }
0x61: {  	_ =	shalt  }
0x62: {  	_ =	shalt  }
0x63: {  	_ =	shalt  }
0x64: {  	_ =	shalt  }
0x65: {  	_ =	shalt  }
0x66: {  	_ =	shalt  }
0x67: {  	_ =	shalt  }
0x68: {  	_ =	shalt  }
0x69: {  	_ =	shalt  }
0x6a: {  	_ =	shalt  }
0x6b: {  	_ =	shalt  }
0x6c: {  	_ =	shalt  }
0x6d: {  	_ =	shalt  }
0x6e: {  	_ =	shalt  }
0x6f: {  	_ =	shalt  }
0x70: {  	_ =	shalt  }
0x71: {  	_ =	shalt  }
0x72: {  	_ =	shalt  }
0x73: {  	_ =	shalt  }
0x74: {  	_ =	shalt  }
0x75: {  	_ =	shalt  }
0x76: {  	_ =	shalt  }
0x77: {  	_ =	shalt  }
0x78: {  	_ =	shalt  }
0x79: {  	_ =	shalt  }
0x7a: {  	_ =	shalt  }
0x7b: {  	_ =	shalt  }
0x7c: {  	_ =	shalt  }
0x7d: {  	_ =	shalt  }
0x7e: {  	_ =	shalt  }
0x7f: {  	_ =	shalt  }
0x80: {  	_ =	shalt  }
0x81: {  	_ =	shalt  }
0x82: {  	_ =	shalt  }
0x83: {  	_ =	shalt  }
0x84: {  	_ =	shalt  }
0x85: {  	_ =	shalt  }
0x86: {  	_ =	shalt  }
0x87: {  	_ =	shalt  }
.Lfunc_end0:
.L_simem_size_0:
called_computation_lowered:
.L_overlay_start_0:
0x88: {  	s2 =	sld [smem:$0x3FD9]  }
0x89: {  	s3 =	sld [smem:$0x3FFE];
	_ =	sdelay $0x1  }
0x8a: {  	s1 =	srdreg.scid  }
0x8b: {  	s0 =	sand.u32 $0x1, s1  }
0x8c: {  	s13 =	sshll.u32 s0, $0xA;
	s2 =	sadd.s32 s3, s2  }
0x8d: {  	s2 =	sadd.s32 s2, s13  }
0x8e: {  	[smem:$0x3FBD] =	sst s2  }
0x8f: {  	_ = 	snop  }
0x90: {  	s2 =	sld [smem:$0x3FD0];
	_ =	sdelay $0x2  }
0x91: {  	s14 =	simm.s32 $0xA;
	s4 =	simm.s32 $0x10  }
0x92: {  	[smem:s4], [sflag:s14] =	dma.local [hbm:s2], $0x1  }
0x93: {  	_ =	swait.eq [sflag:s14], $0x1  }
0x94: {  	[sflag:s14] =	ssyncset.done $0x0  }
0x95: {  	[sflag:s14] =	ssyncadd.s32 $0xFFFFFFFF  }
0x96: {  	s15 =	sld [smem:$0x11];
	(tm) =	ssettm $0x1  }
0x97: {  	s16 =	sld [smem:$0x3FFB];
	_ =	sdelay $0x3  }
0x98: {  	_ =	strace s16  }
0x99: {  	s3 =	sld [smem:$0x3FFC];
	_ =	sdelay $0x3  }
0x9a: {  	_ =	strace s3  }
0x9b: {  	s3 =	sld [smem:$0x3FFD];
	_ =	sdelay $0x3  }
0x9c: {  	_ =	strace s3  }
0x9d: {  	_ =	strace $0x8FFFFFFF  }
0x9e: {  	s17 =	sld [smem:$0x3FDB];
	_ =	sdelay $0x1  }
0x9f: {  	s18 =	simm.s32 $_scs_section_size  }
0xa0: {  	s5 =	simm.s32 $_size__tile_overlayer_lowered;
	s6 =	simm.s32 $_tile_overlayer_lowered  }
0xa1: {  	s21 =	simm.s32 $0x1BFF;
	s20 =	sshll.u32 s6, $0x1;
	s3 =	sadd.s32 s18, s17  }
0xa2: {  	s7 =	simm.s32 $0x0;
	s19 =	sshll.u32 s5, $0x1;
	s5 =	sadd.s32 s20, s3  }
0xa3: {  	[timem:s7], [sflag:s21] =	dma.local [hbm:s5], s19  }
0xa4: {  	_ =	swait.ge [sflag:s21], s19  }
0xa5: {  	s4 =	ssub.s32 $0x0, s19;
	[sflag:s21] =	ssyncset.done $0x0  }
0xa6: {  	[sflag:s21] =	ssyncadd.s32 s4;
	_ =	sdelay $0x1  }
0xa7: {  	s22 =	simm.s32 $0x1B8B  }
0xa8: {  	_ =	swait.ge [sflag:s22], $0x1  }
0xa9: {  	[sflag:s22] =	ssyncset.done $0x0  }
0xaa: {  	s23 =	sld [smem:$0x3FFE];
	[sflag:s22] =	ssyncadd.s32 $0xFFFFFFFF  }
0xab: {  	s25 =	simm.s32 $0x1B8E;
	s24 =	sld [smem:$0x0]  }
0xac: {  	s26 =	simm.s32 $execute0_lowered;
	[smem:$0x3FD2] =	sst s25  }
0xad: {  	s6 =	sshll.u32 s26, $0x1;
	_ =	strace $0x80000049;
	[dreg:$0x1] =	wrdreg $0xFFFFFFFF  }
0xae: {  	s28 =	simm.s32 $_size_execute0_lowered;
	s3 =	sadd.s32 s3, s6;
	[dreg:$0x0] =	wrdreg $0x0  }
0xaf: {  	s6 =	sshll.u32 s28, $0x1;
	[dreg:$0x2] =	wrdreg s3  }
0xb0: {  	[dreg:$0x3] =	wrdreg s6  }
0xb1: {  	[dreg:$0x4] =	wrdreg $0xC0  }
0xb2: {  	_ =	task [dreg:s7], $0x5FFFF  }
0xb3: {  	[dreg:$0x1] =	wrdreg $0xFFFFFFFF  }
0xb4: {  	[dreg:$0x0] =	wrdreg $0x60  }
0xb5: {  	[dreg:$0x2] =	wrdreg s15  }
0xb6: {  	[dreg:$0x3] =	wrdreg s23  }
0xb7: {  	[dreg:$0x4] =	wrdreg s1  }
0xb8: {  	[dreg:$0x5] =	wrdreg s24  }
0xb9: {  	[dreg:$0x6] =	wrdreg $0x9  }
0xba: {  	_ =	task.clear_ibuf [dreg:s7], $0x7FFFF;
	_ =	strace $0x90000049  }
0xbb: {  	s29 =	simm.s32 $0x9;
	_ =	strace $0x8000004B  }
0xbc: {  	_ =	swait.ge [sflag:s29], $0x1  }
0xbd: {  	[sflag:s29] =	ssyncadd.s32 $0xFFFFFFFF  }
0xbe: {  	_ =	strace $0x9000004B  }
0xbf: {  	_ =	sfence  }
0xc0: {  	s30 =	sld [smem:$0x0];
	_ =	sdelay $0x2  }
0xc1: {  	s31 =	sshll.u32 s1, $0xD;
	s1 =	sshrl.u32 s1, $0x2  }
0xc2: {  	s3 =	sand.u32 $0x4000, s31;
	s1 =	sadd.s32 s1, s30  }
0xc3: {  	s0 =	sor.u32 s3, s0;
	s1 =	sshll.u32 s1, $0x11  }
0xc4: {  	s0 =	sor.u32 s1, s0  }
0xc5: {  	s0 =	sadd.s32 $0x8F2B, s0  }
0xc6: {  	[sflag:s0] =	ssyncadd.remote.s32 $0x1  }
0xc7: {  	_ =	sfence.sel $0xFFFF  }
0xc8: {  	[dreg:$0x0] =	wrdreg $0xFFFFFFFF;
	(pc) =	sbr.abs _section_cstart, $3  }
0xc9: {  	[dreg:$0x1] =	wrdreg $0xFFFFFFFF  }
0xca: {  	_ =	task.clear_ibuf [dreg:s7], $0x2FFFF;
	_ =	strace $0x9FFFFFFF  }
0xcb: {  	(tm) =	ssettm $0x7FFFFFFF  }
tec
execute0_lowered:
.L_overlay_start_1:
0x0: {  	(tag) =	ssettag $0x1  }
0x1: {  	s1 =	rddreg [dreg:$0x0]  }
0x2: {  	s11 =	rddreg [dreg:$0x1]  }
0x3: {  	s3 =	rddreg [dreg:$0x2];
	_ =	strace $0x8000004A;
	s12 =	simm.s32 $0x1  }
0x4: {  	v0 =	vimm.s32 $0x0;
	[sflag:s12] =	ssyncpa.u1 $0x0  }
0x5: {  	[tilespmem:$0x28] =	vst v0  }
0x6: {  	[tilespmem:$0x38] =	vst v0  }
0x7: {  	[tilespmem:$0x48] =	vst v0  }
0x8: {  	[tilespmem:$0x58] =	vst v0  }
0x9: {  	[tilespmem:$0x68] =	vst v0  }
0xa: {  	[tilespmem:$0x78] =	vst v0  }
0xb: {  	[tilespmem:$0x88] =	vst v0  }
0xc: {  	[tilespmem:$0x98] =	vst v0  }
0xd: {  	[tilespmem:$0xA8] =	vst v0  }
0xe: {  	[tilespmem:$0xB8] =	vst v0  }
0xf: {  	[tilespmem:$0xC8] =	vst v0  }
0x10: {  	[tilespmem:$0xD8] =	vst v0  }
0x11: {  	[tilespmem:$0xE8] =	vst v0  }
0x12: {  	[tilespmem:$0xF8] =	vst v0  }
0x13: {  	[tilespmem:$0x108] =	vst v0  }
0x14: {  	[tilespmem:$0x118] =	vst v0  }
0x15: {  	[tilespmem:$0x128] =	vst v0  }
0x16: {  	[tilespmem:$0x138] =	vst v0  }
0x17: {  	[tilespmem:$0x148] =	vst v0  }
0x18: {  	[tilespmem:$0x158] =	vst v0  }
0x19: {  	[tilespmem:$0x168] =	vst v0  }
0x1a: {  	[tilespmem:$0x178] =	vst v0  }
0x1b: {  	[tilespmem:$0x188] =	vst v0  }
0x1c: {  	[tilespmem:$0x198] =	vst v0  }
0x1d: {  	[tilespmem:$0x1A8] =	vst v0  }
0x1e: {  	[tilespmem:$0x1B8] =	vst v0  }
0x1f: {  	[tilespmem:$0x1C8] =	vst v0  }
0x20: {  	[tilespmem:$0x1D8] =	vst v0  }
0x21: {  	[tilespmem:$0x1E8] =	vst v0  }
0x22: {  	[tilespmem:$0x1F8] =	vst v0  }
0x23: {  	[tilespmem:$0x208] =	vst v0  }
0x24: {  	[tilespmem:$0x218] =	vst v0  }
0x25: {  	[tilespmem:$0x228] =	vst v0  }
0x26: {  	[tilespmem:$0x238] =	vst v0  }
0x27: {  	[tilespmem:$0x248] =	vst v0  }
0x28: {  	[tilespmem:$0x258] =	vst v0  }
0x29: {  	[tilespmem:$0x268] =	vst v0  }
0x2a: {  	[tilespmem:$0x278] =	vst v0  }
0x2b: {  	[tilespmem:$0x288] =	vst v0  }
0x2c: {  	[tilespmem:$0x298] =	vst v0  }
0x2d: {  	[tilespmem:$0x2A8] =	vst v0  }
0x2e: {  	[tilespmem:$0x2B8] =	vst v0  }
0x2f: {  	[tilespmem:$0x2C8] =	vst v0  }
0x30: {  	[tilespmem:$0x2D8] =	vst v0  }
0x31: {  	[tilespmem:$0x2E8] =	vst v0  }
0x32: {  	[tilespmem:$0x2F8] =	vst v0  }
0x33: {  	[tilespmem:$0x308] =	vst v0  }
0x34: {  	[tilespmem:$0x318] =	vst v0  }
0x35: {  	[tilespmem:$0x328] =	vst v0  }
0x36: {  	[tilespmem:$0x338] =	vst v0  }
0x37: {  	[tilespmem:$0x348] =	vst v0  }
0x38: {  	[tilespmem:$0x358] =	vst v0  }
0x39: {  	[tilespmem:$0x368] =	vst v0  }
0x3a: {  	[tilespmem:$0x378] =	vst v0  }
0x3b: {  	[tilespmem:$0x388] =	vst v0  }
0x3c: {  	[tilespmem:$0x398] =	vst v0  }
0x3d: {  	[tilespmem:$0x3A8] =	vst v0  }
0x3e: {  	[tilespmem:$0x3B8] =	vst v0  }
0x3f: {  	[tilespmem:$0x3C8] =	vst v0  }
0x40: {  	[tilespmem:$0x3D8] =	vst v0  }
0x41: {  	[tilespmem:$0x3E8] =	vst v0  }
0x42: {  	[tilespmem:$0x3F8] =	vst v0  }
0x43: {  	[tilespmem:$0x408] =	vst v0  }
0x44: {  	[tilespmem:$0x418] =	vst v0  }
0x45: {  	[tilespmem:$0x428] =	vst v0  }
0x46: {  	[tilespmem:$0x438] =	vst v0  }
0x47: {  	[tilespmem:$0x448] =	vst v0  }
0x48: {  	[tilespmem:$0x458] =	vst v0  }
0x49: {  	[tilespmem:$0x468] =	vst v0  }
0x4a: {  	[tilespmem:$0x478] =	vst v0  }
0x4b: {  	[tilespmem:$0x488] =	vst v0  }
0x4c: {  	[tilespmem:$0x498] =	vst v0  }
0x4d: {  	[tilespmem:$0x4A8] =	vst v0  }
0x4e: {  	[tilespmem:$0x4B8] =	vst v0  }
0x4f: {  	[tilespmem:$0x4C8] =	vst v0  }
0x50: {  	[tilespmem:$0x4D8] =	vst v0  }
0x51: {  	[tilespmem:$0x4E8] =	vst v0  }
0x52: {  	[tilespmem:$0x4F8] =	vst v0  }
0x53: {  	[tilespmem:$0x508] =	vst v0  }
0x54: {  	[tilespmem:$0x518] =	vst v0  }
0x55: {  	[tilespmem:$0x528] =	vst v0  }
0x56: {  	[tilespmem:$0x538] =	vst v0  }
0x57: {  	[tilespmem:$0x548] =	vst v0  }
0x58: {  	[tilespmem:$0x558] =	vst v0  }
0x59: {  	[tilespmem:$0x568] =	vst v0  }
0x5a: {  	[tilespmem:$0x578] =	vst v0  }
0x5b: {  	[tilespmem:$0x588] =	vst v0  }
0x5c: {  	[tilespmem:$0x598] =	vst v0  }
0x5d: {  	[tilespmem:$0x5A8] =	vst v0  }
0x5e: {  	[tilespmem:$0x5B8] =	vst v0  }
0x5f: {  	[tilespmem:$0x5C8] =	vst v0  }
0x60: {  	[tilespmem:$0x5D8] =	vst v0  }
0x61: {  	[tilespmem:$0x5E8] =	vst v0  }
0x62: {  	[tilespmem:$0x5F8] =	vst v0  }
0x63: {  	[tilespmem:$0x608] =	vst v0  }
0x64: {  	[tilespmem:$0x618] =	vst v0  }
0x65: {  	[tilespmem:$0x628] =	vst v0  }
0x66: {  	[tilespmem:$0x638] =	vst v0  }
0x67: {  	[tilespmem:$0x648] =	vst v0  }
0x68: {  	[tilespmem:$0x658] =	vst v0  }
0x69: {  	[tilespmem:$0x668] =	vst v0  }
0x6a: {  	[tilespmem:$0x678] =	vst v0  }
0x6b: {  	[tilespmem:$0x688] =	vst v0  }
0x6c: {  	[tilespmem:$0x698] =	vst v0  }
0x6d: {  	[tilespmem:$0x6A8] =	vst v0  }
0x6e: {  	[tilespmem:$0x6B8] =	vst v0  }
0x6f: {  	[tilespmem:$0x6C8] =	vst v0  }
0x70: {  	[tilespmem:$0x6D8] =	vst v0  }
0x71: {  	[tilespmem:$0x6E8] =	vst v0  }
0x72: {  	[tilespmem:$0x6F8] =	vst v0  }
0x73: {  	[tilespmem:$0x708] =	vst v0  }
0x74: {  	[tilespmem:$0x718] =	vst v0  }
0x75: {  	[tilespmem:$0x728] =	vst v0  }
0x76: {  	[tilespmem:$0x738] =	vst v0  }
0x77: {  	[tilespmem:$0x748] =	vst v0  }
0x78: {  	[tilespmem:$0x758] =	vst v0  }
0x79: {  	[tilespmem:$0x768] =	vst v0  }
0x7a: {  	[tilespmem:$0x778] =	vst v0  }
0x7b: {  	[tilespmem:$0x788] =	vst v0  }
0x7c: {  	[tilespmem:$0x798] =	vst v0  }
0x7d: {  	[tilespmem:$0x7A8] =	vst v0  }
0x7e: {  	[tilespmem:$0x7B8] =	vst v0  }
0x7f: {  	[tilespmem:$0x7C8] =	vst v0  }
0x80: {  	[tilespmem:$0x7D8] =	vst v0  }
0x81: {  	[tilespmem:$0x7E8] =	vst v0  }
0x82: {  	[tilespmem:$0x7F8] =	vst v0  }
0x83: {  	[tilespmem:$0x808] =	vst v0  }
0x84: {  	[tilespmem:$0x818] =	vst v0  }
0x85: {  	[tilespmem:$0x828] =	vst v0  }
0x86: {  	[tilespmem:$0x838] =	vst v0  }
0x87: {  	[tilespmem:$0x848] =	vst v0  }
0x88: {  	[tilespmem:$0x858] =	vst v0  }
0x89: {  	[tilespmem:$0x868] =	vst v0  }
0x8a: {  	[tilespmem:$0x878] =	vst v0  }
0x8b: {  	[tilespmem:$0x888] =	vst v0  }
0x8c: {  	[tilespmem:$0x898] =	vst v0  }
0x8d: {  	[tilespmem:$0x8A8] =	vst v0  }
0x8e: {  	[tilespmem:$0x8B8] =	vst v0  }
0x8f: {  	[tilespmem:$0x8C8] =	vst v0  }
0x90: {  	[tilespmem:$0x8D8] =	vst v0  }
0x91: {  	[tilespmem:$0x8E8] =	vst v0  }
0x92: {  	[tilespmem:$0x8F8] =	vst v0  }
0x93: {  	[tilespmem:$0x908] =	vst v0  }
0x94: {  	[tilespmem:$0x918] =	vst v0  }
0x95: {  	[tilespmem:$0x928] =	vst v0  }
0x96: {  	[tilespmem:$0x938] =	vst v0  }
0x97: {  	[tilespmem:$0x948] =	vst v0  }
0x98: {  	[tilespmem:$0x958] =	vst v0  }
0x99: {  	[tilespmem:$0x968] =	vst v0  }
0x9a: {  	[tilespmem:$0x978] =	vst v0  }
0x9b: {  	[tilespmem:$0x988] =	vst v0  }
0x9c: {  	[tilespmem:$0x998] =	vst v0  }
0x9d: {  	[tilespmem:$0x9A8] =	vst v0  }
0x9e: {  	[tilespmem:$0x9B8] =	vst v0  }
0x9f: {  	[tilespmem:$0x9C8] =	vst v0  }
0xa0: {  	[tilespmem:$0x9D8] =	vst v0  }
0xa1: {  	[tilespmem:$0x9E8] =	vst v0  }
0xa2: {  	[tilespmem:$0x9F8] =	vst v0  }
0xa3: {  	[tilespmem:$0xA08] =	vst v0  }
0xa4: {  	[tilespmem:$0xA18] =	vst v0  }
0xa5: {  	[tilespmem:$0xA28] =	vst v0  }
0xa6: {  	[tilespmem:$0xA38] =	vst v0  }
0xa7: {  	[tilespmem:$0xA48] =	vst v0  }
0xa8: {  	[tilespmem:$0xA58] =	vst v0  }
0xa9: {  	[tilespmem:$0xA68] =	vst v0  }
0xaa: {  	[tilespmem:$0xA78] =	vst v0  }
0xab: {  	[tilespmem:$0xA88] =	vst v0  }
0xac: {  	[tilespmem:$0xA98] =	vst v0  }
0xad: {  	[tilespmem:$0xAA8] =	vst v0  }
0xae: {  	[tilespmem:$0xAB8] =	vst v0  }
0xaf: {  	[tilespmem:$0xAC8] =	vst v0  }
0xb0: {  	[tilespmem:$0xAD8] =	vst v0  }
0xb1: {  	[tilespmem:$0xAE8] =	vst v0  }
0xb2: {  	[tilespmem:$0xAF8] =	vst v0  }
0xb3: {  	[tilespmem:$0xB08] =	vst v0  }
0xb4: {  	[tilespmem:$0xB18] =	vst v0  }
0xb5: {  	[tilespmem:$0xB28] =	vst v0  }
0xb6: {  	[tilespmem:$0xB38] =	vst v0  }
0xb7: {  	[tilespmem:$0xB48] =	vst v0  }
0xb8: {  	[tilespmem:$0xB58] =	vst v0  }
0xb9: {  	[tilespmem:$0xB68] =	vst v0  }
0xba: {  	[tilespmem:$0xB78] =	vst v0  }
0xbb: {  	[tilespmem:$0xB88] =	vst v0  }
0xbc: {  	[tilespmem:$0xB98] =	vst v0  }
0xbd: {  	[tilespmem:$0xBA8] =	vst v0  }
0xbe: {  	[tilespmem:$0xBB8] =	vst v0  }
0xbf: {  	[tilespmem:$0xBC8] =	vst v0  }
0xc0: {  	[tilespmem:$0xBD8] =	vst v0  }
0xc1: {  	[tilespmem:$0xBE8] =	vst v0  }
0xc2: {  	[tilespmem:$0xBF8] =	vst v0  }
0xc3: {  	[tilespmem:$0xC08] =	vst v0  }
0xc4: {  	[tilespmem:$0xC18] =	vst v0  }
0xc5: {  	[tilespmem:$0xC28] =	vst v0  }
0xc6: {  	[tilespmem:$0xC38] =	vst v0  }
0xc7: {  	[tilespmem:$0xC48] =	vst v0  }
0xc8: {  	[tilespmem:$0xC58] =	vst v0  }
0xc9: {  	[tilespmem:$0xC68] =	vst v0  }
0xca: {  	[tilespmem:$0xC78] =	vst v0  }
0xcb: {  	[tilespmem:$0xC88] =	vst v0  }
0xcc: {  	[tilespmem:$0xC98] =	vst v0  }
0xcd: {  	[tilespmem:$0xCA8] =	vst v0  }
0xce: {  	[tilespmem:$0xCB8] =	vst v0  }
0xcf: {  	[tilespmem:$0xCC8] =	vst v0  }
0xd0: {  	[tilespmem:$0xCD8] =	vst v0  }
0xd1: {  	[tilespmem:$0xCE8] =	vst v0  }
0xd2: {  	[tilespmem:$0xCF8] =	vst v0  }
0xd3: {  	[tilespmem:$0xD08] =	vst v0  }
0xd4: {  	[tilespmem:$0xD18] =	vst v0  }
0xd5: {  	[tilespmem:$0xD28] =	vst v0  }
0xd6: {  	[tilespmem:$0xD38] =	vst v0  }
0xd7: {  	[tilespmem:$0xD48] =	vst v0  }
0xd8: {  	[tilespmem:$0xD58] =	vst v0  }
0xd9: {  	[tilespmem:$0xD68] =	vst v0  }
0xda: {  	[tilespmem:$0xD78] =	vst v0  }
0xdb: {  	[tilespmem:$0xD88] =	vst v0  }
0xdc: {  	[tilespmem:$0xD98] =	vst v0  }
0xdd: {  	[tilespmem:$0xDA8] =	vst v0  }
0xde: {  	[tilespmem:$0xDB8] =	vst v0  }
0xdf: {  	[tilespmem:$0xDC8] =	vst v0  }
0xe0: {  	[tilespmem:$0xDD8] =	vst v0  }
0xe1: {  	[tilespmem:$0xDE8] =	vst v0  }
0xe2: {  	[tilespmem:$0xDF8] =	vst v0  }
0xe3: {  	[tilespmem:$0xE08] =	vst v0  }
0xe4: {  	[tilespmem:$0xE18] =	vst v0  }
0xe5: {  	[tilespmem:$0xE28] =	vst v0  }
0xe6: {  	[tilespmem:$0xE38] =	vst v0  }
0xe7: {  	[tilespmem:$0xE48] =	vst v0  }
0xe8: {  	[tilespmem:$0xE58] =	vst v0  }
0xe9: {  	[tilespmem:$0xE68] =	vst v0  }
0xea: {  	[tilespmem:$0xE78] =	vst v0  }
0xeb: {  	[tilespmem:$0xE88] =	vst v0  }
0xec: {  	[tilespmem:$0xE98] =	vst v0  }
0xed: {  	[tilespmem:$0xEA8] =	vst v0  }
0xee: {  	[tilespmem:$0xEB8] =	vst v0  }
0xef: {  	[tilespmem:$0xEC8] =	vst v0  }
0xf0: {  	[tilespmem:$0xED8] =	vst v0  }
0xf1: {  	[tilespmem:$0xEE8] =	vst v0  }
0xf2: {  	[tilespmem:$0xEF8] =	vst v0  }
0xf3: {  	[tilespmem:$0xF08] =	vst v0  }
0xf4: {  	[tilespmem:$0xF18] =	vst v0  }
0xf5: {  	[tilespmem:$0xF28] =	vst v0  }
0xf6: {  	[tilespmem:$0xF38] =	vst v0  }
0xf7: {  	[tilespmem:$0xF48] =	vst v0  }
0xf8: {  	[tilespmem:$0xF58] =	vst v0  }
0xf9: {  	[tilespmem:$0xF68] =	vst v0  }
0xfa: {  	[tilespmem:$0xF78] =	vst v0  }
0xfb: {  	[tilespmem:$0xF88] =	vst v0  }
0xfc: {  	[tilespmem:$0xF98] =	vst v0  }
0xfd: {  	[tilespmem:$0xFA8] =	vst v0  }
0xfe: {  	[tilespmem:$0xFB8] =	vst v0  }
0xff: {  	[tilespmem:$0xFC8] =	vst v0  }
0x100: {  	[tilespmem:$0xFD8] =	vst v0  }
0x101: {  	[tilespmem:$0xFE8] =	vst v0  }
0x102: {  	[tilespmem:$0xFF8] =	vst v0  }
0x103: {  	[tilespmem:$0x1028] =	vst v0  }
0x104: {  	[tilespmem:$0x10E8] =	vst v0  }
0x105: {  	[tilespmem:$0x1068] =	vst v0  }
0x106: {  	[tilespmem:$0x1058] =	vst v0  }
0x107: {  	[tilespmem:$0x1B28] =	vst v0  }
0x108: {  	[tilespmem:$0x1B18] =	vst v0  }
0x109: {  	[tilespmem:$0x1B08] =	vst v0  }
0x10a: {  	[tilespmem:$0x1AF8] =	vst v0  }
0x10b: {  	[tilespmem:$0x1AE8] =	vst v0  }
0x10c: {  	[tilespmem:$0x1AD8] =	vst v0  }
0x10d: {  	[tilespmem:$0x1AC8] =	vst v0  }
0x10e: {  	[tilespmem:$0x1AB8] =	vst v0  }
0x10f: {  	[tilespmem:$0x1AA8] =	vst v0  }
0x110: {  	[tilespmem:$0x1A98] =	vst v0  }
0x111: {  	[tilespmem:$0x1A88] =	vst v0  }
0x112: {  	[tilespmem:$0x1A78] =	vst v0  }
0x113: {  	[tilespmem:$0x1A68] =	vst v0  }
0x114: {  	[tilespmem:$0x1A58] =	vst v0  }
0x115: {  	[tilespmem:$0x1A48] =	vst v0  }
0x116: {  	[tilespmem:$0x1A38] =	vst v0  }
0x117: {  	[tilespmem:$0x1A28] =	vst v0  }
0x118: {  	[tilespmem:$0x1A18] =	vst v0  }
0x119: {  	[tilespmem:$0x1A08] =	vst v0  }
0x11a: {  	[tilespmem:$0x19F8] =	vst v0  }
0x11b: {  	[tilespmem:$0x19E8] =	vst v0  }
0x11c: {  	[tilespmem:$0x19D8] =	vst v0  }
0x11d: {  	[tilespmem:$0x19C8] =	vst v0  }
0x11e: {  	[tilespmem:$0x19B8] =	vst v0  }
0x11f: {  	[tilespmem:$0x19A8] =	vst v0  }
0x120: {  	[tilespmem:$0x1998] =	vst v0  }
0x121: {  	[tilespmem:$0x1988] =	vst v0  }
0x122: {  	[tilespmem:$0x1978] =	vst v0  }
0x123: {  	[tilespmem:$0x1968] =	vst v0  }
0x124: {  	[tilespmem:$0x1958] =	vst v0  }
0x125: {  	[tilespmem:$0x1948] =	vst v0  }
0x126: {  	[tilespmem:$0x1938] =	vst v0  }
0x127: {  	[tilespmem:$0x1928] =	vst v0  }
0x128: {  	[tilespmem:$0x1918] =	vst v0  }
0x129: {  	[tilespmem:$0x1908] =	vst v0  }
0x12a: {  	[tilespmem:$0x18F8] =	vst v0  }
0x12b: {  	[tilespmem:$0x18E8] =	vst v0  }
0x12c: {  	[tilespmem:$0x18D8] =	vst v0  }
0x12d: {  	[tilespmem:$0x18C8] =	vst v0  }
0x12e: {  	[tilespmem:$0x18B8] =	vst v0  }
0x12f: {  	[tilespmem:$0x18A8] =	vst v0  }
0x130: {  	[tilespmem:$0x1898] =	vst v0  }
0x131: {  	[tilespmem:$0x1888] =	vst v0  }
0x132: {  	[tilespmem:$0x1878] =	vst v0  }
0x133: {  	[tilespmem:$0x1868] =	vst v0  }
0x134: {  	[tilespmem:$0x1858] =	vst v0  }
0x135: {  	[tilespmem:$0x1848] =	vst v0  }
0x136: {  	[tilespmem:$0x1838] =	vst v0  }
0x137: {  	[tilespmem:$0x1828] =	vst v0  }
0x138: {  	[tilespmem:$0x1818] =	vst v0  }
0x139: {  	[tilespmem:$0x1808] =	vst v0  }
0x13a: {  	[tilespmem:$0x17F8] =	vst v0  }
0x13b: {  	[tilespmem:$0x17E8] =	vst v0  }
0x13c: {  	[tilespmem:$0x17D8] =	vst v0  }
0x13d: {  	[tilespmem:$0x17C8] =	vst v0  }
0x13e: {  	[tilespmem:$0x17B8] =	vst v0  }
0x13f: {  	[tilespmem:$0x17A8] =	vst v0  }
0x140: {  	[tilespmem:$0x1798] =	vst v0  }
0x141: {  	[tilespmem:$0x1788] =	vst v0  }
0x142: {  	[tilespmem:$0x1778] =	vst v0  }
0x143: {  	[tilespmem:$0x1768] =	vst v0  }
0x144: {  	[tilespmem:$0x1758] =	vst v0  }
0x145: {  	[tilespmem:$0x1748] =	vst v0  }
0x146: {  	[tilespmem:$0x1738] =	vst v0  }
0x147: {  	[tilespmem:$0x1728] =	vst v0  }
0x148: {  	[tilespmem:$0x1718] =	vst v0  }
0x149: {  	[tilespmem:$0x1708] =	vst v0  }
0x14a: {  	[tilespmem:$0x16F8] =	vst v0  }
0x14b: {  	[tilespmem:$0x16E8] =	vst v0  }
0x14c: {  	[tilespmem:$0x16D8] =	vst v0  }
0x14d: {  	[tilespmem:$0x16C8] =	vst v0  }
0x14e: {  	[tilespmem:$0x16B8] =	vst v0  }
0x14f: {  	[tilespmem:$0x16A8] =	vst v0  }
0x150: {  	[tilespmem:$0x1698] =	vst v0  }
0x151: {  	[tilespmem:$0x1688] =	vst v0  }
0x152: {  	[tilespmem:$0x1678] =	vst v0  }
0x153: {  	[tilespmem:$0x1668] =	vst v0  }
0x154: {  	[tilespmem:$0x1658] =	vst v0  }
0x155: {  	[tilespmem:$0x1648] =	vst v0  }
0x156: {  	[tilespmem:$0x1638] =	vst v0  }
0x157: {  	[tilespmem:$0x1628] =	vst v0  }
0x158: {  	[tilespmem:$0x1618] =	vst v0  }
0x159: {  	[tilespmem:$0x1608] =	vst v0  }
0x15a: {  	[tilespmem:$0x15F8] =	vst v0  }
0x15b: {  	[tilespmem:$0x15E8] =	vst v0  }
0x15c: {  	[tilespmem:$0x15D8] =	vst v0  }
0x15d: {  	[tilespmem:$0x15C8] =	vst v0  }
0x15e: {  	[tilespmem:$0x15B8] =	vst v0  }
0x15f: {  	[tilespmem:$0x15A8] =	vst v0  }
0x160: {  	[tilespmem:$0x1598] =	vst v0  }
0x161: {  	[tilespmem:$0x1588] =	vst v0  }
0x162: {  	[tilespmem:$0x1578] =	vst v0  }
0x163: {  	[tilespmem:$0x1568] =	vst v0  }
0x164: {  	[tilespmem:$0x1558] =	vst v0  }
0x165: {  	[tilespmem:$0x1548] =	vst v0  }
0x166: {  	[tilespmem:$0x1538] =	vst v0  }
0x167: {  	[tilespmem:$0x1528] =	vst v0  }
0x168: {  	[tilespmem:$0x1518] =	vst v0  }
0x169: {  	[tilespmem:$0x1508] =	vst v0  }
0x16a: {  	[tilespmem:$0x14F8] =	vst v0  }
0x16b: {  	[tilespmem:$0x14E8] =	vst v0  }
0x16c: {  	[tilespmem:$0x14D8] =	vst v0  }
0x16d: {  	[tilespmem:$0x14C8] =	vst v0  }
0x16e: {  	[tilespmem:$0x14B8] =	vst v0  }
0x16f: {  	[tilespmem:$0x14A8] =	vst v0  }
0x170: {  	[tilespmem:$0x1498] =	vst v0  }
0x171: {  	[tilespmem:$0x1488] =	vst v0  }
0x172: {  	[tilespmem:$0x1478] =	vst v0  }
0x173: {  	[tilespmem:$0x1468] =	vst v0  }
0x174: {  	[tilespmem:$0x1458] =	vst v0  }
0x175: {  	[tilespmem:$0x1448] =	vst v0  }
0x176: {  	[tilespmem:$0x1438] =	vst v0  }
0x177: {  	[tilespmem:$0x1428] =	vst v0  }
0x178: {  	[tilespmem:$0x1418] =	vst v0  }
0x179: {  	[tilespmem:$0x1408] =	vst v0  }
0x17a: {  	[tilespmem:$0x13F8] =	vst v0  }
0x17b: {  	[tilespmem:$0x13E8] =	vst v0  }
0x17c: {  	[tilespmem:$0x13D8] =	vst v0  }
0x17d: {  	[tilespmem:$0x13C8] =	vst v0  }
0x17e: {  	[tilespmem:$0x13B8] =	vst v0  }
0x17f: {  	[tilespmem:$0x13A8] =	vst v0  }
0x180: {  	[tilespmem:$0x1398] =	vst v0  }
0x181: {  	[tilespmem:$0x1388] =	vst v0  }
0x182: {  	[tilespmem:$0x1378] =	vst v0  }
0x183: {  	[tilespmem:$0x1368] =	vst v0  }
0x184: {  	[tilespmem:$0x1358] =	vst v0  }
0x185: {  	[tilespmem:$0x1348] =	vst v0  }
0x186: {  	[tilespmem:$0x1338] =	vst v0  }
0x187: {  	[tilespmem:$0x1328] =	vst v0  }
0x188: {  	[tilespmem:$0x1318] =	vst v0  }
0x189: {  	[tilespmem:$0x1308] =	vst v0  }
0x18a: {  	[tilespmem:$0x12F8] =	vst v0  }
0x18b: {  	[tilespmem:$0x12E8] =	vst v0  }
0x18c: {  	[tilespmem:$0x12D8] =	vst v0  }
0x18d: {  	[tilespmem:$0x12C8] =	vst v0  }
0x18e: {  	[tilespmem:$0x12B8] =	vst v0  }
0x18f: {  	[tilespmem:$0x12A8] =	vst v0  }
0x190: {  	[tilespmem:$0x1298] =	vst v0  }
0x191: {  	[tilespmem:$0x1288] =	vst v0  }
0x192: {  	[tilespmem:$0x1278] =	vst v0  }
0x193: {  	[tilespmem:$0x1268] =	vst v0  }
0x194: {  	[tilespmem:$0x1258] =	vst v0  }
0x195: {  	[tilespmem:$0x1248] =	vst v0  }
0x196: {  	[tilespmem:$0x1238] =	vst v0  }
0x197: {  	[tilespmem:$0x1228] =	vst v0  }
0x198: {  	[tilespmem:$0x1218] =	vst v0  }
0x199: {  	[tilespmem:$0x1208] =	vst v0  }
0x19a: {  	[tilespmem:$0x11F8] =	vst v0  }
0x19b: {  	[tilespmem:$0x11E8] =	vst v0  }
0x19c: {  	[tilespmem:$0x11D8] =	vst v0  }
0x19d: {  	[tilespmem:$0x11C8] =	vst v0  }
0x19e: {  	[tilespmem:$0x11B8] =	vst v0  }
0x19f: {  	[tilespmem:$0x11A8] =	vst v0  }
0x1a0: {  	[tilespmem:$0x1198] =	vst v0  }
0x1a1: {  	[tilespmem:$0x1188] =	vst v0  }
0x1a2: {  	[tilespmem:$0x1178] =	vst v0  }
0x1a3: {  	[tilespmem:$0x1168] =	vst v0  }
0x1a4: {  	[tilespmem:$0x1158] =	vst v0  }
0x1a5: {  	[tilespmem:$0x1148] =	vst v0  }
0x1a6: {  	[tilespmem:$0x1138] =	vst v0  }
0x1a7: {  	s4 =	stileid.u32;
	[tilespmem:$0x1128] =	vst v0  }
0x1a8: {  	s0 =	smul.u32 $0xB, s4;
	[tilespmem:$0x1118] =	vst v0  }
0x1a9: {  	s2 =	smin.u32 s4, $0xA;
	[tilespmem:$0x1108] =	vst v0  }
0x1aa: {  	[tilespmem:$0x10F8] =	vst v0;
	s0 =	sadd.s32 s2, s0  }
0x1ab: {  	p0 =	slt.u32 s4, $0xA;
	[tilespmem:$0x10C8] =	vst v0;
	s2 =	simm.s32 $0x1440;
	s6 =	smul.u32 $0x1B0, s0  }
0x1ac: {  	s2 =	simm.s32 @!p0 $0x1290;
	[tilespmem:$0x10D8] =	vst v0  }
0x1ad: {  	[tilespmem:$0x10B8] =	vst v0;
	s0 =	sadd.s32 s2, s6  }
0x1ae: {  	s5 =	simm.s32 $0x2;
	[tilespmem:$0x1038] =	vst v0;
	s7 =	smin.u32 s0, $0x13880  }
0x1af: {  	s8 =	simm.s32 $0x9;
	s10 =	simm.s32 $0xA;
	[tilespmem:$0x10A8] =	vst v0;
	s0 =	ssub.s32 s7, s6  }
0x1b0: {  	s30 =	simm.s32 $0xB;
	s16 =	simm.s32 $0x0;
	[tilespmem:$0x1098] =	vst v0;
	p0 =	sgt.s32 s0, $0x0  }
0x1b1: {  	p4 =	por $0x0, $0x0;
	s17 =	simm.s32 $0xC;
	[tilespmem:$0x1088] =	vst v0;
	s0 =	simm.s32 @!p0 $0x0  }
0x1b2: {  	s21 =	simm.s32 $0x0;
	s18 =	simm.s32 $0x0;
	[tilespmem:$0x1078] =	vst v0;
	s28 =	smulhi.u32 $0x4BDA12F7, s0  }
0x1b3: {  	s20 =	simm.s32 $0x0;
	s3 =	sand.u32 $0x1, s3;
	s31 =	sshll.u32 s4, $0x5;
	[tilespmem:$0x1048] =	vst v0  }
0x1b4: {  	s2 =	sshrl.u32 s28, $0x7;
	[tilespmem:$0x1018] =	vst v0;
	[dreg:$0x6] =	wrdreg s3;
	s3 =	smul.u32 $0x2710, s3  }
0x1b5: {  	[tilespmem:$0x1008] =	vst v0;
	[sflag:s5] =	ssyncpa.u1 $0x0;
	v0 =	vimm.s32 $0xFFFFFFFF;
	[dreg:$0x5] =	wrdreg s31;
	s29 =	smul.u32 $0x1B0, s2  }
.Ltmp0:
0x1b6: {  	[tilespmem:$0x3648] =	vst v0;
	[sflag:s8] =	ssyncpa.u1 $0x0;
	s3 =	sadd.s32 s3, s11;
	(pc) =	sbr.rel .LBB2_1-.Ltmp0, $4  }
0x1b7: {  	[sflag:s10] =	ssyncpa.u1 $0x0;
	s11 =	sadd.s32 $0x58200, s11;
	p0 =	sne.s32 s0, s29  }
0x1b8: {  	[sflag:s30] =	ssyncpa.u1 $0x0;
	s14 =	sadd.s32 $0x2CE200, s3;
	s12 =	simm.s32 @!p0 $0x0  }
0x1b9: {  	s15 =	sadd.s32 $0x2C9200, s3;
	s19 =	smov.u32 s6;
	s12 =	sadd.s32 s12, s2  }
0x1ba: {  	v0 =	vlaneseq.u32;
	[dreg:$0x7] =	wrdreg s6;
	p0 =	por $0x1, $0x1;
	s4 =	sadd.s32 $0x1, s12  }
.LBB2_18:
0x1bb: {  	s0 =	simm.s32 $0x2  }
0x1bc: {  	_ =	swait.ge [sflag:s0], $0x0  }
0x1bd: {  	[sflag:s0] =	ssyncset.done $0x0;
	s0 =	simm.s32 $0x0  }
.LBB2_19:
0x1be: {  	_ =	swait.ge [sflag:s17], s0  }
0x1bf: {  	s31 =	ssub.s32 $0x0, s0;
	v1 =	vmov s23;
	vm0 =	veq.s32 v0, $0x0;
	[sflag:s17] =	ssyncset.done $0x0  }
0x1c0: {  	vm15 =	veq.s32 v0, $0x2;
	v1 =	vsel vm0, s28, v1;
	[sflag:s17] =	ssyncadd.s32 s31  }
0x1c1: {  	v1 =	vsel vm15, s21, v1;
	[sflag:s17] =	ssyncpa.u1 $0x1  }
0x1c2: {  	[tilespmem:$0x3648] =	vst v1  }
.LBB2_20:
0x1c3: {  	s0 =	sadd.s32 $0x1B0, s19  }
0x1c4: {  	s2 =	smov.u32 s6;
	p1 =	slt.s32 s0, s7  }
0x1c5: {  	s2 =	smov.u32 @p1 s0;
	p1 =	sne.s32 s20, s4  }
.Ltmp1:
0x1c6: {  	_ = 	snop;
	(pc) =	sbr.rel @!p1 .LBB2_21-.Ltmp1, $4  }
0x1c7: {  	_ = 	snop  }
0x1c8: {  	s21 =	smov.u32 s18  }
0x1c9: {  	s31 =	sadd.s32 $0x1, s20;
	s18 =	smov.u32 s19;
	p0 =	por !p0, !p0  }
0x1ca: {  	p4 =	por !p4, !p4;
	s20 =	smov.u32 s31;
	s19 =	smov.u32 s2  }
.LBB2_1:
0x1cb: {  	p2 =	sge.u32 s20, s12  }
0x1cc: {  	s0 =	smulhi.u32 @!p2 $0xAAAAAAAB, s20  }
0x1cd: {  	s2 =	smov.u32 s19;
	p3 =	sgt.s32 @!p2 s19, $0x136D0  }
0x1ce: {  	s3 =	sshra.s32 @!p2 s19, $0x1F;
	p3 =	por !p3, p2;
	s0 =	sshrl.u32 @!p2 s0, $0x1  }
0x1cf: {  	s3 =	sand.u32 @!p2 s3, s19;
	s2 =	simm.s32 @p3 $0x136D0;
	s0 =	smul.u32 @!p2 $0x3, s0  }
0x1d0: {  	s2 =	ssub.s32 @!p2 s2, s3  }
0x1d1: {  	s23 =	sadd.s32 $0xFFFFFFFF, s20;
	s2 =	sadd.s32 @!p2 $0xFFFEC930, s2;
	s0 =	ssub.s32 @!p2 s20, s0  }
0x1d2: {  	s3 =	sshll.u32 @!p2 s2, $0x2;
	p3 =	sgt.s32 @!p2 s2, $0x1AF;
	s0 =	smul.u32 @!p2 $0x6C0, s0  }
0x1d3: {  	s5 =	sand.u32 @!p2 $0x7, s19;
	s2 =	ssub.s32 @!p2 $0x6C0, s3;
	p3 =	por !p3, p2  }
0x1d4: {  	s3 =	sshrl.u32 @!p2 s19, $0x3;
	s2 =	sshrl.u32 @!p2 s2, $0x2;
	s0 =	sshrl.u32 @!p2 s0, $0x2  }
0x1d5: {  	s3 =	sadd.s32 @!p2 s3, s14;
	s2 =	simm.s32 @!p3 $0x0;
	s0 =	sadd.s32 @!p2 $0x3888, s0  }
0x1d6: {  	[tilespmem:s0], [sflag:$0xA] =	stream.linear.gather @!p2 [hbm4b:s3+s5], s2, $0x38;
	[tilespmem:$0x1F0F8] =	vst v63  }
0x1d7: {  	p2 =	sge.u32 s23, s12  }
0x1d8: {  	p3 =	sgt.s32 @!p2 s18, $0x136D0  }
0x1d9: {  	s0 =	smov.u32 s18;
	s2 =	sshra.s32 @!p2 s18, $0x1F;
	p3 =	por !p3, p2  }
0x1da: {  	s2 =	sand.u32 @!p2 s2, s18;
	s0 =	simm.s32 @p3 $0x136D0  }
0x1db: {  	s0 =	ssub.s32 @!p2 s0, s2  }
0x1dc: {  	s0 =	sadd.s32 @!p2 $0xFFFEC930, s0  }
0x1dd: {  	s2 =	sshll.u32 @!p2 s0, $0x2  }
0x1de: {  	p3 =	sgt.s32 @!p2 s0, $0x1AF;
	s0 =	ssub.s32 @!p2 $0x6C0, s2  }
0x1df: {  	s22 =	ssub.s32 @!p2 $0x13880, s18;
	p3 =	por !p3, p2;
	s0 =	sshrl.u32 @!p2 s0, $0x2  }
0x1e0: {  	s2 =	sand.u32 @!p2 $0x1, s23;
	s0 =	simm.s32 @!p3 $0x0;
	p3 =	slt.s32 @!p2 s22, $0x1  }
0x1e1: {  	s3 =	simm.s32 @!p2 $0xA;
	s2 =	smul.u32 @!p2 $0x6C0, s2;
	p3 =	por p2, p3  }
.Ltmp2:
0x1e2: {  	_ =	swait.ge @!p2 [sflag:s3], s0;
	(pc) =	sbr.rel @p3 .LBB2_7-.Ltmp2, $4  }
0x1e3: {  	s5 =	ssub.s32 @!p2 $0x0, s0;
	[sflag:s3] =	ssyncset.done @!p2 $0x0  }
0x1e4: {  	s2 =	sshrl.u32 @!p2 s2, $0x2;
	[sflag:s3] =	ssyncadd.s32 @!p2 s5;
	s3 =	sshrl.u32 @!p2 s18, $0x3  }
0x1e5: {  	s2 =	sadd.s32 @!p2 $0x3D98, s2;
	s5 =	sand.u32 @!p2 $0x7, s18;
	s3 =	sadd.s32 @!p2 s3, s15  }
0x1e6: {  	[tilespmem:s2], [sflag:$0xB] =	stream.linear.gather @!p2 [hbm4b:s3+s5], s0, $0x38;
	[tilespmem:$0x1F0F8] =	vst v63  }
0x1e7: {  	s0 =	smulhi.u32 $0xAAAAAAAB, s23;
	_ =	sdelay $0x1  }
0x1e8: {  	s0 =	sshrl.u32 s0, $0x1  }
0x1e9: {  	s0 =	smul.u32 $0x3, s0;
	_ =	sdelay $0x1  }
0x1ea: {  	s0 =	ssub.s32 s23, s0  }
0x1eb: {  	s2 =	simm.s32 $0x1;
	s0 =	smul.u32 $0x6C0, s0  }
.Ltmp3:
0x1ec: {  	s2 =	simm.s32 @!p0 $0x0;
	(pc) =	sbr.rel .LBB2_4-.Ltmp3, $4  }
0x1ed: {  	s2 =	smul.u32 $0x36000, s2  }
0x1ee: {  	p3 =	slt.s32 @!p2 s22, $0x1B0;
	s0 =	sshrl.u32 s0, $0x2  }
0x1ef: {  	p2 =	por !p3, p2;
	s2 =	sshrl.u32 s2, $0x2;
	s0 =	sadd.s32 $0x3888, s0  }
0x1f0: {  	s24 =	simm.s32 $0x0;
	s22 =	simm.s32 @p2 $0x1B0;
	s23 =	sadd.s32 $0x40F8, s2;
	v1 =	vmov s0  }
.LBB2_3:
0x1f1: {  	p2 =	sge.s32 s24, s22  }
.Ltmp4:
0x1f2: {  	_ = 	snop;
	(pc) =	sbr.rel @p2 .LBB2_7-.Ltmp4, $2  }
0x1f3: {  	_ =	sdelay $0x2  }
0x1f4: {  	s23 =	sadd.s32 $0x800, s23  }
.LBB2_4:
0x1f5: {  	p2 =	sle.s32 s22, s24  }
.Ltmp5:
0x1f6: {  	_ = 	snop;
	(pc) =	sbr.rel @p2 .LBB2_3-.Ltmp5, $2  }
0x1f7: {  	_ =	sdelay $0x2  }
0x1f8: {  	s0 =	smov.u32 s24;
	s24 =	sadd.s32 $0x10, s24  }
0x1f9: {  	s2 =	ssub.s32 s22, s0  }
0x1fa: {  	p2 =	slt.s32 s2, $0x10  }
0x1fb: {  	s2 =	simm.s32 @!p2 $0x10  }
0x1fc: {  	v2 =	vmov s2  }
0x1fd: {  	vm0 =	vgt.s32 v2, v0;
	_ =	sdelay $0x5  }
0x1fe: {  	v2 =	vld.idx.msk [tilespmem:v1+s0+$0x0 ss:$0x1], vm0;
	_ =	sdelay $0x2  }
0x1ff: {  	p2 =	slt.s32 s24, s22;
	s2 =	smov.u32 s22  }
0x200: {  	s3 =	smov.u32 s23;
	s25 =	simm.s32 $0x0;
	s2 =	smov.u32 @p2 s24  }
.LBB2_6:
0x201: {  	(v2sf) =	vpush v2, s25;
	_ =	sdelay $0xc  }
0x202: {  	s25 =	sadd.s32 $0x1, s25  }
0x203: {  	s31 =	sadd.s32 s25, s0  }
0x204: {  	p2 =	slt.s32 s31, s2;
	s5 =	spop (v2sf)  }
.Ltmp6:
0x205: {  	s5 =	sshll.u32 s5, $0x4;
	(pc) =	sbr.rel @p2 .LBB2_6-.Ltmp6, $4  }
0x206: {  	s5 =	sand.u32 $0x1FFFFFF0, s5  }
0x207: {  	s5 =	sadd.s32 s11, s5  }
0x208: {  	[tilespmem:s3], [sflag:$0x9] =	stream.linear.gather [hbm4b:s5+s16], $0x8, $0x38;
	[tilespmem:$0x1F0F8] =	vst v63  }
0x209: {  	s3 =	sadd.s32 $0x80, s3  }
.Ltmp7:
0x20a: {  	_ = 	snop;
	(pc) =	sbr.rel .LBB2_3-.Ltmp7, $1  }
0x20b: {  	_ =	sdelay $0x3  }
.LBB2_7:
0x20c: {  	p2 =	slt.u32 s20, $0x2  }
.Ltmp8:
0x20d: {  	_ = 	snop;
	(pc) =	sbr.rel @p2 .LBB2_20-.Ltmp8, $1  }
0x20e: {  	_ =	sdelay $0x3  }
0x20f: {  	p2 =	sgt.s32 s21, $0x136D0  }
0x210: {  	s0 =	smov.u32 s21;
	s2 =	sshra.s32 s21, $0x1F;
	s3 =	ssub.s32 $0x13880, s21  }
0x211: {  	s0 =	simm.s32 @!p2 $0x136D0;
	s2 =	sand.u32 s2, s21;
	p2 =	slt.s32 s3, $0x1B0  }
0x212: {  	s0 =	ssub.s32 s0, s2;
	s3 =	simm.s32 @!p2 $0x1B0  }
0x213: {  	s0 =	sadd.s32 $0xFFFEC930, s0;
	s24 =	sshll.u32 s3, $0x3  }
0x214: {  	s28 =	simm.s32 $0x9;
	s25 =	sshll.u32 s0, $0x2;
	s2 =	sand.u32 $0x3FFFFFF8, s24  }
0x215: {  	p2 =	sgt.s32 s0, $0x1AF;
	s26 =	ssub.s32 $0x6C0, s25;
	_ =	swait.ge [sflag:s28], s2  }
0x216: {  	s2 =	ssub.s32 $0x0, s2;
	[sflag:s28] =	ssyncset.done $0x0;
	s0 =	sshrl.u32 s26, $0x2  }
0x217: {  	s30 =	simm.s32 $0xB;
	[sflag:s28] =	ssyncadd.s32 s2;
	s0 =	simm.s32 @p2 $0x0  }
0x218: {  	_ =	swait.ge [sflag:s30], s0  }
0x219: {  	s0 =	ssub.s32 $0x0, s0;
	[sflag:s30] =	ssyncset.done $0x0  }
0x21a: {  	[sflag:s30] =	ssyncadd.s32 s0  }
0x21b: {  	v1 =	vld [tilespmem:$0x3648];
	_ =	sdelay $0x4  }
0x21c: {  	(v2sf) =	vpush v1, $0x0  }
0x21d: {  	(v2sf) =	vpush v1, $0x1  }
0x21e: {  	(v2sf) =	vpush v1, $0x2;
	_ =	sdelay $0x3  }
0x21f: {  	s0 =	sadd.s32 $0x1B0, s21  }
0x220: {  	s2 =	ssub.s32 $0x27100, s21;
	p2 =	slt.s32 s7, s0  }
0x221: {  	s0 =	smov.u32 @p2 s7;
	p2 =	sgt.s32 s2, $0x0  }
0x222: {  	s25 =	ssub.s32 s0, s21;
	s2 =	simm.s32 @!p2 $0x0  }
0x223: {  	p2 =	slt.s32 s2, s25  }
0x224: {  	s25 =	smov.u32 @p2 s2  }
0x225: {  	s24 =	simm.s32 $0x1;
	p2 =	slt.s32 s25, $0x1  }
.Ltmp9:
0x226: {  	s24 =	simm.s32 @!p4 $0x0;
	(pc) =	sbr.rel @p2 .LBB2_12-.Ltmp9, $4  }
0x227: {  	s31 =	smul.u32 $0x6C0, s24  }
0x228: {  	s26 =	spop (v2sf)  }
0x229: {  	s0 =	sshrl.u32 s31, $0x2;
	s29 =	spop (v2sf)  }
0x22a: {  	s22 =	sadd.s32 $0x3D98, s0;
	s21 =	spop (v2sf)  }
0x22b: {  	s0 =	smin.u32 s25, $0x10  }
0x22c: {  	v1 =	vmov s0  }
0x22d: {  	p3 =	sgt.s32 s25, $0x10;
	vm1 =	vgt.u32 v1, v0  }
.Ltmp10:
0x22e: {  	_ = 	snop;
	(pc) =	sbr.rel @!p3 .LBB2_11-.Ltmp10, $2  }
0x22f: {  	_ =	sdelay $0x2  }
0x230: {  	s23 =	simm.s32 $0x10;
	s28 =	sadd.s32 $0xFFFFFFF0, s25;
	s0 =	smov.u32 s22;
	vm0 =	vmmov vm1  }
.LBB2_10:
0x231: {  	s2 =	smin.u32 s28, $0x10;
	s23 =	sadd.s32 $0x10, s23;
	v1 =	vld.msk [tilespmem:s0+$0x0 ss:$0x1], vm1  }
0x232: {  	v2 =	vmov s2;
	p3 =	slt.s32 s23, s25  }
0x233: {  	vm1 =	vgt.u32 v2, v0  }
.Ltmp11:
0x234: {  	(pc) =	sbr.rel @p3 .LBB2_10-.Ltmp11, $3  }
0x235: {  	_ =	sdelay $0x1  }
0x236: {  	v1 =	vshll.u32 v1, $0x4  }
0x237: {  	s28 =	sadd.s32 $0xFFFFFFF0, s28;
	[tilespmem:s0+$0x0] =	vst.msk vm0, v1;
	s0 =	sadd.s32 $0x10, s0;
	vm0 =	vmmov vm1  }
.LBB2_11:
0x238: {  	_ =	sdelay $0x4  }
0x239: {  	v1 =	vld.msk [tilespmem:s0+$0x0 ss:$0x1], vm1;
	_ =	sdelay $0x4  }
0x23a: {  	v1 =	vshll.u32 v1, $0x4  }
0x23b: {  	[tilespmem:s0+$0x0] =	vst.msk vm0, v1  }
.LBB2_12:
0x23c: {  	s0 =	sand.u32 $0x1, s20  }
0x23d: {  	s0 =	smul.u32 $0x1B0, s0  }
0x23e: {  	p3 =	sne.s32 s29, $0xFFFFFFFF  }
0x23f: {  	v1 =	vld.msk @!p3 [tilespmem:s0+$0x3D98], $0x1;
	_ =	sdelay $0x4  }
0x240: {  	(v2sf) =	vpush @!p3 v1, $0x0;
	_ =	sdelay $0xc  }
.Ltmp12:
0x241: {  	_ = 	snop;
	(pc) =	sbr.rel @p2 .LBB2_18-.Ltmp12, $4  }
0x242: {  	_ = 	snop  }
0x243: {  	s28 =	spop @!p3 (v2sf)  }
0x244: {  	s21 =	simm.s32 @!p3 $0x0;
	s23 =	smov.u32 s28  }
0x245: {  	[sflag:s17] =	ssyncpa.u1 $0x0;
	s28 =	smov.u32 @p3 s26;
	s23 =	smov.u32 @p3 s29  }
0x246: {  	v1 =	vld.msk [tilespmem:s22+$0x0], $0x1;
	_ =	sdelay $0x4  }
0x247: {  	(v2sf) =	vpush v1, $0x0;
	_ =	sdelay $0xe  }
0x248: {  	s0 =	simm.s32 @!p4 $0x0;
	s26 =	smul.u32 $0x36000, s24;
	s31 =	spop (v2sf)  }
0x249: {  	s29 =	ssub.s32 $0x0, s25;
	s0 =	simm.s32 @p4 $0x1;
	p2 =	seq.s32 s28, s31  }
0x24a: {  	s2 =	smov.u32 s28;
	[smem:$0x7FD] =	sst s0;
	p3 =	sgt.s32 @!p2 s28, $0x0  }
0x24b: {  	s0 =	sshrl.u32 s26, $0x2;
	s26 =	sadd.s32 $0x1, s29;
	p3 =	por !p3, p2  }
0x24c: {  	s2 =	simm.s32 @p3 $0x0;
	p3 =	seq.s32 s26, $0x0  }
.Ltmp13:
0x24d: {  	_ = 	snop;
	(pc) =	sbr.rel @p3 .LBB2_15-.Ltmp13, $4  }
0x24e: {  	s6 =	smov.u32 s4;
	s25 =	simm.s32 $0x0  }
0x24f: {  	s24 =	sadd.s32 $0x40F8, s0;
	s0 =	simm.s32 @!p2 $0x1;
	s3 =	smin.u32 @!p2 s2, $0x270FF  }
0x250: {  	s30 =	sadd.s32 $0x1, s22;
	s0 =	smov.u32 @p2 s25;
	s5 =	sand.u32 @!p2 $0x3FFF8, s3  }
0x251: {  	s2 =	simm.s32 @!p2 $0x1B38;
	s3 =	sand.u32 @!p2 $0x7, s3;
	s5 =	sadd.s32 @!p2 s1, s5  }
.LBB2_14:
0x252: {  	s4 =	smov.u32 s0  }
0x253: {  	[tilespmem:s2], [sflag:$0x2] =	stream.linear.gather @!p2 [hbm4b:s5+s3], $0x8, $0x38;
	[tilespmem:$0x1F0F8] =	vst v63  }
0x254: {  	s26 =	sadd.s32 $0x1, s26;
	s3 =	smov.u32 s31;
	v1 =	vld.msk [tilespmem:s30+$0x0], $0x1  }
0x255: {  	p3 =	seq.s32 s26, $0x0;
	_ =	sdelay $0x3  }
0x256: {  	(v2sf) =	vpush v1, $0x0;
	_ =	sdelay $0xe  }
0x257: {  	s31 =	spop (v2sf)  }
0x258: {  	p2 =	seq.s32 s3, s31  }
0x259: {  	p4 =	sgt.s32 @!p2 s3, $0x0;
	s2 =	sshll.u32 @!p2 s0, $0x6;
	s0 =	sadd.s32 @!p2 $0x1, s0  }
.Ltmp14:
0x25a: {  	p4 =	por !p4, p2;
	s2 =	sshra.s32 @!p2 s2, $0x2;
	(pc) =	sbr.rel @!p3 .LBB2_14-.Ltmp14, $4  }
0x25b: {  	s0 =	smov.u32 @p2 s4;
	s3 =	simm.s32 @p4 $0x0;
	s2 =	sadd.s32 @!p2 $0x1B38, s2  }
0x25c: {  	s3 =	smin.u32 @!p2 s3, $0x270FF  }
0x25d: {  	s4 =	sand.u32 @!p2 $0x3FFF8, s3;
	s3 =	sand.u32 @!p2 $0x7, s3  }
0x25e: {  	s30 =	sadd.s32 $0x1, s30;
	s5 =	sadd.s32 @!p2 s1, s4  }
.LBB2_15:
0x25f: {  	[tilespmem:s2], [sflag:$0x2] =	stream.linear.gather @!p2 [hbm4b:s5+s3], $0x8, $0x38;
	[tilespmem:$0x1F0F8] =	vst v63  }
0x260: {  	s0 =	sshll.u32 s0, $0x3  }
0x261: {  	s31 =	simm.s32 $0x2;
	s0 =	sand.u32 $0x3FFFFFF8, s0  }
0x262: {  	_ =	swait.ge [sflag:s31], s0  }
0x263: {  	s0 =	ssub.s32 $0x0, s0;
	[sflag:s31] =	ssyncset.done $0x0  }
0x264: {  	[sflag:s31] =	ssyncadd.s32 s0  }
0x265: {  	v1 =	vld.msk [tilespmem:s22+$0x0], $0x1;
	_ =	sdelay $0x4  }
0x266: {  	(v2sf) =	vpush v1, $0x0;
	_ =	sdelay $0xe  }
0x267: {  	s26 =	spop (v2sf)  }
0x268: {  	p2 =	sne.s32 s28, s26  }
0x269: {  	p4 =	sne.s32 @p2 s28, s23  }
0x26a: {  	p3 =	por !p4, !p2  }
0x26b: {  	s0 =	simm.s32 @!p3 $0x0  }
0x26c: {  	v1 =	vld.msk @!p3 [tilespmem:s0+$0x1B38], $0xff  }
0x26d: {  	p5 =	sgt.u32 @!p3 s28, $0x270FF  }
0x26e: {  	s2 =	sshll.u32 @!p3 s21, $0x6;
	p6 =	por @p2 p5, !p4  }
0x26f: {  	s2 =	sshra.s32 @!p3 s2, $0x2;
	p1 =	por p6, !p2;
	p6 =	por p4, !p2  }
0x270: {  	s3 =	sadd.s32 @!p3 $0x28, s2;
	s4 =	sand.u32 @!p1 $0x3FFF8, s28;
	s5 =	sshll.u32 @!p6 s21, $0x6  }
0x271: {  	s28 =	sand.u32 @!p1 $0x7, s28;
	[tilespmem:s2+$0x28] =	vst.add.f32.msk @!p3 $0xff, v1;
	s2 =	sadd.s32 @!p1 s1, s4;
	s4 =	sshra.s32 @!p6 s5, $0x2  }
0x272: {  	[hbm4b:s2+s28] =	stream.linear.scatter @!p1 [tilespmem:s3], [sflag:$0xC], $0x8, $0x38;
	[tilespmem:$0x1F0F8] =	vst v63  }
0x273: {  	s0 =	rddreg [dreg:$0x5];
	s2 =	sadd.s32 @!p6 $0x28, s4;
	s3 =	simm.s32 @!p6 $0x1  }
0x274: {  	[spmem:s0] =	stream.linear.scatter @!p6 [tilespmem:s2], [sflag:$0x1], $0x8, $0x38;
	[tilespmem:$0x1F0F8] =	vst v63  }
0x275: {  	s0 =	sadd.s32 @p2 $0x1, s21;
	_ =	swait.ge @!p6 [sflag:s3], $0x8  }
0x276: {  	s2 =	sshrl.u32 @p2 s0, $0x4;
	[sflag:s3] =	ssyncset.done @!p6 $0x0  }
0x277: {  	s2 =	smulhi.u32 @p2 $0x97B425F, s2;
	[sflag:s3] =	ssyncadd.s32 @!p6 $0xFFFFFFF8  }
0x278: {  	s28 =	sadd.s32 $0x1, s29;
	v1 =	vld.msk @p2 [tilespmem:s24+$0x0], $0xff  }
0x279: {  	p1 =	por @p2 !p5, !p4;
	p4 =	seq.s32 s28, $0x0;
	s2 =	smul.u32 @p2 $0x1B0, s2  }
.Ltmp15:
0x27a: {  	p1 =	por !p1, !p2;
	s3 =	simm.s32 @!p3 $0x0;
	(pc) =	sbr.rel @p4 .LBB2_17-.Ltmp15, $4  }
0x27b: {  	s4 =	sshll.u32 @!p2 s21, $0x6;
	s3 =	simm.s32 @!p1 $0x20;
	s0 =	ssub.s32 @p2 s0, s2  }
0x27c: {  	s29 =	simm.s32 $0x0;
	s3 =	sadd.s32 @!p3 $0x0, s3;
	s5 =	sshll.u32 @p2 s0, $0x4  }
0x27d: {  	s30 =	sshra.s32 @!p2 s4, $0x2;
	s2 =	simm.s32 @p2 $0x1;
	s3 =	smov.u32 @p3 s25;
	[tilespmem:s5+$0x28] =	vst.msk @p2 $0xff, v1  }
0x27e: {  	s21 =	smov.u32 @p2 s0;
	s29 =	smov.u32 @p2 s3;
	s25 =	smov.u32 @p2 s2;
	v1 =	vld.msk @!p2 [tilespmem:s24+$0x0], $0xff  }
.LBB2_16:
0x27f: {  	_ =	sdelay $0x3  }
0x280: {  	s22 =	sadd.s32 $0x1, s22;
	[tilespmem:s30+$0x28] =	vst.add.f32.msk @!p2 $0xff, v1  }
0x281: {  	v1 =	vld.msk [tilespmem:s22+$0x0], $0x1;
	_ =	sdelay $0x4  }
0x282: {  	(v2sf) =	vpush v1, $0x0;
	_ =	sdelay $0xe  }
0x283: {  	s0 =	smov.u32 s26;
	s26 =	spop (v2sf)  }
0x284: {  	p2 =	sne.s32 s0, s26  }
0x285: {  	p5 =	sne.s32 @p2 s0, s23  }
0x286: {  	s4 =	sshll.u32 @!p2 s21, $0x6;
	p4 =	por !p5, !p2  }
0x287: {  	s30 =	sshra.s32 @!p2 s4, $0x2;
	s4 =	sshll.u32 @!p4 s25, $0x6  }
0x288: {  	s4 =	sshra.s32 @!p4 s4, $0x2  }
0x289: {  	p1 =	sgt.u32 @!p4 s0, $0x270FF;
	v1 =	vld.msk @!p4 [tilespmem:s4+$0x1B38], $0xff  }
0x28a: {  	s31 =	sshll.u32 @!p4 s21, $0x6;
	p6 =	por @p2 p1, !p5;
	p1 =	por @p2 !p1, !p5  }
0x28b: {  	s8 =	simm.s32 @!p4 $0x0;
	s31 =	sshra.s32 @!p4 s31, $0x2;
	p1 =	por !p1, !p2  }
0x28c: {  	p5 =	por p5, !p2;
	s8 =	simm.s32 @!p1 $0x20;
	p1 =	por p6, !p2  }
0x28d: {  	s4 =	sadd.s32 @!p4 $0x28, s31;
	s13 =	sshll.u32 @!p5 s21, $0x6;
	s10 =	sand.u32 @!p1 $0x3FFF8, s0  }
0x28e: {  	s13 =	sshra.s32 @!p5 s13, $0x2;
	s0 =	sand.u32 @!p1 $0x7, s0;
	s10 =	sadd.s32 @!p1 s1, s10;
	[tilespmem:s31+$0x28] =	vst.add.f32.msk @!p4 $0xff, v1  }
0x28f: {  	[hbm4b:s10+s0] =	stream.linear.scatter @!p1 [tilespmem:s4], [sflag:$0xC], $0x8, $0x38;
	[tilespmem:$0x1F0F8] =	vst v63  }
0x290: {  	s2 =	rddreg [dreg:$0x5];
	s0 =	sadd.s32 @!p5 $0x28, s13;
	s4 =	simm.s32 @!p5 $0x1  }
0x291: {  	[spmem:s2] =	stream.linear.scatter @!p5 [tilespmem:s0], [sflag:$0x1], $0x8, $0x38;
	[tilespmem:$0x1F0F8] =	vst v63  }
0x292: {  	s3 =	sadd.s32 @p2 $0x1, s21;
	_ =	swait.ge @!p5 [sflag:s4], $0x8  }
0x293: {  	s5 =	sshrl.u32 @p2 s3, $0x4;
	[sflag:s4] =	ssyncset.done @!p5 $0x0  }
0x294: {  	s24 =	sadd.s32 $0x80, s24;
	s5 =	smulhi.u32 @p2 $0x97B425F, s5;
	[sflag:s4] =	ssyncadd.s32 @!p5 $0xFFFFFFF8  }
0x295: {  	s28 =	sadd.s32 $0x1, s28;
	v1 =	vld.msk @p2 [tilespmem:s24+$0x0], $0xff  }
0x296: {  	p3 =	seq.s32 s28, $0x0;
	s5 =	smul.u32 @p2 $0x1B0, s5  }
.Ltmp16:
0x297: {  	_ = 	snop;
	(pc) =	sbr.rel @!p3 .LBB2_16-.Ltmp16, $4  }
0x298: {  	s3 =	ssub.s32 @p2 s3, s5  }
0x299: {  	s8 =	sadd.s32 @!p4 s8, s29;
	s5 =	sshll.u32 @p2 s3, $0x4  }
0x29a: {  	s9 =	sadd.s32 @p2 $0x1, s25;
	s8 =	smov.u32 @p4 s29;
	[tilespmem:s5+$0x28] =	vst.msk @p2 $0xff, v1  }
0x29b: {  	s25 =	smov.u32 @p2 s9;
	s21 =	smov.u32 @p2 s3;
	s29 =	smov.u32 @p2 s8;
	v1 =	vld.msk @!p2 [tilespmem:s24+$0x0], $0xff  }
.LBB2_17:
.Ltmp17:
0x29c: {  	_ = 	snop;
	(pc) =	sbr.rel .LBB2_19-.Ltmp17, $3  }
0x29d: {  	s2 =	sld [smem:$0x7FD];
	_ =	sdelay $0x1  }
0x29e: {  	s0 =	sshrl.u32 s29, $0x2;
	s28 =	smov.u32 s26  }
0x29f: {  	s4 =	smov.u32 s6;
	s6 =	rddreg [dreg:$0x7];
	p4 =	seq.s32 s2, $0x1;
	[tilespmem:s30+$0x28] =	vst.add.f32.msk @!p2 $0xff, v1  }
.LBB2_21:
0x2a0: {  	_ =	sfence.sel $0x180000  }
0x2a1: {  	s0 =	simm.s32 $0x9;
	[bflag:$0x0] =	sbarrier.arrive $0xFFFF  }
0x2a2: {  	s24 =	simm.s32 $0xA;
	[sflag:s0] =	ssyncpa.u1 $0x1  }
0x2a3: {  	s25 =	simm.s32 $0xB;
	[sflag:s24] =	ssyncpa.u1 $0x1  }
0x2a4: {  	s26 =	simm.s32 $0x2;
	[sflag:s25] =	ssyncpa.u1 $0x1  }
0x2a5: {  	[sflag:s26] =	ssyncpa.u1 $0x1  }
0x2a6: {  	v0 =	vld [tilespmem:$0x3648];
	_ =	sdelay $0x4  }
0x2a7: {  	(v2sf) =	vpush v0, $0x0  }
0x2a8: {  	(v2sf) =	vpush v0, $0x1;
	_ =	sdelay $0x1  }
0x2a9: {  	(v2sf) =	vpush v0, $0x2;
	_ =	sdelay $0xb  }
0x2aa: {  	s0 =	spop (v2sf)  }
0x2ab: {  	s2 =	spop (v2sf)  }
0x2ac: {  	s3 =	smov.u32 s0;
	p0 =	sne.s32 s0, s2  }
0x2ad: {  	s4 =	spop (v2sf);
	s3 =	simm.s32 @!p0 $0xFFFFFFFF  }
0x2ae: {  	v2 =	vimm.s32 $0x1;
	v3 =	vlaneseq.u32;
	p0 =	seq.s32 s4, $0xFFFFFFFF;
	v1 =	vmov s3  }
0x2af: {  	s16 =	stileid.u32;
	v0 =	vperm.xlane v0, v2;
	p1 =	sne.s32 @!p0 s0, s2;
	v1 =	vperm.xlane v1, v3  }
0x2b0: {  	vm0 =	vcmask $0x3F04;
	s6 =	simm.s32 $0x3648;
	s0 =	simm.s32 @!p0 $0x1;
	p1 =	por !p1, p0  }
0x2b1: {  	s3 =	sshll.u32 s16, $0x1;
	s2 =	sshll.u32 @!p0 s4, $0x6;
	s0 =	simm.s32 @p1 $0x0;
	v0 =	vsel vm0, v1, v0  }
0x2b2: {  	s5 =	sor.u32 $0x200, s3;
	s2 =	sshra.s32 @!p0 s2, $0x2;
	s0 =	sor.u32 @!p0 s0, s3;
	[tilespmem:$0x3648] =	vst v0  }
0x2b3: {  	[spmem:s5] =	stream.linear.scatter [tilespmem:s6], [sflag:$0x1], $0x2, $0x38;
	[tilespmem:$0x1F0F8] =	vst v63  }
0x2b4: {  	s2 =	sadd.s32 @!p0 $0x28, s2;
	s0 =	sshll.u32 @!p0 s0, $0x4  }
0x2b5: {  	[spmem:s0] =	stream.linear.scatter @!p0 [tilespmem:s2], [sflag:$0x1], $0x10, $0x38;
	[tilespmem:$0x1F0F8] =	vst v63  }
0x2b6: {  	s0 =	simm.s32 @!p0 $0x12  }
0x2b7: {  	s28 =	simm.s32 $0x1;
	s0 =	simm.s32 @p0 $0x2  }
0x2b8: {  	_ =	swait.ge [sflag:s28], s0  }
0x2b9: {  	s0 =	ssub.s32 $0x0, s0;
	[sflag:s28] =	ssyncset.done $0x0  }
0x2ba: {  	p0 =	sne.s32 s16, $0x0;
	[sflag:s28] =	ssyncadd.s32 s0  }
.Ltmp18:
0x2bb: {  	_ =	sfence.stream.spmem;
	(pc) =	sbr.rel @p0 .LBB2_38-.Ltmp18, $4  }
0x2bc: {  	s29 =	simm.s32 $0x3;
	[bflag:$0x0] =	sbarrier.arrive $0xFFFF  }
0x2bd: {  	s30 =	simm.s32 $0x4;
	[sflag:s29] =	ssyncpa.u1 $0x1  }
0x2be: {  	s31 =	simm.s32 $0x3C;
	[sflag:s30] =	ssyncpa.u1 $0x1  }
0x2bf: {  	s17 =	rddreg [dreg:$0x6];
	[sflag:s31] =	ssyncpa.u1 $0x1  }
0x2c0: {  	_ =	sfence.stream.spmem;
	s0 =	simm.s32 $0x5  }
0x2c1: {  	s2 =	simm.s32 $0x200;
	s3 =	simm.s32 $0x3658;
	[sflag:s0] =	ssyncpa.u1 $0x0  }
0x2c2: {  	[tilespmem:s3], [sflag:$0x5] =	stream.linear.gather [spmem:s2], $0x20, $0x38;
	[tilespmem:$0x1F0F8] =	vst v63  }
0x2c3: {  	s26 =	simm.s32 $0x0;
	s28 =	simm.s32 $0x3678  }
0x2c4: {  	[tilespmem:s28], [sflag:$0x5] =	stream.linear.gather [spmem:s26], $0x200, $0x38;
	[tilespmem:$0x1F0F8] =	vst v63  }
0x2c5: {  	_ =	swait.ge [sflag:s0], $0x220  }
0x2c6: {  	[sflag:s0] =	ssyncset.done $0x0  }
0x2c7: {  	s29 =	simm.s32 $0x0;
	[sflag:s0] =	ssyncadd.s32 $0xFFFFFDE0  }
0x2c8: {  	v0 =	vld.msk [tilespmem:s29+$0x3658], $0x1;
	_ =	sdelay $0x1  }
0x2c9: {  	s30 =	simm.s32 $0x1  }
0x2ca: {  	v1 =	vld.msk [tilespmem:s30+$0x3658], $0x1;
	_ =	sdelay $0x1  }
0x2cb: {  	(v2sf) =	vpush v0, $0x0;
	_ =	sdelay $0x2  }
0x2cc: {  	(v2sf) =	vpush v1, $0x0;
	_ =	sdelay $0x2  }
0x2cd: {  	s31 =	simm.s32 $0x2  }
0x2ce: {  	v0 =	vld.msk [tilespmem:s31+$0x3658], $0x1;
	_ =	sdelay $0x2  }
0x2cf: {  	s6 =	simm.s32 $0xFFFFFFFF;
	s2 =	simm.s32 $0xFFFFFFFF;
	s0 =	simm.s32 $0xC  }
.LBB2_23:
0x2d0: {  	s3 =	smov.u32 s6;
	s4 =	smov.u32 s2  }
0x2d1: {  	s2 =	sshra.s32 s0, $0x2;
	p1 =	sne.s32 s0, $0x7C;
	s0 =	sadd.s32 $0x4, s0;
	(v2sf) =	vpush v0, $0x0  }
0x2d2: {  	v0 =	vld.msk [tilespmem:s2+$0x3658], $0x1  }
.Ltmp19:
0x2d3: {  	(pc) =	sbr.rel @p1 .LBB2_23-.Ltmp19, $4  }
0x2d4: {  	s6 =	spop (v2sf)  }
0x2d5: {  	p2 =	sne.s32 s4, $0xFFFFFFFF;
	s2 =	smov.u32 s6  }
0x2d6: {  	p3 =	seq.s32 s6, $0xFFFFFFFF;
	s2 =	smov.u32 @p2 s4  }
0x2d7: {  	s6 =	smov.u32 @p3 s3;
	s2 =	smov.u32 @p3 s4  }
0x2d8: {  	(v2sf) =	vpush v0, $0x0;
	_ =	sdelay $0x8  }
0x2d9: {  	s0 =	spop (v2sf)  }
0x2da: {  	p1 =	sne.s32 s2, $0xFFFFFFFF;
	s3 =	smov.u32 s0  }
0x2db: {  	s9 =	simm.s32 $0x6;
	p2 =	seq.s32 s0, $0xFFFFFFFF;
	s3 =	smov.u32 @p1 s2  }
0x2dc: {  	s10 =	simm.s32 $0x3638;
	s3 =	smov.u32 @p2 s2;
	s2 =	spop (v2sf)  }
0x2dd: {  	s0 =	smov.u32 @p2 s6;
	p1 =	sne.s32 s3, $0xFFFFFFFF;
	s4 =	smov.u32 s2  }
.Ltmp20:
0x2de: {  	p2 =	seq.s32 s2, $0xFFFFFFFF;
	s4 =	smov.u32 @p1 s3;
	(pc) =	sbr.rel .LBB2_25-.Ltmp20, $4  }
0x2df: {  	s11 =	simm.s32 $0x0;
	s4 =	smov.u32 @p2 s3;
	s7 =	spop (v2sf)  }
0x2e0: {  	[sflag:s9] =	ssyncpa.u1 $0x0;
	p1 =	sne.s32 s4, $0xFFFFFFFF;
	s8 =	smov.u32 s7  }
0x2e1: {  	s2 =	smov.u32 @p2 s0;
	p2 =	seq.s32 s7, $0xFFFFFFFF;
	s8 =	smov.u32 @p1 s4  }
0x2e2: {  	s6 =	simm.s32 $0x0;
	s7 =	smov.u32 @p2 s2;
	s8 =	smov.u32 @p2 s4  }
.LBB2_30:
0x2e3: {  	p1 =	sgt.u32 s12, $0x270FF  }
0x2e4: {  	p2 =	seq.s32 @!p1 s12, s8  }
0x2e5: {  	p1 =	por p1, p2  }
0x2e6: {  	p2 =	sne.s32 @!p1 s12, s7  }
0x2e7: {  	p1 =	por p1, !p2  }
0x2e8: {  	s0 =	sshll.u32 @p1 s11, $0x6  }
0x2e9: {  	s0 =	sand.u32 @!p1 $0x3FFF8, s12  }
0x2ea: {  	s2 =	sand.u32 @!p1 $0x7, s12;
	s0 =	sadd.s32 @!p1 s1, s0  }
0x2eb: {  	[tilespmem:s10], [sflag:$0x6] =	stream.linear.gather @!p1 [hbm4b:s0+s2], $0x8, $0x38;
	[tilespmem:$0x1F0F8] =	vst v63  }
0x2ec: {  	_ =	swait.ge @!p1 [sflag:s9], $0x8  }
0x2ed: {  	[sflag:s9] =	ssyncset.done @!p1 $0x0  }
0x2ee: {  	[sflag:s9] =	ssyncadd.s32 @!p1 $0xFFFFFFF8  }
0x2ef: {  	v1 =	vld @!p1 [tilespmem:$0x3638];
	_ =	sdelay $0x2  }
0x2f0: {  	s0 =	sshll.u32 @!p1 s11, $0x6  }
0x2f1: {  	s2 =	sshrl.u32 @!p1 s0, $0x2  }
0x2f2: {  	[tilespmem:s2+$0x3678] =	vst.add.f32.msk @!p1 $0xffff, v1  }
0x2f3: {  	s0 =	sshrl.u32 s0, $0x2;
	[tilespmem:s6+$0x3658] =	vst.msk $0x1, v0  }
0x2f4: {  	v0 =	vld [tilespmem:s0+$0x3678];
	_ =	sdelay $0x2  }
0x2f5: {  	s31 =	sshll.u32 s6, $0x6  }
0x2f6: {  	s0 =	sshra.s32 s31, $0x2  }
0x2f7: {  	s6 =	sadd.s32 $0x1, s6;
	[tilespmem:s0+$0x3678] =	vst v0  }
.LBB2_32:
0x2f8: {  	s11 =	sadd.s32 $0x1, s11  }
0x2f9: {  	p1 =	sne.s32 s11, $0x20  }
.Ltmp21:
0x2fa: {  	_ = 	snop;
	(pc) =	sbr.rel @!p1 .LBB2_33-.Ltmp21, $1  }
0x2fb: {  	_ =	sdelay $0x3  }
.LBB2_25:
0x2fc: {  	v0 =	vld.msk [tilespmem:s11+$0x3658], $0x1;
	_ =	sdelay $0x4  }
0x2fd: {  	(v2sf) =	vpush v0, $0x0;
	_ =	sdelay $0xe  }
0x2fe: {  	s12 =	spop (v2sf)  }
0x2ff: {  	p1 =	seq.s32 s12, $0xFFFFFFFF  }
.Ltmp22:
0x300: {  	_ = 	snop;
	(pc) =	sbr.rel @p1 .LBB2_32-.Ltmp22, $1  }
0x301: {  	_ =	sdelay $0x3  }
0x302: {  	p1 =	slt.s32 s6, $0x1  }
.Ltmp23:
0x303: {  	_ = 	snop;
	(pc) =	sbr.rel @p1 .LBB2_30-.Ltmp23, $1  }
0x304: {  	_ =	sdelay $0x3  }
0x305: {  	s13 =	simm.s32 $0x3658;
	p1 =	por $0x0, $0x0  }
0x306: {  	v1 =	vld.msk @!p1 [tilespmem:s13+$0x0], $0x1;
	_ =	sdelay $0x4  }
0x307: {  	(v2sf) =	vpush @!p1 v1, $0x0;
	_ =	sdelay $0xd  }
0x308: {  	p3 =	sne.s32 s6, $0x1  }
.Ltmp24:
0x309: {  	s0 =	spop @!p1 (v2sf);
	(pc) =	sbr.rel @!p3 .LBB2_29-.Ltmp24, $4  }
0x30a: {  	p2 =	seq.s32 @!p1 s12, s0  }
0x30b: {  	s14 =	simm.s32 $0x0;
	p2 =	por !p2, p1  }
0x30c: {  	s0 =	simm.s32 $0xFFFFFFFF;
	s14 =	simm.s32 @p2 $0xFFFFFFFF  }
0x30d: {  	s15 =	simm.s32 $0x1;
	s14 =	smov.u32 @p1 s0  }
.LBB2_28:
0x30e: {  	s0 =	smov.u32 s14;
	p1 =	sne.s32 s14, $0xFFFFFFFF  }
0x30f: {  	s13 =	sadd.s32 $0x1, s13;
	s14 =	smov.u32 s15;
	s15 =	sadd.s32 $0x1, s15  }
0x310: {  	p2 =	sne.s32 s6, s15;
	v1 =	vld.msk @!p1 [tilespmem:s13+$0x0], $0x1;
	_ =	sdelay $0x4  }
0x311: {  	(v2sf) =	vpush @!p1 v1, $0x0;
	_ =	sdelay $0xe  }
.Ltmp25:
0x312: {  	s2 =	spop @!p1 (v2sf);
	(pc) =	sbr.rel @p2 .LBB2_28-.Ltmp25, $4  }
0x313: {  	p3 =	seq.s32 @!p1 s12, s2  }
0x314: {  	p3 =	por !p3, p1  }
0x315: {  	s14 =	simm.s32 @p3 $0xFFFFFFFF  }
0x316: {  	s14 =	smov.u32 @p1 s0  }
.LBB2_29:
0x317: {  	p1 =	sne.s32 s14, $0xFFFFFFFF  }
.Ltmp26:
0x318: {  	_ = 	snop;
	(pc) =	sbr.rel @!p1 .LBB2_30-.Ltmp26, $1  }
0x319: {  	_ =	sdelay $0x3  }
0x31a: {  	s0 =	sshll.u32 s11, $0x4  }
0x31b: {  	s0 =	sand.u32 $0x3FFFFFF0, s0  }
0x31c: {  	v0 =	vld [tilespmem:s0+$0x3678]  }
.Ltmp27:
0x31d: {  	_ = 	snop;
	(pc) =	sbr.rel .LBB2_32-.Ltmp27, $4  }
0x31e: {  	_ = 	snop  }
0x31f: {  	s31 =	sshll.u32 s14, $0x6  }
0x320: {  	s0 =	sshra.s32 s31, $0x2  }
0x321: {  	[tilespmem:s0+$0x3678] =	vst.add.f32.msk $0xffff, v0  }
.LBB2_33:
0x322: {  	s0 =	simm.s32 $0x6;
	p1 =	seq.s32 s6, $0x0  }
0x323: {  	[sflag:s0] =	ssyncpa.u1 $0x1;
	v0 =	vimm.s32 @p1 $0xFFFFFFFF  }
0x324: {  	s9 =	sadd.s32 $0xFFFFFFFF, s6;
	[tilespmem:$0x3878] =	vst @p1 v0  }
0x325: {  	v0 =	vld.msk @!p1 [tilespmem:s9+$0x3658], $0x1;
	_ =	sdelay $0x1  }
0x326: {  	v1 =	vld.msk @!p1 [tilespmem:$0x3658], $0x1;
	_ =	sdelay $0x2  }
0x327: {  	p2 =	seq.s32 @!p1 s9, $0x0;
	v0 =	vbroadcast @!p1 v0, $0x0  }
0x328: {  	vm0 =	vmmov @!p1 $0x1;
	p2 =	por !p2, p1  }
0x329: {  	v1 =	vnsel @!p1 vm0, $0xFFFFFFFF, v1;
	vm0 =	vcmask @!p1 $0x308;
	v0 =	vpsel !p2, $0xFFFFFFFF, v0  }
0x32a: {  	p2 =	sne.s32 @!p1 s8, s7;
	v0 =	vsel @!p1 vm0, v1, v0  }
0x32b: {  	s0 =	simm.s32 @!p1 $0x3678;
	s2 =	simm.s32 @!p1 $0x0;
	p3 =	por !p2, p1;
	[tilespmem:$0x3878] =	vst @!p1 v0  }
0x32c: {  	[spmem:s2] =	stream.linear.scatter @!p1 [tilespmem:s0], [sflag:$0x1], $0x10, $0x38;
	[tilespmem:$0x1F0F8] =	vst v63  }
0x32d: {  	s0 =	sshll.u32 @!p3 s9, $0x6  }
0x32e: {  	s0 =	sshra.s32 @!p3 s0, $0x2  }
0x32f: {  	s2 =	simm.s32 @!p3 $0x10;
	s0 =	sadd.s32 @!p3 $0x3678, s0  }
0x330: {  	[spmem:s2] =	stream.linear.scatter @!p3 [tilespmem:s0], [sflag:$0x1], $0x10, $0x38;
	[tilespmem:$0x1F0F8] =	vst v63  }
0x331: {  	s0 =	simm.s32 @!p3 $0x1  }
0x332: {  	_ =	swait.ge @!p3 [sflag:s0], $0x20  }
0x333: {  	p1 =	por p2, p1;
	[sflag:s0] =	ssyncset.done @!p3 $0x0  }
0x334: {  	[sflag:s0] =	ssyncadd.s32 @!p3 $0xFFFFFFE0;
	s0 =	simm.s32 @!p1 $0x1  }
0x335: {  	_ =	swait.ge @!p1 [sflag:s0], $0x10  }
0x336: {  	s29 =	simm.s32 $0x3878;
	[sflag:s0] =	ssyncset.done @!p1 $0x0  }
0x337: {  	s30 =	simm.s32 $0x200;
	s31 =	simm.s32 $0x1;
	[sflag:s0] =	ssyncadd.s32 @!p1 $0xFFFFFFF0  }
0x338: {  	[spmem:s30] =	stream.linear.scatter [tilespmem:s29], [sflag:$0x1], $0x10, $0x38;
	[tilespmem:$0x1F0F8] =	vst v63  }
0x339: {  	_ =	swait.ge [sflag:s31], $0x10  }
0x33a: {  	[sflag:s31] =	ssyncset.done $0x0  }
0x33b: {  	p1 =	seq.s32 s17, $0x0;
	s8 =	rddreg [dreg:$0x2];
	[sflag:s31] =	ssyncadd.s32 $0xFFFFFFF0  }
0x33c: {  	s2 =	sshll.u32 @p1 s8, $0xE;
	s7 =	rddreg [dreg:$0x3]  }
0x33d: {  	s0 =	sadd.s32 @p1 $0x15C3C, s2;
	s2 =	sshll.u32 @p1 s7, $0x11  }
0x33e: {  	_ =	sfence.stream.spmem;
	s0 =	sor.u32 @p1 s2, s0  }
0x33f: {  	[sflag:s0] =	ssyncadd.remote.s32 @p1 $0x1;
	s0 =	simm.s32 @p1 $0x4  }
0x340: {  	s3 =	simm.s32 @!p1 $0x3C;
	s2 =	sand.u32 $0xFFFFFFFE, s8;
	_ =	swait.ge @p1 [sflag:s0], $0x6  }
0x341: {  	s4 =	simm.s32 @!p1 $0x0;
	s2 =	sadd.s32 @!p1 $0x4, s2;
	[sflag:s0] =	ssyncset.done @p1 $0x0  }
0x342: {  	s5 =	simm.s32 @!p1 $0x20;
	[sflag:s0] =	ssyncadd.s32 @p1 $0xFFFFFFFA;
	s0 =	sshll.u32 @!p1 s2, $0x1A  }
0x343: {  	s2 =	sshll.u32 @!p1 s2, $0xD;
	s0 =	sor.u32 @!p1 s0, s7;
	_ =	swait.eq @!p1 [sflag:s3], $0x1  }
0x344: {  	s2 =	sor.u32 @!p1 $0x1C04, s2;
	s3 =	simm.s32 @!p1 $0x1C03;
	s0 =	sor.u32 @!p1 $0x80004000, s0  }
0x345: {  	[spmem:s5], [sflag:s2] =	dma.general @!p1 [spmem:s4], [sflag:s3], length:$0x4, [dreg:$0x0], stride_count:$0x0, ici_dest:s0, dma_misc:DstOpCode:WRITE  }
0x346: {  	p2 =	slt.s32 s9, $0x2;
	s4 =	simm.s32 @!p1 $0x40;
	s5 =	simm.s32 @!p1 $0x42  }
0x347: {  	[spmem:s5], [sflag:s2] =	dma.general @!p1 [spmem:s4], [sflag:s3], length:$0x2, [dreg:$0x0], stride_count:$0x0, ici_dest:s0, dma_misc:DstOpCode:WRITE  }
.Ltmp28:
0x348: {  	s0 =	simm.s32 @!p1 $0x3;
	(pc) =	sbr.rel @p2 .LBB2_37-.Ltmp28, $4  }
0x349: {  	s2 =	sshll.u32 @!p1 s8, $0xE;
	_ =	swait.ge @!p1 [sflag:s0], $0x6  }
0x34a: {  	s3 =	sshll.u32 @!p1 s7, $0x11;
	s2 =	sadd.s32 @!p1 $0x11C3C, s2;
	[sflag:s0] =	ssyncset.done @!p1 $0x0  }
0x34b: {  	[sflag:s0] =	ssyncadd.s32 @!p1 $0xFFFFFFFA;
	s0 =	sor.u32 @!p1 s3, s2  }
0x34c: {  	[sflag:s0] =	ssyncadd.remote.s32 @!p1 $0xFFFFFFFF;
	s0 =	simm.s32 $0x0  }
0x34d: {  	s0 =	simm.s32 $0x3659  }
0x34e: {  	v0 =	vld.msk [tilespmem:s0+$0x0], $0x1;
	_ =	sdelay $0x4  }
0x34f: {  	(v2sf) =	vpush v0, $0x0;
	_ =	sdelay $0xd  }
0x350: {  	s3 =	sadd.s32 $0xFFFFFFFE, s6  }
0x351: {  	s3 =	sadd.s32 $0xFFFFFFFF, s3;
	s0 =	spop (v2sf)  }
0x352: {  	p2 =	sne.s32 s3, $0x0;
	p1 =	sgt.u32 s0, $0x270FF  }
.Ltmp29:
0x353: {  	s4 =	sand.u32 @!p1 $0x3FFF8, s0;
	(pc) =	sbr.rel @!p2 .LBB2_36-.Ltmp29, $4  }
0x354: {  	s2 =	simm.s32 $0x3688;
	s0 =	sand.u32 @!p1 $0x7, s0;
	s4 =	sadd.s32 @!p1 s1, s4  }
0x355: {  	[hbm4b:s4+s0] =	stream.linear.scatter @!p1 [tilespmem:s2], [sflag:$0x5], $0x8, $0x38;
	[tilespmem:$0x1F0F8] =	vst v63  }
0x356: {  	s0 =	simm.s32 $0x0  }
0x357: {  	s6 =	simm.s32 $0x0;
	s7 =	simm.s32 $0x365A;
	s0 =	simm.s32 @!p1 $0x20  }
.LBB2_35:
0x358: {  	v0 =	vld.msk [tilespmem:s7+$0x0], $0x1;
	s3 =	sadd.s32 $0xFFFFFFFF, s3;
	s6 =	sadd.s32 s6, s0  }
0x359: {  	p1 =	sne.s32 s3, $0x0;
	_ =	sdelay $0x3  }
0x35a: {  	(v2sf) =	vpush v0, $0x0;
	_ =	sdelay $0xe  }
.Ltmp30:
0x35b: {  	s4 =	spop (v2sf);
	(pc) =	sbr.rel @p1 .LBB2_35-.Ltmp30, $4  }
0x35c: {  	s0 =	simm.s32 $0x0;
	p2 =	sgt.u32 s4, $0x270FF  }
0x35d: {  	s2 =	sadd.s32 $0x10, s2;
	s0 =	simm.s32 @!p2 $0x20;
	s5 =	sand.u32 @!p2 $0x3FFF8, s4  }
0x35e: {  	s7 =	sadd.s32 $0x1, s7;
	s4 =	sand.u32 @!p2 $0x7, s4;
	s5 =	sadd.s32 @!p2 s1, s5  }
0x35f: {  	[hbm4b:s5+s4] =	stream.linear.scatter @!p2 [tilespmem:s2], [sflag:$0x5], $0x8, $0x38;
	[tilespmem:$0x1F0F8] =	vst v63  }
.LBB2_36:
0x360: {  	s0 =	sadd.s32 s6, s0  }
0x361: {  	s0 =	sshrl.u32 s0, $0x2  }
.LBB2_37:
0x362: {  	s2 =	simm.s32 $0x5  }
0x363: {  	_ =	swait.ge [sflag:s2], s0  }
0x364: {  	s31 =	ssub.s32 $0x0, s0;
	[sflag:s2] =	ssyncset.done $0x0  }
0x365: {  	[sflag:s2] =	ssyncadd.s32 s31  }
0x366: {  	[sflag:s2] =	ssyncpa.u1 $0x1  }
.LBB2_38:
0x367: {  	s0 =	sor.u32 s17, s16  }
0x368: {  	p1 =	sne.s32 s0, $0x0  }
.Ltmp31:
0x369: {  	_ = 	snop;
	(pc) =	sbr.rel @p1 .LBB2_53-.Ltmp31, $3  }
0x36a: {  	_ =	sdelay $0x1  }
0x36b: {  	[bflag:$0x0] =	sbarrier.arrive $0xFFFF  }
0x36c: {  	_ =	sfence  }
0x36d: {  	s0 =	simm.s32 $0x7  }
0x36e: {  	s2 =	simm.s32 $0x200;
	s3 =	simm.s32 $0x3658;
	[sflag:s0] =	ssyncpa.u1 $0x0  }
0x36f: {  	[tilespmem:s3], [sflag:$0x7] =	stream.linear.gather [spmem:s2], $0x20, $0x38;
	[tilespmem:$0x1F0F8] =	vst v63  }
0x370: {  	s30 =	simm.s32 $0x3678;
	s2 =	simm.s32 $0x0  }
0x371: {  	[tilespmem:s30], [sflag:$0x7] =	stream.linear.gather [spmem:s2], $0x200, $0x38;
	[tilespmem:$0x1F0F8] =	vst v63  }
.Ltmp32:
0x372: {  	_ = 	snop;
	(pc) =	sbr.rel .LBB2_40-.Ltmp32, $4  }
0x373: {  	_ =	swait.ge [sflag:s0], $0x220  }
0x374: {  	[sflag:s0] =	ssyncset.done $0x0  }
0x375: {  	s31 =	simm.s32 $0x8;
	[sflag:s0] =	ssyncadd.s32 $0xFFFFFDE0  }
0x376: {  	s3 =	simm.s32 $0x0;
	[sflag:s31] =	ssyncpa.u1 $0x0  }
.LBB2_45:
0x377: {  	p1 =	slt.u32 s4, $0x27100  }
0x378: {  	s0 =	sand.u32 @p1 $0x3FFF8, s4  }
0x379: {  	s4 =	sand.u32 @p1 $0x7, s4;
	s5 =	simm.s32 @p1 $0x3638;
	s0 =	sadd.s32 @p1 s1, s0  }
0x37a: {  	[tilespmem:s5], [sflag:$0x8] =	stream.linear.gather @p1 [hbm4b:s0+s4], $0x8, $0x38;
	[tilespmem:$0x1F0F8] =	vst v63  }
0x37b: {  	s0 =	simm.s32 @p1 $0x8  }
0x37c: {  	_ =	swait.ge @p1 [sflag:s0], $0x8  }
0x37d: {  	[sflag:s0] =	ssyncset.done @p1 $0x0  }
0x37e: {  	[sflag:s0] =	ssyncadd.s32 @p1 $0xFFFFFFF8  }
0x37f: {  	v1 =	vld @p1 [tilespmem:$0x3638];
	_ =	sdelay $0x2  }
0x380: {  	s0 =	sshll.u32 @p1 s3, $0x6  }
0x381: {  	s5 =	sshll.u32 @!p1 s3, $0x6;
	s4 =	sshrl.u32 @p1 s0, $0x2  }
0x382: {  	s5 =	smov.u32 @p1 s0;
	[tilespmem:s4+$0x3678] =	vst.add.f32.msk @p1 $0xffff, v1  }
0x383: {  	s0 =	sshrl.u32 s5, $0x2;
	[tilespmem:s2+$0x3658] =	vst.msk $0x1, v0  }
0x384: {  	v0 =	vld [tilespmem:s0+$0x3678];
	_ =	sdelay $0x2  }
0x385: {  	s31 =	sshll.u32 s2, $0x6  }
0x386: {  	s0 =	sshra.s32 s31, $0x2  }
0x387: {  	s2 =	sadd.s32 $0x1, s2;
	[tilespmem:s0+$0x3678] =	vst v0  }
.LBB2_47:
0x388: {  	s3 =	sadd.s32 $0x1, s3  }
0x389: {  	p1 =	sne.s32 s3, $0x20  }
.Ltmp33:
0x38a: {  	_ = 	snop;
	(pc) =	sbr.rel @!p1 .LBB2_48-.Ltmp33, $1  }
0x38b: {  	_ =	sdelay $0x3  }
.LBB2_40:
0x38c: {  	v0 =	vld.msk [tilespmem:s3+$0x3658], $0x1;
	_ =	sdelay $0x4  }
0x38d: {  	(v2sf) =	vpush v0, $0x0;
	_ =	sdelay $0xe  }
0x38e: {  	s4 =	spop (v2sf)  }
0x38f: {  	p1 =	seq.s32 s4, $0xFFFFFFFF  }
.Ltmp34:
0x390: {  	_ = 	snop;
	(pc) =	sbr.rel @p1 .LBB2_47-.Ltmp34, $1  }
0x391: {  	_ =	sdelay $0x3  }
0x392: {  	p1 =	slt.s32 s2, $0x1  }
.Ltmp35:
0x393: {  	_ = 	snop;
	(pc) =	sbr.rel @p1 .LBB2_45-.Ltmp35, $1  }
0x394: {  	_ =	sdelay $0x3  }
0x395: {  	s5 =	simm.s32 $0x3658;
	p1 =	por $0x0, $0x0  }
0x396: {  	v1 =	vld.msk @!p1 [tilespmem:s5+$0x0], $0x1;
	_ =	sdelay $0x4  }
0x397: {  	(v2sf) =	vpush @!p1 v1, $0x0;
	_ =	sdelay $0xd  }
0x398: {  	p3 =	sne.s32 s2, $0x1  }
.Ltmp36:
0x399: {  	s0 =	spop @!p1 (v2sf);
	(pc) =	sbr.rel @!p3 .LBB2_44-.Ltmp36, $4  }
0x39a: {  	p2 =	seq.s32 @!p1 s4, s0  }
0x39b: {  	s6 =	simm.s32 $0x0;
	p2 =	por !p2, p1  }
0x39c: {  	s0 =	simm.s32 $0xFFFFFFFF;
	s6 =	simm.s32 @p2 $0xFFFFFFFF  }
0x39d: {  	s7 =	simm.s32 $0x1;
	s6 =	smov.u32 @p1 s0  }
.LBB2_43:
0x39e: {  	s0 =	smov.u32 s6;
	p1 =	sne.s32 s6, $0xFFFFFFFF  }
0x39f: {  	s5 =	sadd.s32 $0x1, s5;
	s6 =	smov.u32 s7;
	s7 =	sadd.s32 $0x1, s7  }
0x3a0: {  	p2 =	sne.s32 s2, s7;
	v1 =	vld.msk @!p1 [tilespmem:s5+$0x0], $0x1;
	_ =	sdelay $0x4  }
0x3a1: {  	(v2sf) =	vpush @!p1 v1, $0x0;
	_ =	sdelay $0xe  }
.Ltmp37:
0x3a2: {  	s8 =	spop @!p1 (v2sf);
	(pc) =	sbr.rel @p2 .LBB2_43-.Ltmp37, $4  }
0x3a3: {  	p3 =	seq.s32 @!p1 s4, s8  }
0x3a4: {  	p3 =	por !p3, p1  }
0x3a5: {  	s6 =	simm.s32 @p3 $0xFFFFFFFF  }
0x3a6: {  	s6 =	smov.u32 @p1 s0  }
.LBB2_44:
0x3a7: {  	p1 =	sne.s32 s6, $0xFFFFFFFF  }
.Ltmp38:
0x3a8: {  	_ = 	snop;
	(pc) =	sbr.rel @!p1 .LBB2_45-.Ltmp38, $1  }
0x3a9: {  	_ =	sdelay $0x3  }
0x3aa: {  	s0 =	sshll.u32 s3, $0x4  }
0x3ab: {  	s0 =	sand.u32 $0x3FFFFFF0, s0  }
0x3ac: {  	v0 =	vld [tilespmem:s0+$0x3678]  }
.Ltmp39:
0x3ad: {  	_ = 	snop;
	(pc) =	sbr.rel .LBB2_47-.Ltmp39, $4  }
0x3ae: {  	_ = 	snop  }
0x3af: {  	s31 =	sshll.u32 s6, $0x6  }
0x3b0: {  	s0 =	sshra.s32 s31, $0x2  }
0x3b1: {  	[tilespmem:s0+$0x3678] =	vst.add.f32.msk $0xffff, v0  }
.LBB2_48:
0x3b2: {  	p1 =	slt.s32 s2, $0x1  }
.Ltmp40:
0x3b3: {  	_ = 	snop;
	(pc) =	sbr.rel @p1 .LBB2_52-.Ltmp40, $3  }
0x3b4: {  	_ =	sdelay $0x1  }
0x3b5: {  	s0 =	simm.s32 $0x8  }
0x3b6: {  	s3 =	simm.s32 $0x0;
	[sflag:s0] =	ssyncpa.u1 $0x1  }
0x3b7: {  	s0 =	simm.s32 $0x3658  }
0x3b8: {  	v0 =	vld.msk [tilespmem:s0+$0x0], $0x1;
	_ =	sdelay $0x4  }
0x3b9: {  	(v2sf) =	vpush v0, $0x0;
	_ =	sdelay $0xe  }
0x3ba: {  	s2 =	sadd.s32 $0xFFFFFFFF, s2;
	s0 =	spop (v2sf)  }
0x3bb: {  	p2 =	sne.s32 s2, $0x0;
	p1 =	sgt.u32 s0, $0x270FF  }
.Ltmp41:
0x3bc: {  	s5 =	sand.u32 @!p1 $0x3FFF8, s0;
	(pc) =	sbr.rel @!p2 .LBB2_51-.Ltmp41, $4  }
0x3bd: {  	s4 =	simm.s32 $0x3678;
	s0 =	sand.u32 @!p1 $0x7, s0;
	s5 =	sadd.s32 @!p1 s1, s5  }
0x3be: {  	[hbm4b:s5+s0] =	stream.linear.scatter @!p1 [tilespmem:s4], [sflag:$0x7], $0x8, $0x38;
	[tilespmem:$0x1F0F8] =	vst v63  }
0x3bf: {  	s0 =	simm.s32 $0x0  }
0x3c0: {  	s5 =	simm.s32 $0x3659;
	s0 =	simm.s32 @!p1 $0x20  }
.LBB2_50:
0x3c1: {  	v0 =	vld.msk [tilespmem:s5+$0x0], $0x1;
	s2 =	sadd.s32 $0xFFFFFFFF, s2;
	s3 =	sadd.s32 s3, s0  }
0x3c2: {  	p1 =	sne.s32 s2, $0x0;
	_ =	sdelay $0x3  }
0x3c3: {  	(v2sf) =	vpush v0, $0x0;
	_ =	sdelay $0xe  }
.Ltmp42:
0x3c4: {  	s6 =	spop (v2sf);
	(pc) =	sbr.rel @p1 .LBB2_50-.Ltmp42, $4  }
0x3c5: {  	s0 =	simm.s32 $0x0;
	p2 =	sgt.u32 s6, $0x270FF  }
0x3c6: {  	s4 =	sadd.s32 $0x10, s4;
	s0 =	simm.s32 @!p2 $0x20;
	s7 =	sand.u32 @!p2 $0x3FFF8, s6  }
0x3c7: {  	s5 =	sadd.s32 $0x1, s5;
	s6 =	sand.u32 @!p2 $0x7, s6;
	s7 =	sadd.s32 @!p2 s1, s7  }
0x3c8: {  	[hbm4b:s7+s6] =	stream.linear.scatter @!p2 [tilespmem:s4], [sflag:$0x7], $0x8, $0x38;
	[tilespmem:$0x1F0F8] =	vst v63  }
.LBB2_51:
0x3c9: {  	s0 =	sadd.s32 s3, s0  }
0x3ca: {  	s3 =	sshrl.u32 s0, $0x2  }
.LBB2_52:
0x3cb: {  	s0 =	simm.s32 $0x7  }
0x3cc: {  	_ =	swait.ge [sflag:s0], s3  }
0x3cd: {  	s1 =	ssub.s32 $0x0, s3;
	[sflag:s0] =	ssyncset.done $0x0  }
0x3ce: {  	[sflag:s0] =	ssyncadd.s32 s1  }
0x3cf: {  	[sflag:s0] =	ssyncpa.u1 $0x1  }
.LBB2_53:
0x3d0: {  	_ =	sfence;
	s0 =	simm.s32 $0x1  }
0x3d1: {  	[sflag:s0] =	ssyncpa.u1 $0x1  }
0x3d2: {  	_ =	strace $0x9000004A  }
0x3d3: {  	[bflag:$0x2] =	sbarrier.arrive $0xFFFF  }
0x3d4: {  	s0 =	rddreg [dreg:$0x4]  }
0x3d5: {  	s0 =	sadd.s32 @!p0 $0x100000, s0  }
0x3d6: {  	[sflag:s0] =	ssyncadd.tile.s32 @!p0 $0x1;
	_ =	shalt  }
.Lfunc_end2:
_tile_overlayer_lowered:
.L_overlay_start_2:
0x3d7: {  	(tag) =	ssettag $0x2  }
0x3d8: {  	s0 =	rddreg [dreg:$0x0];
	s2 =	stileid.u32  }
0x3d9: {  	s1 =	rddreg [dreg:$0x1];
	p0 =	sne.s32 s2, $0x0  }
0x3da: {  	s3 =	rddreg [dreg:$0x2];
	[bflag:$0x3] =	sbarrier.arrive $0xFFFF;
	s2 =	simm.s32 @!p0 $0x1C01  }
0x3db: {  	[timem:s3], [sflag:s2] =	dma.local @!p0 [hbm:s0], s1  }
0x3dc: {  	s0 =	simm.s32 @!p0 $0x1  }
0x3dd: {  	_ =	swait.ge @!p0 [sflag:s0], s1  }
0x3de: {  	s1 =	ssub.s32 @!p0 $0x0, s1;
	[sflag:s0] =	ssyncset.done @!p0 $0x0  }
0x3df: {  	[sflag:s0] =	ssyncadd.s32 @!p0 s1  }
0x3e0: {  	[bflag:$0x3] =	sbarrier.arrive $0xFFFF  }
0x3e1: {  	_ =	shalt  }

// kernel: sparse-core-data-format-call.cloned.1.call-start
scs
called_computation.2_lowered:
.L_overlay_start_0:
0x0: {  	s1 =	sld [smem:$0x3FD9]  }
0x1: {  	s2 =	sld [smem:$0x3FFE];
	_ =	sdelay $0x1  }
0x2: {  	s3 =	srdreg.scid  }
0x3: {  	s0 =	sand.u32 $0x1, s3  }
0x4: {  	s17 =	sshll.u32 s0, $0xA;
	s1 =	sadd.s32 s2, s1  }
0x5: {  	s1 =	sadd.s32 s1, s17  }
0x6: {  	[smem:$0x3FBD] =	sst s1  }
0x7: {  	_ = 	snop  }
0x8: {  	(tm) =	ssettm $0x1  }
0x9: {  	s18 =	sld [smem:$0x3FFB];
	_ =	sdelay $0x3  }
0xa: {  	_ =	strace s18  }
0xb: {  	s1 =	sld [smem:$0x3FFC];
	_ =	sdelay $0x3  }
0xc: {  	_ =	strace s1  }
0xd: {  	s1 =	sld [smem:$0x3FFD];
	_ =	sdelay $0x3  }
0xe: {  	_ =	strace s1  }
0xf: {  	_ =	strace $0x8FFFFFFF  }
0x10: {  	s19 =	sld [smem:$0x3FDB];
	_ =	sdelay $0x1  }
0x11: {  	s20 =	simm.s32 $_scs_section_size  }
0x12: {  	s4 =	simm.s32 $_size__tile_overlayer_lowered;
	s5 =	simm.s32 $_tile_overlayer_lowered  }
0x13: {  	s23 =	simm.s32 $0x1BFF;
	s22 =	sshll.u32 s5, $0x1;
	s1 =	sadd.s32 s20, s19  }
0x14: {  	s6 =	simm.s32 $0x0;
	s21 =	sshll.u32 s4, $0x1;
	s4 =	sadd.s32 s22, s1  }
0x15: {  	[timem:s6], [sflag:s23] =	dma.local [hbm:s4], s21  }
0x16: {  	_ =	swait.ge [sflag:s23], s21  }
0x17: {  	s2 =	ssub.s32 $0x0, s21;
	[sflag:s23] =	ssyncset.done $0x0  }
0x18: {  	[sflag:s23] =	ssyncadd.s32 s2;
	_ =	sdelay $0x1  }
0x19: {  	s24 =	simm.s32 $0x1B8B  }
0x1a: {  	_ =	swait.ge [sflag:s24], $0x1  }
0x1b: {  	[sflag:s24] =	ssyncset.done $0x0  }
0x1c: {  	s26 =	simm.s32 $0x1B8E;
	s25 =	sld [smem:$0x3FFE];
	[sflag:s24] =	ssyncadd.s32 $0xFFFFFFFF  }
0x1d: {  	s27 =	simm.s32 $execute0_lowered;
	[smem:$0x3FD2] =	sst s26  }
0x1e: {  	s4 =	sshll.u32 s27, $0x1;
	_ =	strace $0x8000004C;
	[dreg:$0x1] =	wrdreg $0xFFFFFFFF  }
0x1f: {  	s28 =	simm.s32 $_size_execute0_lowered;
	s1 =	sadd.s32 s1, s4;
	[dreg:$0x0] =	wrdreg $0x0  }
0x20: {  	s4 =	sshll.u32 s28, $0x1;
	[dreg:$0x2] =	wrdreg s1  }
0x21: {  	[dreg:$0x3] =	wrdreg s4  }
0x22: {  	[dreg:$0x4] =	wrdreg $0xC0  }
0x23: {  	_ =	task [dreg:s6], $0x5FFFF  }
0x24: {  	[dreg:$0x1] =	wrdreg $0xFFFFFFFF  }
0x25: {  	[dreg:$0x0] =	wrdreg $0x60  }
0x26: {  	[dreg:$0x2] =	wrdreg s25  }
0x27: {  	[dreg:$0x3] =	wrdreg $0x9  }
0x28: {  	_ =	task.clear_ibuf [dreg:s6], $0x4FFFF;
	_ =	strace $0x9000004C  }
0x29: {  	s29 =	simm.s32 $0x9;
	_ =	strace $0x8000004E  }
0x2a: {  	_ =	swait.ge [sflag:s29], $0x1  }
0x2b: {  	[sflag:s29] =	ssyncadd.s32 $0xFFFFFFFF  }
0x2c: {  	_ =	strace $0x9000004E  }
0x2d: {  	_ =	sfence  }
0x2e: {  	s30 =	sld [smem:$0x0];
	_ =	sdelay $0x2  }
0x2f: {  	s31 =	sshll.u32 s3, $0xD;
	s3 =	sshrl.u32 s3, $0x2  }
0x30: {  	s2 =	sand.u32 $0x4000, s31;
	s1 =	sadd.s32 s3, s30  }
0x31: {  	s0 =	sor.u32 s2, s0;
	s1 =	sshll.u32 s1, $0x11  }
0x32: {  	s0 =	sor.u32 s1, s0  }
0x33: {  	s0 =	sadd.s32 $0x8F2B, s0  }
0x34: {  	[sflag:s0] =	ssyncadd.remote.s32 $0x1  }
0x35: {  	_ =	sfence.sel $0xFFFF  }
0x36: {  	[dreg:$0x0] =	wrdreg $0xFFFFFFFF;
	(pc) =	sbr.abs _section_cstart, $3  }
0x37: {  	[dreg:$0x1] =	wrdreg $0xFFFFFFFF  }
0x38: {  	_ =	task.clear_ibuf [dreg:s6], $0x2FFFF;
	_ =	strace $0x9FFFFFFF  }
0x39: {  	(tm) =	ssettm $0x7FFFFFFF  }
tec
execute0_lowered:
.L_overlay_start_1:
0x0: {  	(tag) =	ssettag $0x1  }
0x1: {  	s0 =	stileid.u32  }
0x2: {  	s1 =	srdreg.scid;
	s7 =	rddreg [dreg:$0x0]  }
0x3: {  	s31 =	simm.s32 $0x2;
	s14 =	simm.s32 $0x0;
	s13 =	simm.s32 $0x0  }
0x4: {  	s2 =	sshll.u32 s0, $0x6;
	s1 =	sshll.u32 s1, $0xA;
	s3 =	sshll.u32 s0, $0x7  }
0x5: {  	s12 =	simm.s32 $0x0;
	s1 =	sor.u32 s2, s1;
	s2 =	sand.u32 $0x80, s3  }
0x6: {  	s3 =	sand.u32 $0x780, s1;
	s1 =	rddreg [dreg:$0x1];
	s4 =	ssub.s32 $0x100, s2  }
0x7: {  	_ =	strace $0x8000004D;
	s11 =	smov.u32 s2;
	s5 =	ssub.s32 $0x27100, s3  }
0x8: {  	s6 =	sshrl.u32 s4, $0x8;
	s4 =	sshrl.u32 s4, $0x7;
	s8 =	sand.u32 $0x780, s5  }
0x9: {  	s9 =	sand.u32 $0x1, s4;
	p0 =	sne.s32 s8, $0x0;
	s8 =	simm.s32 $0x1  }
.Ltmp0:
0xa: {  	s5 =	sshrl.u32 s5, $0xB;
	s8 =	simm.s32 @!p0 $0x0;
	(pc) =	sbr.rel .LBB1_1-.Ltmp0, $4  }
0xb: {  	s4 =	simm.s32 $0x1;
	s6 =	sadd.s32 s6, s9;
	s5 =	sadd.s32 s8, s5  }
0xc: {  	s10 =	smov.u32 s3;
	[sflag:s4] =	ssyncpa.u1 $0x0;
	s5 =	smul.u32 s6, s5  }
0xd: {  	s9 =	simm.s32 $0x800;
	[sflag:s31] =	ssyncpa.u1 $0x0;
	p0 =	por $0x0, $0x0  }
0xe: {  	s6 =	sadd.s32 $0x544200, s7;
	s7 =	sadd.s32 $0xA26200, s7;
	s8 =	sadd.s32 $0x1, s5  }
.LBB1_4:
0xf: {  	s20 =	sshll.u32 s14, $0x8;
	s21 =	sshll.u32 s13, $0x3  }
0x10: {  	v5 =	vld [tilespmem:s18+$0xFFFFFFD0];
	[tilespmem:s17+$0x2040 ss:$0x81] =	vst.msk $0xffff, v4;
	s25 =	sshll.u32 s14, $0x7;
	s20 =	sand.u32 $0xFFFFF800, s20;
	s21 =	sand.u32 $0xFFFFFC00, s21  }
0x11: {  	v58 =	vld [tilespmem:s18+$0xFFFFFFE0];
	[tilespmem:s17+$0x2850 ss:$0x81] =	vst.msk $0xffff, v3;
	s26 =	sand.u32 $0x300, s25;
	s20 =	sadd.s32 s21, s20  }
0x12: {  	s19 =	sshra.s32 s19, $0x2;
	v59 =	vld [tilespmem:s18+$0xFFFFFFF0];
	[tilespmem:s17+$0x3060 ss:$0x81] =	vst.msk $0xffff, v2;
	s20 =	sor.u32 s26, s20  }
0x13: {  	v60 =	vld [tilespmem:s18+$0x0];
	[tilespmem:s17+$0x0 ss:$0x81] =	vst.msk $0xffff, v0;
	s16 =	sadd.s32 s19, s16;
	s27 =	sshrl.u32 s20, $0x8  }
0x14: {  	v61 =	vld [tilespmem:s18+$0x10];
	[tilespmem:s16+$0x3870 ss:$0x81] =	vst.msk $0xffff, v1;
	s28 =	smulhi.u32 $0x1A36E3, s27  }
0x15: {  	v62 =	vld [tilespmem:s18+$0x20];
	[tilespmem:s16+$0x810 ss:$0x81] =	vst.msk $0xffff, v5  }
0x16: {  	v63 =	vld [tilespmem:s18+$0xFFFFFFC0];
	[tilespmem:s16+$0x1020 ss:$0x81] =	vst.msk $0xffff, v58;
	s29 =	sshrl.u32 s28, $0x6  }
0x17: {  	s30 =	sand.u32 $0x78, s13;
	s14 =	sand.u32 $0x80, s25;
	[tilespmem:s16+$0x1830 ss:$0x81] =	vst.msk $0xffff, v59;
	s18 =	smul.u32 $0x27100, s29  }
0x18: {  	s14 =	sor.u32 s30, s14;
	[tilespmem:s16+$0x2040 ss:$0x81] =	vst.msk $0xffff, v60  }
0x19: {  	s31 =	sand.u32 $0x7, s13;
	s14 =	sshrl.u32 s14, $0x3;
	[tilespmem:s16+$0x2850 ss:$0x81] =	vst.msk $0xffff, v61;
	s17 =	ssub.s32 s27, s18  }
0x1a: {  	s13 =	sshll.u32 s31, $0x12;
	s14 =	sadd.s32 s7, s14;
	[tilespmem:s16+$0x3060 ss:$0x81] =	vst.msk $0xffff, v62;
	s17 =	sshll.u32 s17, $0x5  }
0x1b: {  	s13 =	sor.u32 $0x400, s13;
	[tilespmem:s16+$0x0 ss:$0x81] =	vst.msk $0xffff, v63;
	s14 =	sadd.s32 s17, s14  }
0x1c: {  	[hbm4b:s14+s13] =	stream.strided.scatter [tilespmem:s15], [sflag:$0x2], $0x4000, s9, s13, $0x20;
	[tilespmem:$0x10100] =	vst v63  }
.LBB1_5:
0x1d: {  	s15 =	sadd.s32 $0x800, s10  }
0x1e: {  	s13 =	sadd.s32 $0x100, s11;
	s17 =	smov.u32 s11;
	p2 =	sgt.s32 s15, $0x270FF  }
0x1f: {  	s17 =	smov.u32 @p2 s13  }
0x20: {  	s15 =	smov.u32 @p2 s3;
	p2 =	sgt.s32 s17, $0xFF  }
0x21: {  	s17 =	smov.u32 @p2 s2;
	p2 =	sne.s32 s12, s8  }
.Ltmp1:
0x22: {  	p1 =	slt.u32 s12, $0x2;
	(pc) =	sbr.rel @!p2 .LBB1_6-.Ltmp1, $4  }
0x23: {  	s16 =	simm.s32 @!p1 $0x2  }
0x24: {  	s14 =	smov.u32 s10;
	p0 =	por !p0, !p0;
	_ =	swait.ge @!p1 [sflag:s16], $0x4000  }
0x25: {  	s13 =	smov.u32 s11;
	[sflag:s16] =	ssyncset.done @!p1 $0x0;
	s10 =	smov.u32 s15  }
0x26: {  	s12 =	sadd.s32 $0x1, s12;
	[sflag:s16] =	ssyncadd.s32 @!p1 $0xFFFFC000;
	s11 =	smov.u32 s17  }
.LBB1_1:
0x27: {  	p1 =	sge.u32 s12, s5  }
0x28: {  	s15 =	sshrl.u32 @!p1 s11, $0x3  }
0x29: {  	s16 =	sshll.u32 @!p1 s10, $0x3;
	s15 =	smul.u32 @!p1 $0x138800, s15  }
0x2a: {  	s17 =	sshll.u32 @!p1 s11, $0x7;
	s16 =	sand.u32 @!p1 $0xFFFFFC00, s16  }
0x2b: {  	s15 =	sadd.s32 @!p1 s15, s16;
	s16 =	sand.u32 @!p1 $0x380, s17  }
0x2c: {  	s17 =	sand.u32 @!p1 $0x7F, s10;
	s15 =	sor.u32 @!p1 s16, s15  }
0x2d: {  	s16 =	sor.u32 @!p1 s17, s15  }
0x2e: {  	s17 =	smulhi.u32 @!p1 $0xD1B71759, s16;
	_ =	sdelay $0x1  }
0x2f: {  	s15 =	smulhi.u32 @!p1 $0xD1B71759, s15;
	s17 =	sshrl.u32 @!p1 s17, $0x11  }
0x30: {  	s17 =	smul.u32 @!p1 $0x27100, s17  }
0x31: {  	s31 =	sadd.s32 $0xFFFFFFFF, s12;
	s18 =	sxor.u32 @!p1 $0xFFFFFFFF, s12;
	s15 =	sshrl.u32 @!p1 s15, $0x11  }
0x32: {  	s18 =	sshll.u32 @!p1 s18, $0xE;
	s15 =	sand.u32 @!p1 $0xFF, s15;
	s16 =	ssub.s32 @!p1 s16, s17  }
0x33: {  	s15 =	smul.u32 @!p1 $0x4E20, s15;
	s17 =	sshrl.u32 @!p1 s16, $0x3;
	s16 =	sand.u32 @!p1 $0x7, s16  }
0x34: {  	s18 =	sand.u32 @!p1 $0x4000, s18;
	s17 =	sadd.s32 @!p1 s6, s17;
	s16 =	sshll.u32 @!p1 s16, $0x12  }
0x35: {  	s15 =	sadd.s32 @!p1 s15, s17;
	s16 =	sor.u32 @!p1 $0x400, s16;
	s17 =	simm.s32 @!p1 $0x138800  }
0x36: {  	[tilespmem:s18], [sflag:$0x1] =	stream.strided.gather @!p1 [hbm4b:s15+s16], $0x4000, s17, s16, $0x38;
	[tilespmem:$0x10100] =	vst v63  }
0x37: {  	p1 =	sge.u32 s31, s5  }
.Ltmp2:
0x38: {  	_ = 	snop;
	(pc) =	sbr.rel @p1 .LBB1_5-.Ltmp2, $1  }
0x39: {  	_ =	sdelay $0x3  }
0x3a: {  	s15 =	simm.s32 $0x1  }
0x3b: {  	_ =	swait.ge [sflag:s4], $0x4000;
	s15 =	simm.s32 @!p0 $0x0  }
0x3c: {  	[sflag:s4] =	ssyncset.done $0x0;
	s16 =	sshll.u32 s15, $0xE  }
0x3d: {  	[sflag:s4] =	ssyncadd.s32 $0xFFFFC000;
	s18 =	sor.u32 $0x40, s16  }
0x3e: {  	s15 =	smul.u32 $0x10200, s15;
	v0 =	vld [tilespmem:s18+$0x30]  }
0x3f: {  	v1 =	vld [tilespmem:s18+$0xFFFFFFD0]  }
0x40: {  	s15 =	sshrl.u32 s15, $0x2;
	v5 =	vld [tilespmem:s18+$0xFFFFFFE0]  }
0x41: {  	v6 =	vld [tilespmem:s18+$0xFFFFFFF0];
	s16 =	sor.u32 $0x8000, s15  }
0x42: {  	s31 =	sand.u32 $0x1, s12;
	v4 =	vld [tilespmem:s18+$0x0];
	s17 =	sadd.s32 $0x0, s16  }
0x43: {  	v3 =	vld [tilespmem:s18+$0x10];
	s15 =	smul.u32 $0x10200, s31;
	[tilespmem:s17+$0x3870 ss:$0x81] =	vst.msk $0xffff, v0  }
0x44: {  	v2 =	vld [tilespmem:s18+$0x20];
	[tilespmem:s17+$0x810 ss:$0x81] =	vst.msk $0xffff, v1  }
0x45: {  	s15 =	sshrl.u32 s15, $0x2;
	v0 =	vld [tilespmem:s18+$0xFFFFFFC0];
	[tilespmem:s17+$0x1020 ss:$0x81] =	vst.msk $0xffff, v5;
	s18 =	sadd.s32 $0x80, s18  }
0x46: {  	s19 =	simm.s32 $0x4;
	s20 =	simm.s32 $0x8;
	s15 =	sor.u32 $0x8000, s15;
	[tilespmem:s17+$0x1830 ss:$0x81] =	vst.msk $0xffff, v6;
	v1 =	vld [tilespmem:s18+$0x30]  }
.LBB1_3:
0x47: {  	p1 =	sne.s32 s20, $0x1FC;
	v5 =	vld [tilespmem:s18+$0xFFFFFFD0];
	[tilespmem:s17+$0x2040 ss:$0x81] =	vst.msk $0xffff, v4  }
0x48: {  	v6 =	vld [tilespmem:s18+$0xFFFFFFE0];
	[tilespmem:s17+$0x2850 ss:$0x81] =	vst.msk $0xffff, v3  }
0x49: {  	s21 =	sshra.s32 s19, $0x2;
	s19 =	smov.u32 s20;
	v7 =	vld [tilespmem:s18+$0xFFFFFFF0];
	[tilespmem:s17+$0x3060 ss:$0x81] =	vst.msk $0xffff, v2  }
.Ltmp3:
0x4a: {  	v4 =	vld [tilespmem:s18+$0x0];
	[tilespmem:s17+$0x0 ss:$0x81] =	vst.msk $0xffff, v0;
	s17 =	sadd.s32 s21, s16;
	(pc) =	sbr.rel @p1 .LBB1_3-.Ltmp3, $4  }
0x4b: {  	v3 =	vld [tilespmem:s18+$0x10];
	[tilespmem:s17+$0x3870 ss:$0x81] =	vst.msk $0xffff, v1  }
0x4c: {  	[tilespmem:s17+$0x810 ss:$0x81] =	vst.msk $0xffff, v5;
	v2 =	vld [tilespmem:s18+$0x20]  }
0x4d: {  	v0 =	vld [tilespmem:s18+$0xFFFFFFC0];
	[tilespmem:s17+$0x1020 ss:$0x81] =	vst.msk $0xffff, v6;
	s18 =	sadd.s32 $0x80, s18  }
0x4e: {  	s20 =	sadd.s32 $0x4, s20;
	v1 =	vld [tilespmem:s18+$0x30];
	[tilespmem:s17+$0x1830 ss:$0x81] =	vst.msk $0xffff, v7  }
.Ltmp4:
0x4f: {  	_ = 	snop;
	(pc) =	sbr.rel .LBB1_4-.Ltmp4, $1  }
0x50: {  	_ =	sdelay $0x3  }
.LBB1_6:
0x51: {  	_ =	sfence.sel $0x180000  }
0x52: {  	s2 =	simm.s32 $0x1;
	[bflag:$0x0] =	sbarrier.arrive $0xFFFF  }
0x53: {  	s31 =	simm.s32 $0x2;
	[sflag:s2] =	ssyncpa.u1 $0x1  }
0x54: {  	[sflag:s31] =	ssyncpa.u1 $0x1  }
0x55: {  	p0 =	sne.s32 s0, $0x0;
	_ =	strace $0x9000004D  }
0x56: {  	s0 =	sadd.s32 @!p0 $0x100000, s1;
	[bflag:$0x2] =	sbarrier.arrive $0xFFFF  }
0x57: {  	[sflag:s0] =	ssyncadd.tile.s32 @!p0 $0x1;
	_ =	shalt  }
.Lfunc_end1:
_tile_overlayer_lowered:
.L_overlay_start_2:
0x58: {  	(tag) =	ssettag $0x2  }
0x59: {  	s0 =	rddreg [dreg:$0x0];
	s2 =	stileid.u32  }
0x5a: {  	s1 =	rddreg [dreg:$0x1];
	p0 =	sne.s32 s2, $0x0  }
0x5b: {  	s3 =	rddreg [dreg:$0x2];
	[bflag:$0x3] =	sbarrier.arrive $0xFFFF;
	s2 =	simm.s32 @!p0 $0x1C01  }
0x5c: {  	[timem:s3], [sflag:s2] =	dma.local @!p0 [hbm:s0], s1  }
0x5d: {  	s0 =	simm.s32 @!p0 $0x1  }
0x5e: {  	_ =	swait.ge @!p0 [sflag:s0], s1  }
0x5f: {  	s1 =	ssub.s32 @!p0 $0x0, s1;
	[sflag:s0] =	ssyncset.done @!p0 $0x0  }
0x60: {  	[sflag:s0] =	ssyncadd.s32 @!p0 s1  }
0x61: {  	[bflag:$0x3] =	sbarrier.arrive $0xFFFF  }
0x62: {  	_ =	shalt  }

</sc_bundles>
